<compile_context>
chip_gen: v7x
topology: tpu7x:2x2x1
jax: 0.10.2.dev20260603
libtpu: 0.0.44.dev20260713+nightly
codegen_flags: <defaults>
</compile_context>

<pallas_src>
import functools

import jax
import jax.numpy as jnp
from jax import lax
from jax.experimental import pallas as pl
from jax.experimental.pallas import tpu as pltpu
from jax.experimental.pallas import tpu_sc as plsc

N = 10000
E = 320000
D = 128
H = 4
C = 32
HC = H * C

NEG_SLOPE = 0.2
BN_EPS = 1e-5

NC = 2
NS = 16
NW = NC * NS
EPT = E // NW
EB = 2000
NB = EPT // EB
CH = 16
CPB = EB // CH
ACC_W = 144
NPS = N // NS
ZR = 125

ROWS = 1000
GRID = N // ROWS


def _leaky(v):
    return jnp.where(v >= 0, v, v * NEG_SLOPE)


def _k1_body(x_ref, w_ref, acat_ref, htab_ref, a_ref, amax_ref, macc_ref):
    i = pl.program_id(0)
    h = jnp.dot(x_ref[...], w_ref[...], preferred_element_type=jnp.float32)
    a = jnp.dot(h, acat_ref[...], preferred_element_type=jnp.float32)
    a_ref[...] = a
    htab_ref[...] = jnp.concatenate([h, a], axis=1)
    cur = jnp.max(a, axis=0, keepdims=True)

    @pl.when(i == 0)
    def _():
        macc_ref[...] = cur

    @pl.when(i > 0)
    def _():
        macc_ref[...] = jnp.maximum(macc_ref[...], cur)

    amax_ref[...] = macc_ref[...]


def _run_k1(x, w, acat):
    return pl.pallas_call(
        _k1_body,
        grid=(GRID,),
        in_specs=[
            pl.BlockSpec((ROWS, D), lambda i: (i, 0)),
            pl.BlockSpec((D, HC), lambda i: (0, 0)),
            pl.BlockSpec((HC, 16), lambda i: (0, 0)),
        ],
        out_specs=[
            pl.BlockSpec((ROWS, ACC_W), lambda i: (i, 0)),
            pl.BlockSpec((ROWS, 16), lambda i: (i, 0)),
            pl.BlockSpec((1, 16), lambda i: (0, 0)),
        ],
        out_shape=[
            jax.ShapeDtypeStruct((N, ACC_W), jnp.float32),
            jax.ShapeDtypeStruct((N, 16), jnp.float32),
            jax.ShapeDtypeStruct((1, 16), jnp.float32),
        ],
        scratch_shapes=[pltpu.VMEM((1, 16), jnp.float32)],
    )(x, w, acat)


def _sc_body(htab_hbm, src_hbm, dst_hbm, a_hbm, amax_hbm, zrow_hbm,
             out_hbm,
             src_b, dst_b, abuf, amax_v, wtab, hbuf, rowbuf,
             sidx, didx, didxc, tmprow, acc, sem_h, sem_a):
    c = lax.axis_index("c")
    s = lax.axis_index("s")
    wid = c * NS + s
    ebase = wid * EPT

    pltpu.sync_copy(amax_hbm, amax_v)

    for z in range(NPS // ZR):
        pltpu.sync_copy(zrow_hbm, acc.at[pl.ds(s * NPS + z * ZR, ZR)])

    zero16 = jnp.zeros((CH,), jnp.float32)
    for e in range(CH):
        rowbuf[e, pl.ds(HC, 16)] = zero16

    plsc.subcore_barrier()

    amax_vec = amax_v[...]
    iota = lax.iota(jnp.int32, CH)
    amh = [
        jnp.take_along_axis(amax_vec, jnp.full((CH,), h, jnp.int32), axis=0,
                            mode="promise_in_bounds")
        for h in range(H)
    ]

    def chunk(i, carry):
        srcv = src_b[pl.ds(i * CH, CH)]
        dstv = dst_b[pl.ds(i * CH, CH)]
        sidx[...] = srcv
        didx[...] = dstv
        plsc.store_scatter(didxc, [iota, jnp.full((CH,), 0, jnp.int32)], dstv)
        cp_h = pltpu.async_copy(htab_hbm.at[sidx], hbuf, sem_h)
        cp_a = pltpu.async_copy(a_hbm.at[didx], abuf, sem_a)
        cp_h.wait()
        cp_a.wait()
        ws = []
        for h in range(H):
            av = plsc.load_gather(hbuf, [iota, jnp.full((CH,), HC + h, jnp.int32)])
            bv = plsc.load_gather(abuf, [iota, jnp.full((CH,), H + h, jnp.int32)])
            al = _leaky(av + bv)
            sh = _leaky(amh[h] + bv)
            w = jnp.exp(al - sh)
            ws.append(w)
            plsc.store_scatter(rowbuf, [iota, jnp.full((CH,), HC + h, jnp.int32)], w)
        for e in range(CH):
            efull = jnp.full((CH,), e, jnp.int32)
            wsp = [jnp.take_along_axis(ws[hh], efull, axis=0,
                                       mode="promise_in_bounds")
                   for hh in range(H)]
            for j in range(HC // 16):
                hv = hbuf[e, pl.ds(j * 16, 16)]
                rowbuf[e, pl.ds(j * 16, 16)] = hv * wsp[j // 2]
        for e in range(CH):
            pltpu.sync_copy(rowbuf.at[pl.ds(e, 1)],
                            acc.at[didxc.at[e]], add=True)
        return carry

    def block(b, carry):
        pltpu.sync_copy(src_hbm.at[pl.ds(ebase + b * EB, EB)], src_b)
        pltpu.sync_copy(dst_hbm.at[pl.ds(ebase + b * EB, EB)], dst_b)
        lax.fori_loop(0, CPB, chunk, 0)
        return carry

    lax.fori_loop(0, NB, block, 0)

    plsc.subcore_barrier()

    for z in range(NPS // ZR):
        r0 = s * NPS + z * ZR
        pltpu.sync_copy(acc.at[pl.ds(r0, ZR)], out_hbm.at[c, pl.ds(r0, ZR)])


def _run_sc(htab, src, dst, a, amax16, zrow):
    mesh = plsc.VectorSubcoreMesh(core_axis_name="c", subcore_axis_name="s")
    f = functools.partial(
        pl.kernel,
        out_type=jax.ShapeDtypeStruct((NC, N, ACC_W), jnp.float32),
        mesh=mesh,
        scratch_types=[
            pltpu.VMEM((EB,), jnp.int32),
            pltpu.VMEM((EB,), jnp.int32),
            pltpu.VMEM((CH, 16), jnp.float32),
            pltpu.VMEM((16,), jnp.float32),
            pltpu.VMEM((H * CH,), jnp.float32),
            pltpu.VMEM((CH, ACC_W), jnp.float32),
            pltpu.VMEM((CH, ACC_W), jnp.float32),
            pltpu.VMEM((CH,), jnp.int32),
            pltpu.VMEM((CH,), jnp.int32),
            pltpu.VMEM((CH, 1), jnp.int32),
            pltpu.VMEM((1, ACC_W), jnp.float32),
            pltpu.VMEM_SHARED((N, ACC_W), jnp.float32),
            pltpu.SemaphoreType.DMA,
            pltpu.SemaphoreType.DMA,
        ],
        compiler_params=pltpu.CompilerParams(use_tc_tiling_on_sc=False,
                                             needs_layout_passes=False),
    )(_sc_body)
    return f(htab, src, dst, a, amax16, zrow)


def _k2_body(p0_ref, p1_ref, htab_ref, a_ref, amax_ref, bias_ref, r_ref,
             pre_ref, stats_ref, sacc_ref):
    i = pl.program_id(0)
    p0 = p0_ref[0]
    p1 = p1_ref[0]
    msg = p0[:, :HC] + p1[:, :HC]
    wsum = p0[:, HC:HC + H] + p1[:, HC:HC + H]
    a = a_ref[...]
    asrc = a[:, 0:H]
    adst = a[:, H:2 * H]
    amax = amax_ref[...][:, 0:H]
    wself = jnp.exp(_leaky(asrc + adst) - _leaky(amax + adst))
    denom = wsum + wself
    wx = jnp.dot(wself, r_ref[...], preferred_element_type=jnp.float32)
    dx = jnp.dot(denom, r_ref[...], preferred_element_type=jnp.float32)
    pre = (msg + wx * htab_ref[...][:, :HC]) / dx + bias_ref[...]
    pre = jnp.maximum(pre, 0.0)
    pre_ref[...] = pre
    s1 = jnp.sum(pre, axis=0, keepdims=True)
    s2 = jnp.sum(pre * pre, axis=0, keepdims=True)
    blk = jnp.concatenate([s1, s2], axis=0)

    @pl.when(i == 0)
    def _():
        sacc_ref[...] = blk

    @pl.when(i > 0)
    def _():
        sacc_ref[...] = sacc_ref[...] + blk

    stats_ref[...] = sacc_ref[...]


def _run_k2(sc_out, htab, a, amax, bias, r):
    return pl.pallas_call(
        _k2_body,
        grid=(GRID,),
        in_specs=[
            pl.BlockSpec((1, ROWS, ACC_W), lambda i: (0, i, 0)),
            pl.BlockSpec((1, ROWS, ACC_W), lambda i: (1, i, 0)),
            pl.BlockSpec((ROWS, ACC_W), lambda i: (i, 0)),
            pl.BlockSpec((ROWS, 16), lambda i: (i, 0)),
            pl.BlockSpec((1, 16), lambda i: (0, 0)),
            pl.BlockSpec((1, HC), lambda i: (0, 0)),
            pl.BlockSpec((H, HC), lambda i: (0, 0)),
        ],
        out_specs=[
            pl.BlockSpec((ROWS, HC), lambda i: (i, 0)),
            pl.BlockSpec((2, HC), lambda i: (0, 0)),
        ],
        out_shape=[
            jax.ShapeDtypeStruct((N, HC), jnp.float32),
            jax.ShapeDtypeStruct((2, HC), jnp.float32),
        ],
        scratch_shapes=[pltpu.VMEM((2, HC), jnp.float32)],
    )(sc_out, sc_out, htab, a, amax, bias, r)


def _k3_body(pre_ref, stats_ref, gamma_ref, beta_ref, out_ref):
    st = stats_ref[...]
    mean = st[0:1, :] * (1.0 / N)
    var = st[1:2, :] * (1.0 / N) - mean * mean
    scale = lax.rsqrt(var + BN_EPS) * gamma_ref[...]
    out_ref[...] = (pre_ref[...] - mean) * scale + beta_ref[...]


def _run_k3(pre, stats, gamma, beta):
    return pl.pallas_call(
        _k3_body,
        grid=(GRID,),
        in_specs=[
            pl.BlockSpec((ROWS, HC), lambda i: (i, 0)),
            pl.BlockSpec((2, HC), lambda i: (0, 0)),
            pl.BlockSpec((1, HC), lambda i: (0, 0)),
            pl.BlockSpec((1, HC), lambda i: (0, 0)),
        ],
        out_specs=pl.BlockSpec((ROWS, HC), lambda i: (i, 0)),
        out_shape=jax.ShapeDtypeStruct((N, HC), jnp.float32),
    )(pre, stats, gamma, beta)


def kernel(x, edge_index, batch, W, att_src, att_dst, bias, bn_gamma, bn_beta):
    del batch

    ats = att_src.reshape(H, C).astype(jnp.float32)
    atd = att_dst.reshape(H, C).astype(jnp.float32)
    eye = jnp.eye(H, dtype=jnp.float32)
    a_src_m = (eye[:, None, :] * ats[:, :, None]).reshape(HC, H)
    a_dst_m = (eye[:, None, :] * atd[:, :, None]).reshape(HC, H)
    acat = jnp.concatenate([a_src_m, a_dst_m,
                            jnp.zeros((HC, 16 - 2 * H), jnp.float32)], axis=1)
    r = jnp.repeat(eye, C, axis=1)

    htab, a, amax = _run_k1(x.astype(jnp.float32), W.astype(jnp.float32), acat)

    src = edge_index[0]
    dst = edge_index[1]
    amax16 = amax.reshape(16)
    zrow = jnp.zeros((ZR, ACC_W), jnp.float32)

    sc_out = _run_sc(htab, src, dst, a, amax16, zrow)

    pre, stats = _run_k2(sc_out, htab, a, amax, bias.reshape(1, HC), r)
    return _run_k3(pre, stats, bn_gamma.reshape(1, HC), bn_beta.reshape(1, HC))

# --- scband reference (transcript-rebuilt; emitter-appended) ---
"""Pipeline reference for scband-gatblock-76141180223555 (READ-ONLY COPY).

The authoritative reference and input builder live on the scoring server;
editing this copy changes nothing except your own understanding.
"""

import jax, jax.numpy as jnp
import numpy as np

N = 10000
E = 320000
D = 128
H = 4
C = 32

def setup_inputs(seed: int = 0) -> dict:
    key = jax.random.key(seed)
    ks = jax.random.split(key, 9)
    x = jax.random.normal(ks[0], (N, D), dtype=jnp.float32)
    edge_index = jax.random.randint(ks[1], (2, E), 0, N, dtype=jnp.int32)
    batch = jnp.zeros((N,), dtype=jnp.int32)
    W = jax.random.normal(ks[2], (D, H * C), dtype=jnp.float32) * (1.0 / np.sqrt(D))
    att_src = jax.random.normal(ks[3], (1, H, C), dtype=jnp.float32) * 0.1
    att_dst = jax.random.normal(ks[4], (1, H, C), dtype=jnp.float32) * 0.1
    bias = jnp.zeros((H * C,), dtype=jnp.float32)
    bn_gamma = jnp.ones((H * C,), dtype=jnp.float32)
    bn_beta = jnp.zeros((H * C,), dtype=jnp.float32)
    return {"x": x, "edge_index": edge_index, "batch": batch, "W": W,
            "att_src": att_src, "att_dst": att_dst, "bias": bias,
            "bn_gamma": bn_gamma, "bn_beta": bn_beta}

def reference(x, edge_index, batch, W, att_src, att_dst, bias, bn_gamma, bn_beta):
    # GATConv (concat=True, add_self_loops=True, negative_slope=0.2) -> ReLU -> BatchNorm (batch stats)
    n = x.shape[0]
    loop = jnp.arange(n, dtype=edge_index.dtype)
    src = jnp.concatenate([edge_index[0], loop])
    dst = jnp.concatenate([edge_index[1], loop])
    h = (x @ W).reshape(n, H, C)
    a_src = (h * att_src).sum(-1)  # [N, H]
    a_dst = (h * att_dst).sum(-1)  # [N, H]
    alpha = a_src[src] + a_dst[dst]  # [E+N, H]
    alpha = jax.nn.leaky_relu(alpha, negative_slope=0.2)
    amax = jax.ops.segment_max(alpha, dst, num_segments=n)
    alpha = jnp.exp(alpha - amax[dst])
    denom = jax.ops.segment_sum(alpha, dst, num_segments=n)
    alpha = alpha / denom[dst]
    msg = h[src] * alpha[:, :, None]  # [E+N, H, C]
    out = jax.ops.segment_sum(msg, dst, num_segments=n).reshape(n, H * C)
    out = out + bias
    out = jax.nn.relu(out)
    mean = out.mean(axis=0)
    var = out.var(axis=0)
    out = (out - mean) / jnp.sqrt(var + 1e-5) * bn_gamma + bn_beta
    return out

if __name__ == "__main__":
    import jax
    _d = setup_inputs()
    print(jax.jit(kernel)(*tuple(_d.values())))

</pallas_src>

<mosaic_0001>
#map = affine_map<(d0, d1) -> (0, 0)>
#map1 = affine_map<(d0, d1) -> (0)>
#map2 = affine_map<(d0, d1) -> (0, 0, 0)>
module attributes {stable_mosaic.version = 14 : i64} {
  func.func @_sc_body(%arg0: i32, %arg1: i32, %arg2: memref<10000x144xf32, #tpu.memory_space<hbm>>, %arg3: memref<320000xi32, #tpu.memory_space<hbm>>, %arg4: memref<320000xi32, #tpu.memory_space<hbm>>, %arg5: memref<10000x16xf32, #tpu.memory_space<hbm>>, %arg6: memref<16xf32, #tpu.memory_space<hbm>>, %arg7: memref<125x144xf32, #tpu.memory_space<hbm>>, %arg8: memref<2x10000x144xf32, #tpu.memory_space<hbm>>, %arg9: memref<2000xi32, #tpu.memory_space<vmem>>, %arg10: memref<2000xi32, #tpu.memory_space<vmem>>, %arg11: memref<16x16xf32, #tpu.memory_space<vmem>>, %arg12: memref<16xf32, #tpu.memory_space<vmem>>, %arg13: memref<64xf32, #tpu.memory_space<vmem>>, %arg14: memref<16x144xf32, #tpu.memory_space<vmem>>, %arg15: memref<16x144xf32, #tpu.memory_space<vmem>>, %arg16: memref<16xi32, #tpu.memory_space<vmem>>, %arg17: memref<16xi32, #tpu.memory_space<vmem>>, %arg18: memref<16x1xi32, #tpu.memory_space<vmem>>, %arg19: memref<1x144xf32, #tpu.memory_space<vmem>>, %arg20: memref<10000x144xf32, #tpu.memory_space<vmem_shared>>, %arg21: memref<!tpu.dma_semaphore, #tpu.memory_space<semaphore_mem>>, %arg22: memref<!tpu.dma_semaphore, #tpu.memory_space<semaphore_mem>>) attributes {dimension_semantics = [#tpu.dimension_semantics<core_parallel>, #tpu.dimension_semantics<subcore_parallel>], iteration_bounds = array<i64: 2, 16>, scalar_prefetch = 0 : i64, scratch_operands = 14 : i64, tpu.core_type = #tpu.core_type<sc_vector_subcore>, window_params = [{transform_indices = #map}, {transform_indices = #map1}, {transform_indices = #map1}, {transform_indices = #map}, {transform_indices = #map1}, {transform_indices = #map}, {transform_indices = #map2}]} {
    %mul3A = arith.constant 16 : i32
    %mul3A_0 = arith.muli %arg0, %mul3A : i32
    %add3A = arith.addi %mul3A_0, %arg1 : i32
    %mul3A_1 = arith.constant 10000 : i32
    %mul3A_2 = arith.muli %add3A, %mul3A_1 : i32
    "tpu.region"() ({
      %run_scoped3A = tpu.sem_alloc : memref<!tpu.dma_semaphore, #tpu.memory_space<semaphore_mem>>
      tpu.enqueue_dma source(%arg6 : memref<16xf32, #tpu.memory_space<hbm>>) target(%arg12 : memref<16xf32, #tpu.memory_space<vmem>>) target_semaphore(%run_scoped3A : memref<!tpu.dma_semaphore, #tpu.memory_space<semaphore_mem>>)
      tpu.wait_dma2 semaphore(%run_scoped3A : memref<!tpu.dma_semaphore, #tpu.memory_space<semaphore_mem>>) src(%arg6 : memref<16xf32, #tpu.memory_space<hbm>>) dst(%arg12 : memref<16xf32, #tpu.memory_space<vmem>>)
      tpu.yield
    }) : () -> ()
    %mul3A_3 = arith.constant 625 : i32
    %mul3A_4 = arith.muli %arg1, %mul3A_3 : i32
    %add3A_5 = arith.constant 0 : i32
    %add3A_6 = arith.addi %mul3A_4, %add3A_5 : i32
    "tpu.region"() ({
      %run_scoped3A = tpu.sem_alloc : memref<!tpu.dma_semaphore, #tpu.memory_space<semaphore_mem>>
      %dma_start3A = arith.constant 0 : i32
      %dma_start3A_132 = tpu.memref_slice %arg20[%add3A_6, %dma_start3A] : memref<10000x144xf32, #tpu.memory_space<vmem_shared>> -> memref<125x144xf32, #tpu.memory_space<vmem_shared>>
      tpu.enqueue_dma source(%arg7 : memref<125x144xf32, #tpu.memory_space<hbm>>) target(%dma_start3A_132 : memref<125x144xf32, #tpu.memory_space<vmem_shared>>) target_semaphore(%run_scoped3A : memref<!tpu.dma_semaphore, #tpu.memory_space<semaphore_mem>>)
      %dma_wait3A = arith.constant 0 : i32
      %dma_wait3A_133 = tpu.memref_slice %arg20[%add3A_6, %dma_wait3A] : memref<10000x144xf32, #tpu.memory_space<vmem_shared>> -> memref<125x144xf32, #tpu.memory_space<vmem_shared>>
      tpu.wait_dma2 semaphore(%run_scoped3A : memref<!tpu.dma_semaphore, #tpu.memory_space<semaphore_mem>>) src(%arg7 : memref<125x144xf32, #tpu.memory_space<hbm>>) dst(%dma_wait3A_133 : memref<125x144xf32, #tpu.memory_space<vmem_shared>>)
      tpu.yield
    }) : () -> ()
    %mul3A_7 = arith.constant 625 : i32
    %mul3A_8 = arith.muli %arg1, %mul3A_7 : i32
    %add3A_9 = arith.constant 125 : i32
    %add3A_10 = arith.addi %mul3A_8, %add3A_9 : i32
    "tpu.region"() ({
      %run_scoped3A = tpu.sem_alloc : memref<!tpu.dma_semaphore, #tpu.memory_space<semaphore_mem>>
      %dma_start3A = arith.constant 0 : i32
      %dma_start3A_132 = tpu.memref_slice %arg20[%add3A_10, %dma_start3A] : memref<10000x144xf32, #tpu.memory_space<vmem_shared>> -> memref<125x144xf32, #tpu.memory_space<vmem_shared>>
      tpu.enqueue_dma source(%arg7 : memref<125x144xf32, #tpu.memory_space<hbm>>) target(%dma_start3A_132 : memref<125x144xf32, #tpu.memory_space<vmem_shared>>) target_semaphore(%run_scoped3A : memref<!tpu.dma_semaphore, #tpu.memory_space<semaphore_mem>>)
      %dma_wait3A = arith.constant 0 : i32
      %dma_wait3A_133 = tpu.memref_slice %arg20[%add3A_10, %dma_wait3A] : memref<10000x144xf32, #tpu.memory_space<vmem_shared>> -> memref<125x144xf32, #tpu.memory_space<vmem_shared>>
      tpu.wait_dma2 semaphore(%run_scoped3A : memref<!tpu.dma_semaphore, #tpu.memory_space<semaphore_mem>>) src(%arg7 : memref<125x144xf32, #tpu.memory_space<hbm>>) dst(%dma_wait3A_133 : memref<125x144xf32, #tpu.memory_space<vmem_shared>>)
      tpu.yield
    }) : () -> ()
    %mul3A_11 = arith.constant 625 : i32
    %mul3A_12 = arith.muli %arg1, %mul3A_11 : i32
    %add3A_13 = arith.constant 250 : i32
    %add3A_14 = arith.addi %mul3A_12, %add3A_13 : i32
    "tpu.region"() ({
      %run_scoped3A = tpu.sem_alloc : memref<!tpu.dma_semaphore, #tpu.memory_space<semaphore_mem>>
      %dma_start3A = arith.constant 0 : i32
      %dma_start3A_132 = tpu.memref_slice %arg20[%add3A_14, %dma_start3A] : memref<10000x144xf32, #tpu.memory_space<vmem_shared>> -> memref<125x144xf32, #tpu.memory_space<vmem_shared>>
      tpu.enqueue_dma source(%arg7 : memref<125x144xf32, #tpu.memory_space<hbm>>) target(%dma_start3A_132 : memref<125x144xf32, #tpu.memory_space<vmem_shared>>) target_semaphore(%run_scoped3A : memref<!tpu.dma_semaphore, #tpu.memory_space<semaphore_mem>>)
      %dma_wait3A = arith.constant 0 : i32
      %dma_wait3A_133 = tpu.memref_slice %arg20[%add3A_14, %dma_wait3A] : memref<10000x144xf32, #tpu.memory_space<vmem_shared>> -> memref<125x144xf32, #tpu.memory_space<vmem_shared>>
      tpu.wait_dma2 semaphore(%run_scoped3A : memref<!tpu.dma_semaphore, #tpu.memory_space<semaphore_mem>>) src(%arg7 : memref<125x144xf32, #tpu.memory_space<hbm>>) dst(%dma_wait3A_133 : memref<125x144xf32, #tpu.memory_space<vmem_shared>>)
      tpu.yield
    }) : () -> ()
    %mul3A_15 = arith.constant 625 : i32
    %mul3A_16 = arith.muli %arg1, %mul3A_15 : i32
    %add3A_17 = arith.constant 375 : i32
    %add3A_18 = arith.addi %mul3A_16, %add3A_17 : i32
    "tpu.region"() ({
      %run_scoped3A = tpu.sem_alloc : memref<!tpu.dma_semaphore, #tpu.memory_space<semaphore_mem>>
      %dma_start3A = arith.constant 0 : i32
      %dma_start3A_132 = tpu.memref_slice %arg20[%add3A_18, %dma_start3A] : memref<10000x144xf32, #tpu.memory_space<vmem_shared>> -> memref<125x144xf32, #tpu.memory_space<vmem_shared>>
      tpu.enqueue_dma source(%arg7 : memref<125x144xf32, #tpu.memory_space<hbm>>) target(%dma_start3A_132 : memref<125x144xf32, #tpu.memory_space<vmem_shared>>) target_semaphore(%run_scoped3A : memref<!tpu.dma_semaphore, #tpu.memory_space<semaphore_mem>>)
      %dma_wait3A = arith.constant 0 : i32
      %dma_wait3A_133 = tpu.memref_slice %arg20[%add3A_18, %dma_wait3A] : memref<10000x144xf32, #tpu.memory_space<vmem_shared>> -> memref<125x144xf32, #tpu.memory_space<vmem_shared>>
      tpu.wait_dma2 semaphore(%run_scoped3A : memref<!tpu.dma_semaphore, #tpu.memory_space<semaphore_mem>>) src(%arg7 : memref<125x144xf32, #tpu.memory_space<hbm>>) dst(%dma_wait3A_133 : memref<125x144xf32, #tpu.memory_space<vmem_shared>>)
      tpu.yield
    }) : () -> ()
    %mul3A_19 = arith.constant 625 : i32
    %mul3A_20 = arith.muli %arg1, %mul3A_19 : i32
    %add3A_21 = arith.constant 500 : i32
    %add3A_22 = arith.addi %mul3A_20, %add3A_21 : i32
    "tpu.region"() ({
      %run_scoped3A = tpu.sem_alloc : memref<!tpu.dma_semaphore, #tpu.memory_space<semaphore_mem>>
      %dma_start3A = arith.constant 0 : i32
      %dma_start3A_132 = tpu.memref_slice %arg20[%add3A_22, %dma_start3A] : memref<10000x144xf32, #tpu.memory_space<vmem_shared>> -> memref<125x144xf32, #tpu.memory_space<vmem_shared>>
      tpu.enqueue_dma source(%arg7 : memref<125x144xf32, #tpu.memory_space<hbm>>) target(%dma_start3A_132 : memref<125x144xf32, #tpu.memory_space<vmem_shared>>) target_semaphore(%run_scoped3A : memref<!tpu.dma_semaphore, #tpu.memory_space<semaphore_mem>>)
      %dma_wait3A = arith.constant 0 : i32
      %dma_wait3A_133 = tpu.memref_slice %arg20[%add3A_22, %dma_wait3A] : memref<10000x144xf32, #tpu.memory_space<vmem_shared>> -> memref<125x144xf32, #tpu.memory_space<vmem_shared>>
      tpu.wait_dma2 semaphore(%run_scoped3A : memref<!tpu.dma_semaphore, #tpu.memory_space<semaphore_mem>>) src(%arg7 : memref<125x144xf32, #tpu.memory_space<hbm>>) dst(%dma_wait3A_133 : memref<125x144xf32, #tpu.memory_space<vmem_shared>>)
      tpu.yield
    }) : () -> ()
    %broadcast_in_dim3A = arith.constant 0.000000e+00 : f32
    %broadcast_in_dim3A_23 = vector.broadcast %broadcast_in_dim3A : f32 to vector<16xf32>
    %swap3A = arith.constant 0 : i32
    %swap3A_24 = arith.index_cast %swap3A : i32 to index
    %swap3A_25 = arith.constant 128 : index
    %swap3A_26 = tpu.vector_load %arg15[%swap3A_24, %swap3A_25] {strides = array<i32>} : memref<16x144xf32, #tpu.memory_space<vmem>>, vector<16xf32>,
    tpu.vector_store %arg15[%swap3A_24, %swap3A_25], %broadcast_in_dim3A_23 {strides = array<i32>} : memref<16x144xf32, #tpu.memory_space<vmem>>, vector<16xf32>,
    %swap3A_27 = arith.constant 1 : i32
    %swap3A_28 = arith.index_cast %swap3A_27 : i32 to index
    %swap3A_29 = arith.constant 128 : index
    %swap3A_30 = tpu.vector_load %arg15[%swap3A_28, %swap3A_29] {strides = array<i32>} : memref<16x144xf32, #tpu.memory_space<vmem>>, vector<16xf32>,
    tpu.vector_store %arg15[%swap3A_28, %swap3A_29], %broadcast_in_dim3A_23 {strides = array<i32>} : memref<16x144xf32, #tpu.memory_space<vmem>>, vector<16xf32>,
    %swap3A_31 = arith.constant 2 : i32
    %swap3A_32 = arith.index_cast %swap3A_31 : i32 to index
    %swap3A_33 = arith.constant 128 : index
    %swap3A_34 = tpu.vector_load %arg15[%swap3A_32, %swap3A_33] {strides = array<i32>} : memref<16x144xf32, #tpu.memory_space<vmem>>, vector<16xf32>,
    tpu.vector_store %arg15[%swap3A_32, %swap3A_33], %broadcast_in_dim3A_23 {strides = array<i32>} : memref<16x144xf32, #tpu.memory_space<vmem>>, vector<16xf32>,
    %swap3A_35 = arith.constant 3 : i32
    %swap3A_36 = arith.index_cast %swap3A_35 : i32 to index
    %swap3A_37 = arith.constant 128 : index
    %swap3A_38 = tpu.vector_load %arg15[%swap3A_36, %swap3A_37] {strides = array<i32>} : memref<16x144xf32, #tpu.memory_space<vmem>>, vector<16xf32>,
    tpu.vector_store %arg15[%swap3A_36, %swap3A_37], %broadcast_in_dim3A_23 {strides = array<i32>} : memref<16x144xf32, #tpu.memory_space<vmem>>, vector<16xf32>,
    %swap3A_39 = arith.constant 4 : i32
    %swap3A_40 = arith.index_cast %swap3A_39 : i32 to index
    %swap3A_41 = arith.constant 128 : index
    %swap3A_42 = tpu.vector_load %arg15[%swap3A_40, %swap3A_41] {strides = array<i32>} : memref<16x144xf32, #tpu.memory_space<vmem>>, vector<16xf32>,
    tpu.vector_store %arg15[%swap3A_40, %swap3A_41], %broadcast_in_dim3A_23 {strides = array<i32>} : memref<16x144xf32, #tpu.memory_space<vmem>>, vector<16xf32>,
    %swap3A_43 = arith.constant 5 : i32
    %swap3A_44 = arith.index_cast %swap3A_43 : i32 to index
    %swap3A_45 = arith.constant 128 : index
    %swap3A_46 = tpu.vector_load %arg15[%swap3A_44, %swap3A_45] {strides = array<i32>} : memref<16x144xf32, #tpu.memory_space<vmem>>, vector<16xf32>,
    tpu.vector_store %arg15[%swap3A_44, %swap3A_45], %broadcast_in_dim3A_23 {strides = array<i32>} : memref<16x144xf32, #tpu.memory_space<vmem>>, vector<16xf32>,
    %swap3A_47 = arith.constant 6 : i32
    %swap3A_48 = arith.index_cast %swap3A_47 : i32 to index
    %swap3A_49 = arith.constant 128 : index
    %swap3A_50 = tpu.vector_load %arg15[%swap3A_48, %swap3A_49] {strides = array<i32>} : memref<16x144xf32, #tpu.memory_space<vmem>>, vector<16xf32>,
    tpu.vector_store %arg15[%swap3A_48, %swap3A_49], %broadcast_in_dim3A_23 {strides = array<i32>} : memref<16x144xf32, #tpu.memory_space<vmem>>, vector<16xf32>,
    %swap3A_51 = arith.constant 7 : i32
    %swap3A_52 = arith.index_cast %swap3A_51 : i32 to index
    %swap3A_53 = arith.constant 128 : index
    %swap3A_54 = tpu.vector_load %arg15[%swap3A_52, %swap3A_53] {strides = array<i32>} : memref<16x144xf32, #tpu.memory_space<vmem>>, vector<16xf32>,
    tpu.vector_store %arg15[%swap3A_52, %swap3A_53], %broadcast_in_dim3A_23 {strides = array<i32>} : memref<16x144xf32, #tpu.memory_space<vmem>>, vector<16xf32>,
    %swap3A_55 = arith.constant 8 : i32
    %swap3A_56 = arith.index_cast %swap3A_55 : i32 to index
    %swap3A_57 = arith.constant 128 : index
    %swap3A_58 = tpu.vector_load %arg15[%swap3A_56, %swap3A_57] {strides = array<i32>} : memref<16x144xf32, #tpu.memory_space<vmem>>, vector<16xf32>,
    tpu.vector_store %arg15[%swap3A_56, %swap3A_57], %broadcast_in_dim3A_23 {strides = array<i32>} : memref<16x144xf32, #tpu.memory_space<vmem>>, vector<16xf32>,
    %swap3A_59 = arith.constant 9 : i32
    %swap3A_60 = arith.index_cast %swap3A_59 : i32 to index
    %swap3A_61 = arith.constant 128 : index
    %swap3A_62 = tpu.vector_load %arg15[%swap3A_60, %swap3A_61] {strides = array<i32>} : memref<16x144xf32, #tpu.memory_space<vmem>>, vector<16xf32>,
    tpu.vector_store %arg15[%swap3A_60, %swap3A_61], %broadcast_in_dim3A_23 {strides = array<i32>} : memref<16x144xf32, #tpu.memory_space<vmem>>, vector<16xf32>,
    %swap3A_63 = arith.constant 10 : i32
    %swap3A_64 = arith.index_cast %swap3A_63 : i32 to index
    %swap3A_65 = arith.constant 128 : index
    %swap3A_66 = tpu.vector_load %arg15[%swap3A_64, %swap3A_65] {strides = array<i32>} : memref<16x144xf32, #tpu.memory_space<vmem>>, vector<16xf32>,
    tpu.vector_store %arg15[%swap3A_64, %swap3A_65], %broadcast_in_dim3A_23 {strides = array<i32>} : memref<16x144xf32, #tpu.memory_space<vmem>>, vector<16xf32>,
    %swap3A_67 = arith.constant 11 : i32
    %swap3A_68 = arith.index_cast %swap3A_67 : i32 to index
    %swap3A_69 = arith.constant 128 : index
    %swap3A_70 = tpu.vector_load %arg15[%swap3A_68, %swap3A_69] {strides = array<i32>} : memref<16x144xf32, #tpu.memory_space<vmem>>, vector<16xf32>,
    tpu.vector_store %arg15[%swap3A_68, %swap3A_69], %broadcast_in_dim3A_23 {strides = array<i32>} : memref<16x144xf32, #tpu.memory_space<vmem>>, vector<16xf32>,
    %swap3A_71 = arith.constant 12 : i32
    %swap3A_72 = arith.index_cast %swap3A_71 : i32 to index
    %swap3A_73 = arith.constant 128 : index
    %swap3A_74 = tpu.vector_load %arg15[%swap3A_72, %swap3A_73] {strides = array<i32>} : memref<16x144xf32, #tpu.memory_space<vmem>>, vector<16xf32>,
    tpu.vector_store %arg15[%swap3A_72, %swap3A_73], %broadcast_in_dim3A_23 {strides = array<i32>} : memref<16x144xf32, #tpu.memory_space<vmem>>, vector<16xf32>,
    %swap3A_75 = arith.constant 13 : i32
    %swap3A_76 = arith.index_cast %swap3A_75 : i32 to index
    %swap3A_77 = arith.constant 128 : index
    %swap3A_78 = tpu.vector_load %arg15[%swap3A_76, %swap3A_77] {strides = array<i32>} : memref<16x144xf32, #tpu.memory_space<vmem>>, vector<16xf32>,
    tpu.vector_store %arg15[%swap3A_76, %swap3A_77], %broadcast_in_dim3A_23 {strides = array<i32>} : memref<16x144xf32, #tpu.memory_space<vmem>>, vector<16xf32>,
    %swap3A_79 = arith.constant 14 : i32
    %swap3A_80 = arith.index_cast %swap3A_79 : i32 to index
    %swap3A_81 = arith.constant 128 : index
    %swap3A_82 = tpu.vector_load %arg15[%swap3A_80, %swap3A_81] {strides = array<i32>} : memref<16x144xf32, #tpu.memory_space<vmem>>, vector<16xf32>,
    tpu.vector_store %arg15[%swap3A_80, %swap3A_81], %broadcast_in_dim3A_23 {strides = array<i32>} : memref<16x144xf32, #tpu.memory_space<vmem>>, vector<16xf32>,
    %swap3A_83 = arith.constant 15 : i32
    %swap3A_84 = arith.index_cast %swap3A_83 : i32 to index
    %swap3A_85 = arith.constant 128 : index
    %swap3A_86 = tpu.vector_load %arg15[%swap3A_84, %swap3A_85] {strides = array<i32>} : memref<16x144xf32, #tpu.memory_space<vmem>>, vector<16xf32>,
    tpu.vector_store %arg15[%swap3A_84, %swap3A_85], %broadcast_in_dim3A_23 {strides = array<i32>} : memref<16x144xf32, #tpu.memory_space<vmem>>, vector<16xf32>,
    %barrier3A = arith.constant 0 : index
    tpu.barrier barrier_id(%barrier3A)
    %get3A = arith.constant 0 : index
    %get3A_87 = tpu.vector_load %arg12[%get3A] {strides = array<i32>} : memref<16xf32, #tpu.memory_space<vmem>>, vector<16xf32>,
    %iota3A = tpu.iota {dimensions = array<i32: 0>} : vector<16xi32>
    %broadcast_in_dim3A_88 = arith.constant 0 : i32
    %broadcast_in_dim3A_89 = vector.broadcast %broadcast_in_dim3A_88 : i32 to vector<16xi32>
    %reshape3A = vector.shape_cast %broadcast_in_dim3A_89 : vector<16xi32> to vector<16x1xi32>
    %gather3A = vector.shape_cast %reshape3A : vector<16x1xi32> to vector<16xi32>
    %gather3A_90 = tpu.dynamic_gather %get3A_87[%gather3A] in [0] : vector<16xf32>, vector<16xi32> -> vector<16xf32>
    %broadcast_in_dim3A_91 = arith.constant 1 : i32
    %broadcast_in_dim3A_92 = vector.broadcast %broadcast_in_dim3A_91 : i32 to vector<16xi32>
    %reshape3A_93 = vector.shape_cast %broadcast_in_dim3A_92 : vector<16xi32> to vector<16x1xi32>
    %gather3A_94 = vector.shape_cast %reshape3A_93 : vector<16x1xi32> to vector<16xi32>
    %gather3A_95 = tpu.dynamic_gather %get3A_87[%gather3A_94] in [0] : vector<16xf32>, vector<16xi32> -> vector<16xf32>
    %broadcast_in_dim3A_96 = arith.constant 2 : i32
    %broadcast_in_dim3A_97 = vector.broadcast %broadcast_in_dim3A_96 : i32 to vector<16xi32>
    %reshape3A_98 = vector.shape_cast %broadcast_in_dim3A_97 : vector<16xi32> to vector<16x1xi32>
    %gather3A_99 = vector.shape_cast %reshape3A_98 : vector<16x1xi32> to vector<16xi32>
    %gather3A_100 = tpu.dynamic_gather %get3A_87[%gather3A_99] in [0] : vector<16xf32>, vector<16xi32> -> vector<16xf32>
    %broadcast_in_dim3A_101 = arith.constant 3 : i32
    %broadcast_in_dim3A_102 = vector.broadcast %broadcast_in_dim3A_101 : i32 to vector<16xi32>
    %reshape3A_103 = vector.shape_cast %broadcast_in_dim3A_102 : vector<16xi32> to vector<16x1xi32>
    %gather3A_104 = vector.shape_cast %reshape3A_103 : vector<16x1xi32> to vector<16xi32>
    %gather3A_105 = tpu.dynamic_gather %get3A_87[%gather3A_104] in [0] : vector<16xf32>, vector<16xi32> -> vector<16xf32>
    %scan3A = arith.constant 0 : i32
    %scan3A_106 = arith.constant 0 : i32
    %scan3A_107 = arith.constant 5 : i32
    %scan3A_108 = arith.addi %scan3A_106, %scan3A_107 : i32
    %scan3A_109 = arith.constant 1 : i32
    scf.for %scan3A_132 = %scan3A_106 to %scan3A_108 step %scan3A_109  : i32 {
      %mul3A_133 = arith.constant 2000 : i32
      %mul3A_134 = arith.muli %scan3A_132, %mul3A_133 : i32
      %add3A_135 = arith.addi %mul3A_2, %mul3A_134 : i32
      "tpu.region"() ({
        %run_scoped3A = tpu.sem_alloc : memref<!tpu.dma_semaphore, #tpu.memory_space<semaphore_mem>>
        %dma_start3A = tpu.memref_slice %arg3[%add3A_135] : memref<320000xi32, #tpu.memory_space<hbm>> -> memref<2000xi32, #tpu.memory_space<hbm>>
        %dma_start3A_145 = tpu.memref_slice %arg3[%add3A_135] : memref<320000xi32, #tpu.memory_space<hbm>> -> memref<2000xi32, #tpu.memory_space<hbm>>
        tpu.enqueue_dma source(%dma_start3A_145 : memref<2000xi32, #tpu.memory_space<hbm>>) target(%arg9 : memref<2000xi32, #tpu.memory_space<vmem>>) target_semaphore(%run_scoped3A : memref<!tpu.dma_semaphore, #tpu.memory_space<semaphore_mem>>)
        %dma_wait3A = tpu.memref_slice %arg3[%add3A_135] : memref<320000xi32, #tpu.memory_space<hbm>> -> memref<2000xi32, #tpu.memory_space<hbm>>
        %dma_wait3A_146 = tpu.memref_slice %arg3[%add3A_135] : memref<320000xi32, #tpu.memory_space<hbm>> -> memref<2000xi32, #tpu.memory_space<hbm>>
        tpu.wait_dma2 semaphore(%run_scoped3A : memref<!tpu.dma_semaphore, #tpu.memory_space<semaphore_mem>>) src(%dma_wait3A_146 : memref<2000xi32, #tpu.memory_space<hbm>>) dst(%arg9 : memref<2000xi32, #tpu.memory_space<vmem>>)
        tpu.yield
      }) : () -> ()
      %mul3A_136 = arith.constant 2000 : i32
      %mul3A_137 = arith.muli %scan3A_132, %mul3A_136 : i32
      %add3A_138 = arith.addi %mul3A_2, %mul3A_137 : i32
      "tpu.region"() ({
        %run_scoped3A = tpu.sem_alloc : memref<!tpu.dma_semaphore, #tpu.memory_space<semaphore_mem>>
        %dma_start3A = tpu.memref_slice %arg4[%add3A_138] : memref<320000xi32, #tpu.memory_space<hbm>> -> memref<2000xi32, #tpu.memory_space<hbm>>
        %dma_start3A_145 = tpu.memref_slice %arg4[%add3A_138] : memref<320000xi32, #tpu.memory_space<hbm>> -> memref<2000xi32, #tpu.memory_space<hbm>>
        tpu.enqueue_dma source(%dma_start3A_145 : memref<2000xi32, #tpu.memory_space<hbm>>) target(%arg10 : memref<2000xi32, #tpu.memory_space<vmem>>) target_semaphore(%run_scoped3A : memref<!tpu.dma_semaphore, #tpu.memory_space<semaphore_mem>>)
        %dma_wait3A = tpu.memref_slice %arg4[%add3A_138] : memref<320000xi32, #tpu.memory_space<hbm>> -> memref<2000xi32, #tpu.memory_space<hbm>>
        %dma_wait3A_146 = tpu.memref_slice %arg4[%add3A_138] : memref<320000xi32, #tpu.memory_space<hbm>> -> memref<2000xi32, #tpu.memory_space<hbm>>
        tpu.wait_dma2 semaphore(%run_scoped3A : memref<!tpu.dma_semaphore, #tpu.memory_space<semaphore_mem>>) src(%dma_wait3A_146 : memref<2000xi32, #tpu.memory_space<hbm>>) dst(%arg10 : memref<2000xi32, #tpu.memory_space<vmem>>)
        tpu.yield
      }) : () -> ()
      %scan3A_139 = arith.constant 0 : i32
      %scan3A_140 = arith.constant 0 : i32
      %scan3A_141 = arith.constant 125 : i32
      %scan3A_142 = arith.addi %scan3A_140, %scan3A_141 : i32
      %scan3A_143 = arith.constant 1 : i32
      scf.for %scan3A_145 = %scan3A_140 to %scan3A_142 step %scan3A_143  : i32 {
        %mul3A_146 = arith.constant 16 : i32
        %mul3A_147 = arith.muli %scan3A_145, %mul3A_146 : i32
        %get3A_148 = arith.index_cast %mul3A_147 : i32 to index
        %get3A_149 = tpu.vector_load %arg9[%get3A_148] {strides = array<i32>} : memref<2000xi32, #tpu.memory_space<vmem>>, vector<16xi32>,
        %mul3A_150 = arith.constant 16 : i32
        %mul3A_151 = arith.muli %scan3A_145, %mul3A_150 : i32
        %get3A_152 = arith.index_cast %mul3A_151 : i32 to index
        %get3A_153 = tpu.vector_load %arg10[%get3A_152] {strides = array<i32>} : memref<2000xi32, #tpu.memory_space<vmem>>, vector<16xi32>,
        %swap3A_154 = arith.constant 0 : index
        %swap3A_155 = tpu.vector_load %arg16[%swap3A_154] {strides = array<i32>} : memref<16xi32, #tpu.memory_space<vmem>>, vector<16xi32>,
        tpu.vector_store %arg16[%swap3A_154], %get3A_149 {strides = array<i32>} : memref<16xi32, #tpu.memory_space<vmem>>, vector<16xi32>,
        %swap3A_156 = arith.constant 0 : index
        %swap3A_157 = tpu.vector_load %arg17[%swap3A_156] {strides = array<i32>} : memref<16xi32, #tpu.memory_space<vmem>>, vector<16xi32>,
        tpu.vector_store %arg17[%swap3A_156], %get3A_153 {strides = array<i32>} : memref<16xi32, #tpu.memory_space<vmem>>, vector<16xi32>,
        %broadcast_in_dim3A_158 = arith.constant 0 : i32
        %broadcast_in_dim3A_159 = vector.broadcast %broadcast_in_dim3A_158 : i32 to vector<16xi32>
        tpu.vector_store_idx %arg18[%iota3A, %broadcast_in_dim3A_159], %get3A_153 : memref<16x1xi32, #tpu.memory_space<vmem>>[vector<16xi32>, vector<16xi32>], vector<16xi32>,
        %dma_start3A = arith.constant 0 : i32
        %dma_start3A_160 = arith.constant 0 : i32
        %dma_start3A_161 = tpu.memref_slice %arg2[%dma_start3A, %dma_start3A_160] : memref<10000x144xf32, #tpu.memory_space<hbm>> -> memref<10000x144xf32, #tpu.memory_space<hbm>>
        tpu.enqueue_indirect_dma source(%dma_start3A_161 : memref<10000x144xf32, #tpu.memory_space<hbm>>) target(%arg14 : memref<16x144xf32, #tpu.memory_space<vmem>>) offsets(%arg16 : memref<16xi32, #tpu.memory_space<vmem>>) semaphore(%arg21 : memref<!tpu.dma_semaphore, #tpu.memory_space<semaphore_mem>>)
        %dma_start3A_162 = arith.constant 0 : i32
        %dma_start3A_163 = arith.constant 0 : i32
        %dma_start3A_164 = tpu.memref_slice %arg5[%dma_start3A_162, %dma_start3A_163] : memref<10000x16xf32, #tpu.memory_space<hbm>> -> memref<10000x16xf32, #tpu.memory_space<hbm>>
        tpu.enqueue_indirect_dma source(%dma_start3A_164 : memref<10000x16xf32, #tpu.memory_space<hbm>>) target(%arg11 : memref<16x16xf32, #tpu.memory_space<vmem>>) offsets(%arg17 : memref<16xi32, #tpu.memory_space<vmem>>) semaphore(%arg22 : memref<!tpu.dma_semaphore, #tpu.memory_space<semaphore_mem>>)
        %dma_wait3A = arith.constant 0 : i32
        %dma_wait3A_165 = arith.constant 0 : i32
        %dma_wait3A_166 = tpu.memref_slice %arg2[%dma_wait3A, %dma_wait3A_165] : memref<10000x144xf32, #tpu.memory_space<hbm>> -> memref<10000x144xf32, #tpu.memory_space<hbm>>
        tpu.wait_indirect_dma semaphore(%arg21 : memref<!tpu.dma_semaphore, #tpu.memory_space<semaphore_mem>>) src(%dma_wait3A_166 : memref<10000x144xf32, #tpu.memory_space<hbm>>) dst(%arg14 : memref<16x144xf32, #tpu.memory_space<vmem>>)
        %dma_wait3A_167 = arith.constant 0 : i32
        %dma_wait3A_168 = arith.constant 0 : i32
        %dma_wait3A_169 = tpu.memref_slice %arg5[%dma_wait3A_167, %dma_wait3A_168] : memref<10000x16xf32, #tpu.memory_space<hbm>> -> memref<10000x16xf32, #tpu.memory_space<hbm>>
        tpu.wait_indirect_dma semaphore(%arg22 : memref<!tpu.dma_semaphore, #tpu.memory_space<semaphore_mem>>) src(%dma_wait3A_169 : memref<10000x16xf32, #tpu.memory_space<hbm>>) dst(%arg11 : memref<16x16xf32, #tpu.memory_space<vmem>>)
        %broadcast_in_dim3A_170 = arith.constant 128 : i32
        %broadcast_in_dim3A_171 = vector.broadcast %broadcast_in_dim3A_170 : i32 to vector<16xi32>
        %gather3A_172 = tpu.vector_load_idx %arg14[%iota3A, %broadcast_in_dim3A_171] : memref<16x144xf32, #tpu.memory_space<vmem>>[vector<16xi32>, vector<16xi32>], vector<16xf32>,
        %broadcast_in_dim3A_173 = arith.constant 4 : i32
        %broadcast_in_dim3A_174 = vector.broadcast %broadcast_in_dim3A_173 : i32 to vector<16xi32>
        %gather3A_175 = tpu.vector_load_idx %arg11[%iota3A, %broadcast_in_dim3A_174] : memref<16x16xf32, #tpu.memory_space<vmem>>[vector<16xi32>, vector<16xi32>], vector<16xf32>,
        %add3A_176 = arith.addf %gather3A_172, %gather3A_175 : vector<16xf32>
        %ge3A = arith.constant 0.000000e+00 : f32
        %ge3A_177 = vector.broadcast %ge3A : f32 to vector<16xf32>
        %ge3A_178 = arith.cmpf oge, %add3A_176, %ge3A_177 : vector<16xf32>
        %mul3A_179 = arith.constant 2.000000e-01 : f32
        %mul3A_180 = vector.broadcast %mul3A_179 : f32 to vector<16xf32>
        %mul3A_181 = arith.mulf %add3A_176, %mul3A_180 : vector<16xf32>
        %select_n3A = arith.select %ge3A_178, %add3A_176, %mul3A_181 : vector<16xi1>, vector<16xf32>
        %add3A_182 = arith.addf %gather3A_90, %gather3A_175 : vector<16xf32>
        %ge3A_183 = arith.constant 0.000000e+00 : f32
        %ge3A_184 = vector.broadcast %ge3A_183 : f32 to vector<16xf32>
        %ge3A_185 = arith.cmpf oge, %add3A_182, %ge3A_184 : vector<16xf32>
        %mul3A_186 = arith.constant 2.000000e-01 : f32
        %mul3A_187 = vector.broadcast %mul3A_186 : f32 to vector<16xf32>
        %mul3A_188 = arith.mulf %add3A_182, %mul3A_187 : vector<16xf32>
        %select_n3A_189 = arith.select %ge3A_185, %add3A_182, %mul3A_188 : vector<16xi1>, vector<16xf32>
        %sub3A = arith.subf %select_n3A, %select_n3A_189 : vector<16xf32>
        %exp3A = math.exp %sub3A : vector<16xf32>
        %broadcast_in_dim3A_190 = arith.constant 128 : i32
        %broadcast_in_dim3A_191 = vector.broadcast %broadcast_in_dim3A_190 : i32 to vector<16xi32>
        tpu.vector_store_idx %arg15[%iota3A, %broadcast_in_dim3A_191], %exp3A : memref<16x144xf32, #tpu.memory_space<vmem>>[vector<16xi32>, vector<16xi32>], vector<16xf32>,
        %broadcast_in_dim3A_192 = arith.constant 129 : i32
        %broadcast_in_dim3A_193 = vector.broadcast %broadcast_in_dim3A_192 : i32 to vector<16xi32>
        %gather3A_194 = tpu.vector_load_idx %arg14[%iota3A, %broadcast_in_dim3A_193] : memref<16x144xf32, #tpu.memory_space<vmem>>[vector<16xi32>, vector<16xi32>], vector<16xf32>,
        %broadcast_in_dim3A_195 = arith.constant 5 : i32
        %broadcast_in_dim3A_196 = vector.broadcast %broadcast_in_dim3A_195 : i32 to vector<16xi32>
        %gather3A_197 = tpu.vector_load_idx %arg11[%iota3A, %broadcast_in_dim3A_196] : memref<16x16xf32, #tpu.memory_space<vmem>>[vector<16xi32>, vector<16xi32>], vector<16xf32>,
        %add3A_198 = arith.addf %gather3A_194, %gather3A_197 : vector<16xf32>
        %ge3A_199 = arith.constant 0.000000e+00 : f32
        %ge3A_200 = vector.broadcast %ge3A_199 : f32 to vector<16xf32>
        %ge3A_201 = arith.cmpf oge, %add3A_198, %ge3A_200 : vector<16xf32>
        %mul3A_202 = arith.constant 2.000000e-01 : f32
        %mul3A_203 = vector.broadcast %mul3A_202 : f32 to vector<16xf32>
        %mul3A_204 = arith.mulf %add3A_198, %mul3A_203 : vector<16xf32>
        %select_n3A_205 = arith.select %ge3A_201, %add3A_198, %mul3A_204 : vector<16xi1>, vector<16xf32>
        %add3A_206 = arith.addf %gather3A_95, %gather3A_197 : vector<16xf32>
        %ge3A_207 = arith.constant 0.000000e+00 : f32
        %ge3A_208 = vector.broadcast %ge3A_207 : f32 to vector<16xf32>
        %ge3A_209 = arith.cmpf oge, %add3A_206, %ge3A_208 : vector<16xf32>
        %mul3A_210 = arith.constant 2.000000e-01 : f32
        %mul3A_211 = vector.broadcast %mul3A_210 : f32 to vector<16xf32>
        %mul3A_212 = arith.mulf %add3A_206, %mul3A_211 : vector<16xf32>
        %select_n3A_213 = arith.select %ge3A_209, %add3A_206, %mul3A_212 : vector<16xi1>, vector<16xf32>
        %sub3A_214 = arith.subf %select_n3A_205, %select_n3A_213 : vector<16xf32>
        %exp3A_215 = math.exp %sub3A_214 : vector<16xf32>
        %broadcast_in_dim3A_216 = arith.constant 129 : i32
        %broadcast_in_dim3A_217 = vector.broadcast %broadcast_in_dim3A_216 : i32 to vector<16xi32>
        tpu.vector_store_idx %arg15[%iota3A, %broadcast_in_dim3A_217], %exp3A_215 : memref<16x144xf32, #tpu.memory_space<vmem>>[vector<16xi32>, vector<16xi32>], vector<16xf32>,
        %broadcast_in_dim3A_218 = arith.constant 130 : i32
        %broadcast_in_dim3A_219 = vector.broadcast %broadcast_in_dim3A_218 : i32 to vector<16xi32>
        %gather3A_220 = tpu.vector_load_idx %arg14[%iota3A, %broadcast_in_dim3A_219] : memref<16x144xf32, #tpu.memory_space<vmem>>[vector<16xi32>, vector<16xi32>], vector<16xf32>,
        %broadcast_in_dim3A_221 = arith.constant 6 : i32
        %broadcast_in_dim3A_222 = vector.broadcast %broadcast_in_dim3A_221 : i32 to vector<16xi32>
        %gather3A_223 = tpu.vector_load_idx %arg11[%iota3A, %broadcast_in_dim3A_222] : memref<16x16xf32, #tpu.memory_space<vmem>>[vector<16xi32>, vector<16xi32>], vector<16xf32>,
        %add3A_224 = arith.addf %gather3A_220, %gather3A_223 : vector<16xf32>
        %ge3A_225 = arith.constant 0.000000e+00 : f32
        %ge3A_226 = vector.broadcast %ge3A_225 : f32 to vector<16xf32>
        %ge3A_227 = arith.cmpf oge, %add3A_224, %ge3A_226 : vector<16xf32>
        %mul3A_228 = arith.constant 2.000000e-01 : f32
        %mul3A_229 = vector.broadcast %mul3A_228 : f32 to vector<16xf32>
        %mul3A_230 = arith.mulf %add3A_224, %mul3A_229 : vector<16xf32>
        %select_n3A_231 = arith.select %ge3A_227, %add3A_224, %mul3A_230 : vector<16xi1>, vector<16xf32>
        %add3A_232 = arith.addf %gather3A_100, %gather3A_223 : vector<16xf32>
        %ge3A_233 = arith.constant 0.000000e+00 : f32
        %ge3A_234 = vector.broadcast %ge3A_233 : f32 to vector<16xf32>
        %ge3A_235 = arith.cmpf oge, %add3A_232, %ge3A_234 : vector<16xf32>
        %mul3A_236 = arith.constant 2.000000e-01 : f32
        %mul3A_237 = vector.broadcast %mul3A_236 : f32 to vector<16xf32>
        %mul3A_238 = arith.mulf %add3A_232, %mul3A_237 : vector<16xf32>
        %select_n3A_239 = arith.select %ge3A_235, %add3A_232, %mul3A_238 : vector<16xi1>, vector<16xf32>
        %sub3A_240 = arith.subf %select_n3A_231, %select_n3A_239 : vector<16xf32>
        %exp3A_241 = math.exp %sub3A_240 : vector<16xf32>
        %broadcast_in_dim3A_242 = arith.constant 130 : i32
        %broadcast_in_dim3A_243 = vector.broadcast %broadcast_in_dim3A_242 : i32 to vector<16xi32>
        tpu.vector_store_idx %arg15[%iota3A, %broadcast_in_dim3A_243], %exp3A_241 : memref<16x144xf32, #tpu.memory_space<vmem>>[vector<16xi32>, vector<16xi32>], vector<16xf32>,
        %broadcast_in_dim3A_244 = arith.constant 131 : i32
        %broadcast_in_dim3A_245 = vector.broadcast %broadcast_in_dim3A_244 : i32 to vector<16xi32>
        %gather3A_246 = tpu.vector_load_idx %arg14[%iota3A, %broadcast_in_dim3A_245] : memref<16x144xf32, #tpu.memory_space<vmem>>[vector<16xi32>, vector<16xi32>], vector<16xf32>,
        %broadcast_in_dim3A_247 = arith.constant 7 : i32
        %broadcast_in_dim3A_248 = vector.broadcast %broadcast_in_dim3A_247 : i32 to vector<16xi32>
        %gather3A_249 = tpu.vector_load_idx %arg11[%iota3A, %broadcast_in_dim3A_248] : memref<16x16xf32, #tpu.memory_space<vmem>>[vector<16xi32>, vector<16xi32>], vector<16xf32>,
        %add3A_250 = arith.addf %gather3A_246, %gather3A_249 : vector<16xf32>
        %ge3A_251 = arith.constant 0.000000e+00 : f32
        %ge3A_252 = vector.broadcast %ge3A_251 : f32 to vector<16xf32>
        %ge3A_253 = arith.cmpf oge, %add3A_250, %ge3A_252 : vector<16xf32>
        %mul3A_254 = arith.constant 2.000000e-01 : f32
        %mul3A_255 = vector.broadcast %mul3A_254 : f32 to vector<16xf32>
        %mul3A_256 = arith.mulf %add3A_250, %mul3A_255 : vector<16xf32>
        %select_n3A_257 = arith.select %ge3A_253, %add3A_250, %mul3A_256 : vector<16xi1>, vector<16xf32>
        %add3A_258 = arith.addf %gather3A_105, %gather3A_249 : vector<16xf32>
        %ge3A_259 = arith.constant 0.000000e+00 : f32
        %ge3A_260 = vector.broadcast %ge3A_259 : f32 to vector<16xf32>
        %ge3A_261 = arith.cmpf oge, %add3A_258, %ge3A_260 : vector<16xf32>
        %mul3A_262 = arith.constant 2.000000e-01 : f32
        %mul3A_263 = vector.broadcast %mul3A_262 : f32 to vector<16xf32>
        %mul3A_264 = arith.mulf %add3A_258, %mul3A_263 : vector<16xf32>
        %select_n3A_265 = arith.select %ge3A_261, %add3A_258, %mul3A_264 : vector<16xi1>, vector<16xf32>
        %sub3A_266 = arith.subf %select_n3A_257, %select_n3A_265 : vector<16xf32>
        %exp3A_267 = math.exp %sub3A_266 : vector<16xf32>
        %broadcast_in_dim3A_268 = arith.constant 131 : i32
        %broadcast_in_dim3A_269 = vector.broadcast %broadcast_in_dim3A_268 : i32 to vector<16xi32>
        tpu.vector_store_idx %arg15[%iota3A, %broadcast_in_dim3A_269], %exp3A_267 : memref<16x144xf32, #tpu.memory_space<vmem>>[vector<16xi32>, vector<16xi32>], vector<16xf32>,
        %broadcast_in_dim3A_270 = arith.constant 0 : i32
        %broadcast_in_dim3A_271 = vector.broadcast %broadcast_in_dim3A_270 : i32 to vector<16xi32>
        %reshape3A_272 = vector.shape_cast %broadcast_in_dim3A_271 : vector<16xi32> to vector<16x1xi32>
        %gather3A_273 = vector.shape_cast %reshape3A_272 : vector<16x1xi32> to vector<16xi32>
        %gather3A_274 = tpu.dynamic_gather %exp3A[%gather3A_273] in [0] : vector<16xf32>, vector<16xi32> -> vector<16xf32>
        %reshape3A_275 = vector.shape_cast %broadcast_in_dim3A_271 : vector<16xi32> to vector<16x1xi32>
        %gather3A_276 = vector.shape_cast %reshape3A_275 : vector<16x1xi32> to vector<16xi32>
        %gather3A_277 = tpu.dynamic_gather %exp3A_215[%gather3A_276] in [0] : vector<16xf32>, vector<16xi32> -> vector<16xf32>
        %reshape3A_278 = vector.shape_cast %broadcast_in_dim3A_271 : vector<16xi32> to vector<16x1xi32>
        %gather3A_279 = vector.shape_cast %reshape3A_278 : vector<16x1xi32> to vector<16xi32>
        %gather3A_280 = tpu.dynamic_gather %exp3A_241[%gather3A_279] in [0] : vector<16xf32>, vector<16xi32> -> vector<16xf32>
        %reshape3A_281 = vector.shape_cast %broadcast_in_dim3A_271 : vector<16xi32> to vector<16x1xi32>
        %gather3A_282 = vector.shape_cast %reshape3A_281 : vector<16x1xi32> to vector<16xi32>
        %gather3A_283 = tpu.dynamic_gather %exp3A_267[%gather3A_282] in [0] : vector<16xf32>, vector<16xi32> -> vector<16xf32>
        %get3A_284 = arith.constant 0 : i32
        %get3A_285 = arith.index_cast %get3A_284 : i32 to index
        %get3A_286 = arith.constant 0 : index
        %get3A_287 = tpu.vector_load %arg14[%get3A_285, %get3A_286] {strides = array<i32>} : memref<16x144xf32, #tpu.memory_space<vmem>>, vector<16xf32>,
        %mul3A_288 = arith.mulf %get3A_287, %gather3A_274 : vector<16xf32>
        %swap3A_289 = arith.constant 0 : i32
        %swap3A_290 = arith.index_cast %swap3A_289 : i32 to index
        %swap3A_291 = arith.constant 0 : index
        %swap3A_292 = tpu.vector_load %arg15[%swap3A_290, %swap3A_291] {strides = array<i32>} : memref<16x144xf32, #tpu.memory_space<vmem>>, vector<16xf32>,
        tpu.vector_store %arg15[%swap3A_290, %swap3A_291], %mul3A_288 {strides = array<i32>} : memref<16x144xf32, #tpu.memory_space<vmem>>, vector<16xf32>,
        %get3A_293 = arith.constant 0 : i32
        %get3A_294 = arith.index_cast %get3A_293 : i32 to index
        %get3A_295 = arith.constant 16 : index
        %get3A_296 = tpu.vector_load %arg14[%get3A_294, %get3A_295] {strides = array<i32>} : memref<16x144xf32, #tpu.memory_space<vmem>>, vector<16xf32>,
        %mul3A_297 = arith.mulf %get3A_296, %gather3A_274 : vector<16xf32>
        %swap3A_298 = arith.constant 0 : i32
        %swap3A_299 = arith.index_cast %swap3A_298 : i32 to index
        %swap3A_300 = arith.constant 16 : index
        %swap3A_301 = tpu.vector_load %arg15[%swap3A_299, %swap3A_300] {strides = array<i32>} : memref<16x144xf32, #tpu.memory_space<vmem>>, vector<16xf32>,
        tpu.vector_store %arg15[%swap3A_299, %swap3A_300], %mul3A_297 {strides = array<i32>} : memref<16x144xf32, #tpu.memory_space<vmem>>, vector<16xf32>,
        %get3A_302 = arith.constant 0 : i32
        %get3A_303 = arith.index_cast %get3A_302 : i32 to index
        %get3A_304 = arith.constant 32 : index
        %get3A_305 = tpu.vector_load %arg14[%get3A_303, %get3A_304] {strides = array<i32>} : memref<16x144xf32, #tpu.memory_space<vmem>>, vector<16xf32>,
        %mul3A_306 = arith.mulf %get3A_305, %gather3A_277 : vector<16xf32>
        %swap3A_307 = arith.constant 0 : i32
        %swap3A_308 = arith.index_cast %swap3A_307 : i32 to index
        %swap3A_309 = arith.constant 32 : index
        %swap3A_310 = tpu.vector_load %arg15[%swap3A_308, %swap3A_309] {strides = array<i32>} : memref<16x144xf32, #tpu.memory_space<vmem>>, vector<16xf32>,
        tpu.vector_store %arg15[%swap3A_308, %swap3A_309], %mul3A_306 {strides = array<i32>} : memref<16x144xf32, #tpu.memory_space<vmem>>, vector<16xf32>,
        %get3A_311 = arith.constant 0 : i32
        %get3A_312 = arith.index_cast %get3A_311 : i32 to index
        %get3A_313 = arith.constant 48 : index
        %get3A_314 = tpu.vector_load %arg14[%get3A_312, %get3A_313] {strides = array<i32>} : memref<16x144xf32, #tpu.memory_space<vmem>>, vector<16xf32>,
        %mul3A_315 = arith.mulf %get3A_314, %gather3A_277 : vector<16xf32>
        %swap3A_316 = arith.constant 0 : i32
        %swap3A_317 = arith.index_cast %swap3A_316 : i32 to index
        %swap3A_318 = arith.constant 48 : index
        %swap3A_319 = tpu.vector_load %arg15[%swap3A_317, %swap3A_318] {strides = array<i32>} : memref<16x144xf32, #tpu.memory_space<vmem>>, vector<16xf32>,
        tpu.vector_store %arg15[%swap3A_317, %swap3A_318], %mul3A_315 {strides = array<i32>} : memref<16x144xf32, #tpu.memory_space<vmem>>, vector<16xf32>,
        %get3A_320 = arith.constant 0 : i32
        %get3A_321 = arith.index_cast %get3A_320 : i32 to index
        %get3A_322 = arith.constant 64 : index
        %get3A_323 = tpu.vector_load %arg14[%get3A_321, %get3A_322] {strides = array<i32>} : memref<16x144xf32, #tpu.memory_space<vmem>>, vector<16xf32>,
        %mul3A_324 = arith.mulf %get3A_323, %gather3A_280 : vector<16xf32>
        %swap3A_325 = arith.constant 0 : i32
        %swap3A_326 = arith.index_cast %swap3A_325 : i32 to index
        %swap3A_327 = arith.constant 64 : index
        %swap3A_328 = tpu.vector_load %arg15[%swap3A_326, %swap3A_327] {strides = array<i32>} : memref<16x144xf32, #tpu.memory_space<vmem>>, vector<16xf32>,
        tpu.vector_store %arg15[%swap3A_326, %swap3A_327], %mul3A_324 {strides = array<i32>} : memref<16x144xf32, #tpu.memory_space<vmem>>, vector<16xf32>,
        %get3A_329 = arith.constant 0 : i32
        %get3A_330 = arith.index_cast %get3A_329 : i32 to index
        %get3A_331 = arith.constant 80 : index
        %get3A_332 = tpu.vector_load %arg14[%get3A_330, %get3A_331] {strides = array<i32>} : memref<16x144xf32, #tpu.memory_space<vmem>>, vector<16xf32>,
        %mul3A_333 = arith.mulf %get3A_332, %gather3A_280 : vector<16xf32>
        %swap3A_334 = arith.constant 0 : i32
        %swap3A_335 = arith.index_cast %swap3A_334 : i32 to index
        %swap3A_336 = arith.constant 80 : index
        %swap3A_337 = tpu.vector_load %arg15[%swap3A_335, %swap3A_336] {strides = array<i32>} : memref<16x144xf32, #tpu.memory_space<vmem>>, vector<16xf32>,
        tpu.vector_store %arg15[%swap3A_335, %swap3A_336], %mul3A_333 {strides = array<i32>} : memref<16x144xf32, #tpu.memory_space<vmem>>, vector<16xf32>,
        %get3A_338 = arith.constant 0 : i32
        %get3A_339 = arith.index_cast %get3A_338 : i32 to index
        %get3A_340 = arith.constant 96 : index
        %get3A_341 = tpu.vector_load %arg14[%get3A_339, %get3A_340] {strides = array<i32>} : memref<16x144xf32, #tpu.memory_space<vmem>>, vector<16xf32>,
        %mul3A_342 = arith.mulf %get3A_341, %gather3A_283 : vector<16xf32>
        %swap3A_343 = arith.constant 0 : i32
        %swap3A_344 = arith.index_cast %swap3A_343 : i32 to index
        %swap3A_345 = arith.constant 96 : index
        %swap3A_346 = tpu.vector_load %arg15[%swap3A_344, %swap3A_345] {strides = array<i32>} : memref<16x144xf32, #tpu.memory_space<vmem>>, vector<16xf32>,
        tpu.vector_store %arg15[%swap3A_344, %swap3A_345], %mul3A_342 {strides = array<i32>} : memref<16x144xf32, #tpu.memory_space<vmem>>, vector<16xf32>,
        %get3A_347 = arith.constant 0 : i32
        %get3A_348 = arith.index_cast %get3A_347 : i32 to index
        %get3A_349 = arith.constant 112 : index
        %get3A_350 = tpu.vector_load %arg14[%get3A_348, %get3A_349] {strides = array<i32>} : memref<16x144xf32, #tpu.memory_space<vmem>>, vector<16xf32>,
        %mul3A_351 = arith.mulf %get3A_350, %gather3A_283 : vector<16xf32>
        %swap3A_352 = arith.constant 0 : i32
        %swap3A_353 = arith.index_cast %swap3A_352 : i32 to index
        %swap3A_354 = arith.constant 112 : index
        %swap3A_355 = tpu.vector_load %arg15[%swap3A_353, %swap3A_354] {strides = array<i32>} : memref<16x144xf32, #tpu.memory_space<vmem>>, vector<16xf32>,
        tpu.vector_store %arg15[%swap3A_353, %swap3A_354], %mul3A_351 {strides = array<i32>} : memref<16x144xf32, #tpu.memory_space<vmem>>, vector<16xf32>,
        %broadcast_in_dim3A_356 = arith.constant 1 : i32
        %broadcast_in_dim3A_357 = vector.broadcast %broadcast_in_dim3A_356 : i32 to vector<16xi32>
        %reshape3A_358 = vector.shape_cast %broadcast_in_dim3A_357 : vector<16xi32> to vector<16x1xi32>
        %gather3A_359 = vector.shape_cast %reshape3A_358 : vector<16x1xi32> to vector<16xi32>
        %gather3A_360 = tpu.dynamic_gather %exp3A[%gather3A_359] in [0] : vector<16xf32>, vector<16xi32> -> vector<16xf32>
        %reshape3A_361 = vector.shape_cast %broadcast_in_dim3A_357 : vector<16xi32> to vector<16x1xi32>
        %gather3A_362 = vector.shape_cast %reshape3A_361 : vector<16x1xi32> to vector<16xi32>
        %gather3A_363 = tpu.dynamic_gather %exp3A_215[%gather3A_362] in [0] : vector<16xf32>, vector<16xi32> -> vector<16xf32>
        %reshape3A_364 = vector.shape_cast %broadcast_in_dim3A_357 : vector<16xi32> to vector<16x1xi32>
        %gather3A_365 = vector.shape_cast %reshape3A_364 : vector<16x1xi32> to vector<16xi32>
        %gather3A_366 = tpu.dynamic_gather %exp3A_241[%gather3A_365] in [0] : vector<16xf32>, vector<16xi32> -> vector<16xf32>
        %reshape3A_367 = vector.shape_cast %broadcast_in_dim3A_357 : vector<16xi32> to vector<16x1xi32>
        %gather3A_368 = vector.shape_cast %reshape3A_367 : vector<16x1xi32> to vector<16xi32>
        %gather3A_369 = tpu.dynamic_gather %exp3A_267[%gather3A_368] in [0] : vector<16xf32>, vector<16xi32> -> vector<16xf32>
        %get3A_370 = arith.constant 1 : i32
        %get3A_371 = arith.index_cast %get3A_370 : i32 to index
        %get3A_372 = arith.constant 0 : index
        %get3A_373 = tpu.vector_load %arg14[%get3A_371, %get3A_372] {strides = array<i32>} : memref<16x144xf32, #tpu.memory_space<vmem>>, vector<16xf32>,
        %mul3A_374 = arith.mulf %get3A_373, %gather3A_360 : vector<16xf32>
        %swap3A_375 = arith.constant 1 : i32
        %swap3A_376 = arith.index_cast %swap3A_375 : i32 to index
        %swap3A_377 = arith.constant 0 : index
        %swap3A_378 = tpu.vector_load %arg15[%swap3A_376, %swap3A_377] {strides = array<i32>} : memref<16x144xf32, #tpu.memory_space<vmem>>, vector<16xf32>,
        tpu.vector_store %arg15[%swap3A_376, %swap3A_377], %mul3A_374 {strides = array<i32>} : memref<16x144xf32, #tpu.memory_space<vmem>>, vector<16xf32>,
        %get3A_379 = arith.constant 1 : i32
        %get3A_380 = arith.index_cast %get3A_379 : i32 to index
        %get3A_381 = arith.constant 16 : index
        %get3A_382 = tpu.vector_load %arg14[%get3A_380, %get3A_381] {strides = array<i32>} : memref<16x144xf32, #tpu.memory_space<vmem>>, vector<16xf32>,
        %mul3A_383 = arith.mulf %get3A_382, %gather3A_360 : vector<16xf32>
        %swap3A_384 = arith.constant 1 : i32
        %swap3A_385 = arith.index_cast %swap3A_384 : i32 to index
        %swap3A_386 = arith.constant 16 : index
        %swap3A_387 = tpu.vector_load %arg15[%swap3A_385, %swap3A_386] {strides = array<i32>} : memref<16x144xf32, #tpu.memory_space<vmem>>, vector<16xf32>,
        tpu.vector_store %arg15[%swap3A_385, %swap3A_386], %mul3A_383 {strides = array<i32>} : memref<16x144xf32, #tpu.memory_space<vmem>>, vector<16xf32>,
        %get3A_388 = arith.constant 1 : i32
        %get3A_389 = arith.index_cast %get3A_388 : i32 to index
        %get3A_390 = arith.constant 32 : index
        %get3A_391 = tpu.vector_load %arg14[%get3A_389, %get3A_390] {strides = array<i32>} : memref<16x144xf32, #tpu.memory_space<vmem>>, vector<16xf32>,
        %mul3A_392 = arith.mulf %get3A_391, %gather3A_363 : vector<16xf32>
        %swap3A_393 = arith.constant 1 : i32
        %swap3A_394 = arith.index_cast %swap3A_393 : i32 to index
        %swap3A_395 = arith.constant 32 : index
        %swap3A_396 = tpu.vector_load %arg15[%swap3A_394, %swap3A_395] {strides = array<i32>} : memref<16x144xf32, #tpu.memory_space<vmem>>, vector<16xf32>,
        tpu.vector_store %arg15[%swap3A_394, %swap3A_395], %mul3A_392 {strides = array<i32>} : memref<16x144xf32, #tpu.memory_space<vmem>>, vector<16xf32>,
        %get3A_397 = arith.constant 1 : i32
        %get3A_398 = arith.index_cast %get3A_397 : i32 to index
        %get3A_399 = arith.constant 48 : index
        %get3A_400 = tpu.vector_load %arg14[%get3A_398, %get3A_399] {strides = array<i32>} : memref<16x144xf32, #tpu.memory_space<vmem>>, vector<16xf32>,
        %mul3A_401 = arith.mulf %get3A_400, %gather3A_363 : vector<16xf32>
        %swap3A_402 = arith.constant 1 : i32
        %swap3A_403 = arith.index_cast %swap3A_402 : i32 to index
        %swap3A_404 = arith.constant 48 : index
        %swap3A_405 = tpu.vector_load %arg15[%swap3A_403, %swap3A_404] {strides = array<i32>} : memref<16x144xf32, #tpu.memory_space<vmem>>, vector<16xf32>,
        tpu.vector_store %arg15[%swap3A_403, %swap3A_404], %mul3A_401 {strides = array<i32>} : memref<16x144xf32, #tpu.memory_space<vmem>>, vector<16xf32>,
        %get3A_406 = arith.constant 1 : i32
        %get3A_407 = arith.index_cast %get3A_406 : i32 to index
        %get3A_408 = arith.constant 64 : index
        %get3A_409 = tpu.vector_load %arg14[%get3A_407, %get3A_408] {strides = array<i32>} : memref<16x144xf32, #tpu.memory_space<vmem>>, vector<16xf32>,
        %mul3A_410 = arith.mulf %get3A_409, %gather3A_366 : vector<16xf32>
        %swap3A_411 = arith.constant 1 : i32
        %swap3A_412 = arith.index_cast %swap3A_411 : i32 to index
        %swap3A_413 = arith.constant 64 : index
        %swap3A_414 = tpu.vector_load %arg15[%swap3A_412, %swap3A_413] {strides = array<i32>} : memref<16x144xf32, #tpu.memory_space<vmem>>, vector<16xf32>,
        tpu.vector_store %arg15[%swap3A_412, %swap3A_413], %mul3A_410 {strides = array<i32>} : memref<16x144xf32, #tpu.memory_space<vmem>>, vector<16xf32>,
        %get3A_415 = arith.constant 1 : i32
        %get3A_416 = arith.index_cast %get3A_415 : i32 to index
        %get3A_417 = arith.constant 80 : index
        %get3A_418 = tpu.vector_load %arg14[%get3A_416, %get3A_417] {strides = array<i32>} : memref<16x144xf32, #tpu.memory_space<vmem>>, vector<16xf32>,
        %mul3A_419 = arith.mulf %get3A_418, %gather3A_366 : vector<16xf32>
        %swap3A_420 = arith.constant 1 : i32
        %swap3A_421 = arith.index_cast %swap3A_420 : i32 to index
        %swap3A_422 = arith.constant 80 : index
        %swap3A_423 = tpu.vector_load %arg15[%swap3A_421, %swap3A_422] {strides = array<i32>} : memref<16x144xf32, #tpu.memory_space<vmem>>, vector<16xf32>,
        tpu.vector_store %arg15[%swap3A_421, %swap3A_422], %mul3A_419 {strides = array<i32>} : memref<16x144xf32, #tpu.memory_space<vmem>>, vector<16xf32>,
        %get3A_424 = arith.constant 1 : i32
        %get3A_425 = arith.index_cast %get3A_424 : i32 to index
        %get3A_426 = arith.constant 96 : index
        %get3A_427 = tpu.vector_load %arg14[%get3A_425, %get3A_426] {strides = array<i32>} : memref<16x144xf32, #tpu.memory_space<vmem>>, vector<16xf32>,
        %mul3A_428 = arith.mulf %get3A_427, %gather3A_369 : vector<16xf32>
        %swap3A_429 = arith.constant 1 : i32
        %swap3A_430 = arith.index_cast %swap3A_429 : i32 to index
        %swap3A_431 = arith.constant 96 : index
        %swap3A_432 = tpu.vector_load %arg15[%swap3A_430, %swap3A_431] {strides = array<i32>} : memref<16x144xf32, #tpu.memory_space<vmem>>, vector<16xf32>,
        tpu.vector_store %arg15[%swap3A_430, %swap3A_431], %mul3A_428 {strides = array<i32>} : memref<16x144xf32, #tpu.memory_space<vmem>>, vector<16xf32>,
        %get3A_433 = arith.constant 1 : i32
        %get3A_434 = arith.index_cast %get3A_433 : i32 to index
        %get3A_435 = arith.constant 112 : index
        %get3A_436 = tpu.vector_load %arg14[%get3A_434, %get3A_435] {strides = array<i32>} : memref<16x144xf32, #tpu.memory_space<vmem>>, vector<16xf32>,
        %mul3A_437 = arith.mulf %get3A_436, %gather3A_369 : vector<16xf32>
        %swap3A_438 = arith.constant 1 : i32
        %swap3A_439 = arith.index_cast %swap3A_438 : i32 to index
        %swap3A_440 = arith.constant 112 : index
        %swap3A_441 = tpu.vector_load %arg15[%swap3A_439, %swap3A_440] {strides = array<i32>} : memref<16x144xf32, #tpu.memory_space<vmem>>, vector<16xf32>,
        tpu.vector_store %arg15[%swap3A_439, %swap3A_440], %mul3A_437 {strides = array<i32>} : memref<16x144xf32, #tpu.memory_space<vmem>>, vector<16xf32>,
        %broadcast_in_dim3A_442 = arith.constant 2 : i32
        %broadcast_in_dim3A_443 = vector.broadcast %broadcast_in_dim3A_442 : i32 to vector<16xi32>
        %reshape3A_444 = vector.shape_cast %broadcast_in_dim3A_443 : vector<16xi32> to vector<16x1xi32>
        %gather3A_445 = vector.shape_cast %reshape3A_444 : vector<16x1xi32> to vector<16xi32>
        %gather3A_446 = tpu.dynamic_gather %exp3A[%gather3A_445] in [0] : vector<16xf32>, vector<16xi32> -> vector<16xf32>
        %reshape3A_447 = vector.shape_cast %broadcast_in_dim3A_443 : vector<16xi32> to vector<16x1xi32>
        %gather3A_448 = vector.shape_cast %reshape3A_447 : vector<16x1xi32> to vector<16xi32>
        %gather3A_449 = tpu.dynamic_gather %exp3A_215[%gather3A_448] in [0] : vector<16xf32>, vector<16xi32> -> vector<16xf32>
        %reshape3A_450 = vector.shape_cast %broadcast_in_dim3A_443 : vector<16xi32> to vector<16x1xi32>
        %gather3A_451 = vector.shape_cast %reshape3A_450 : vector<16x1xi32> to vector<16xi32>
        %gather3A_452 = tpu.dynamic_gather %exp3A_241[%gather3A_451] in [0] : vector<16xf32>, vector<16xi32> -> vector<16xf32>
        %reshape3A_453 = vector.shape_cast %broadcast_in_dim3A_443 : vector<16xi32> to vector<16x1xi32>
        %gather3A_454 = vector.shape_cast %reshape3A_453 : vector<16x1xi32> to vector<16xi32>
        %gather3A_455 = tpu.dynamic_gather %exp3A_267[%gather3A_454] in [0] : vector<16xf32>, vector<16xi32> -> vector<16xf32>
        %get3A_456 = arith.constant 2 : i32
        %get3A_457 = arith.index_cast %get3A_456 : i32 to index
        %get3A_458 = arith.constant 0 : index
        %get3A_459 = tpu.vector_load %arg14[%get3A_457, %get3A_458] {strides = array<i32>} : memref<16x144xf32, #tpu.memory_space<vmem>>, vector<16xf32>,
        %mul3A_460 = arith.mulf %get3A_459, %gather3A_446 : vector<16xf32>
        %swap3A_461 = arith.constant 2 : i32
        %swap3A_462 = arith.index_cast %swap3A_461 : i32 to index
        %swap3A_463 = arith.constant 0 : index
        %swap3A_464 = tpu.vector_load %arg15[%swap3A_462, %swap3A_463] {strides = array<i32>} : memref<16x144xf32, #tpu.memory_space<vmem>>, vector<16xf32>,
        tpu.vector_store %arg15[%swap3A_462, %swap3A_463], %mul3A_460 {strides = array<i32>} : memref<16x144xf32, #tpu.memory_space<vmem>>, vector<16xf32>,
        %get3A_465 = arith.constant 2 : i32
        %get3A_466 = arith.index_cast %get3A_465 : i32 to index
        %get3A_467 = arith.constant 16 : index
        %get3A_468 = tpu.vector_load %arg14[%get3A_466, %get3A_467] {strides = array<i32>} : memref<16x144xf32, #tpu.memory_space<vmem>>, vector<16xf32>,
        %mul3A_469 = arith.mulf %get3A_468, %gather3A_446 : vector<16xf32>
        %swap3A_470 = arith.constant 2 : i32
        %swap3A_471 = arith.index_cast %swap3A_470 : i32 to index
        %swap3A_472 = arith.constant 16 : index
        %swap3A_473 = tpu.vector_load %arg15[%swap3A_471, %swap3A_472] {strides = array<i32>} : memref<16x144xf32, #tpu.memory_space<vmem>>, vector<16xf32>,
        tpu.vector_store %arg15[%swap3A_471, %swap3A_472], %mul3A_469 {strides = array<i32>} : memref<16x144xf32, #tpu.memory_space<vmem>>, vector<16xf32>,
        %get3A_474 = arith.constant 2 : i32
        %get3A_475 = arith.index_cast %get3A_474 : i32 to index
        %get3A_476 = arith.constant 32 : index
        %get3A_477 = tpu.vector_load %arg14[%get3A_475, %get3A_476] {strides = array<i32>} : memref<16x144xf32, #tpu.memory_space<vmem>>, vector<16xf32>,
        %mul3A_478 = arith.mulf %get3A_477, %gather3A_449 : vector<16xf32>
        %swap3A_479 = arith.constant 2 : i32
        %swap3A_480 = arith.index_cast %swap3A_479 : i32 to index
        %swap3A_481 = arith.constant 32 : index
        %swap3A_482 = tpu.vector_load %arg15[%swap3A_480, %swap3A_481] {strides = array<i32>} : memref<16x144xf32, #tpu.memory_space<vmem>>, vector<16xf32>,
        tpu.vector_store %arg15[%swap3A_480, %swap3A_481], %mul3A_478 {strides = array<i32>} : memref<16x144xf32, #tpu.memory_space<vmem>>, vector<16xf32>,
        %get3A_483 = arith.constant 2 : i32
        %get3A_484 = arith.index_cast %get3A_483 : i32 to index
        %get3A_485 = arith.constant 48 : index
        %get3A_486 = tpu.vector_load %arg14[%get3A_484, %get3A_485] {strides = array<i32>} : memref<16x144xf32, #tpu.memory_space<vmem>>, vector<16xf32>,
        %mul3A_487 = arith.mulf %get3A_486, %gather3A_449 : vector<16xf32>
        %swap3A_488 = arith.constant 2 : i32
        %swap3A_489 = arith.index_cast %swap3A_488 : i32 to index
        %swap3A_490 = arith.constant 48 : index
        %swap3A_491 = tpu.vector_load %arg15[%swap3A_489, %swap3A_490] {strides = array<i32>} : memref<16x144xf32, #tpu.memory_space<vmem>>, vector<16xf32>,
        tpu.vector_store %arg15[%swap3A_489, %swap3A_490], %mul3A_487 {strides = array<i32>} : memref<16x144xf32, #tpu.memory_space<vmem>>, vector<16xf32>,
        %get3A_492 = arith.constant 2 : i32
        %get3A_493 = arith.index_cast %get3A_492 : i32 to index
        %get3A_494 = arith.constant 64 : index
        %get3A_495 = tpu.vector_load %arg14[%get3A_493, %get3A_494] {strides = array<i32>} : memref<16x144xf32, #tpu.memory_space<vmem>>, vector<16xf32>,
        %mul3A_496 = arith.mulf %get3A_495, %gather3A_452 : vector<16xf32>
        %swap3A_497 = arith.constant 2 : i32
        %swap3A_498 = arith.index_cast %swap3A_497 : i32 to index
        %swap3A_499 = arith.constant 64 : index
        %swap3A_500 = tpu.vector_load %arg15[%swap3A_498, %swap3A_499] {strides = array<i32>} : memref<16x144xf32, #tpu.memory_space<vmem>>, vector<16xf32>,
        tpu.vector_store %arg15[%swap3A_498, %swap3A_499], %mul3A_496 {strides = array<i32>} : memref<16x144xf32, #tpu.memory_space<vmem>>, vector<16xf32>,
        %get3A_501 = arith.constant 2 : i32
        %get3A_502 = arith.index_cast %get3A_501 : i32 to index
        %get3A_503 = arith.constant 80 : index
        %get3A_504 = tpu.vector_load %arg14[%get3A_502, %get3A_503] {strides = array<i32>} : memref<16x144xf32, #tpu.memory_space<vmem>>, vector<16xf32>,
        %mul3A_505 = arith.mulf %get3A_504, %gather3A_452 : vector<16xf32>
        %swap3A_506 = arith.constant 2 : i32
        %swap3A_507 = arith.index_cast %swap3A_506 : i32 to index
        %swap3A_508 = arith.constant 80 : index
        %swap3A_509 = tpu.vector_load %arg15[%swap3A_507, %swap3A_508] {strides = array<i32>} : memref<16x144xf32, #tpu.memory_space<vmem>>, vector<16xf32>,
        tpu.vector_store %arg15[%swap3A_507, %swap3A_508], %mul3A_505 {strides = array<i32>} : memref<16x144xf32, #tpu.memory_space<vmem>>, vector<16xf32>,
        %get3A_510 = arith.constant 2 : i32
        %get3A_511 = arith.index_cast %get3A_510 : i32 to index
        %get3A_512 = arith.constant 96 : index
        %get3A_513 = tpu.vector_load %arg14[%get3A_511, %get3A_512] {strides = array<i32>} : memref<16x144xf32, #tpu.memory_space<vmem>>, vector<16xf32>,
        %mul3A_514 = arith.mulf %get3A_513, %gather3A_455 : vector<16xf32>
        %swap3A_515 = arith.constant 2 : i32
        %swap3A_516 = arith.index_cast %swap3A_515 : i32 to index
        %swap3A_517 = arith.constant 96 : index
        %swap3A_518 = tpu.vector_load %arg15[%swap3A_516, %swap3A_517] {strides = array<i32>} : memref<16x144xf32, #tpu.memory_space<vmem>>, vector<16xf32>,
        tpu.vector_store %arg15[%swap3A_516, %swap3A_517], %mul3A_514 {strides = array<i32>} : memref<16x144xf32, #tpu.memory_space<vmem>>, vector<16xf32>,
        %get3A_519 = arith.constant 2 : i32
        %get3A_520 = arith.index_cast %get3A_519 : i32 to index
        %get3A_521 = arith.constant 112 : index
        %get3A_522 = tpu.vector_load %arg14[%get3A_520, %get3A_521] {strides = array<i32>} : memref<16x144xf32, #tpu.memory_space<vmem>>, vector<16xf32>,
        %mul3A_523 = arith.mulf %get3A_522, %gather3A_455 : vector<16xf32>
        %swap3A_524 = arith.constant 2 : i32
        %swap3A_525 = arith.index_cast %swap3A_524 : i32 to index
        %swap3A_526 = arith.constant 112 : index
        %swap3A_527 = tpu.vector_load %arg15[%swap3A_525, %swap3A_526] {strides = array<i32>} : memref<16x144xf32, #tpu.memory_space<vmem>>, vector<16xf32>,
        tpu.vector_store %arg15[%swap3A_525, %swap3A_526], %mul3A_523 {strides = array<i32>} : memref<16x144xf32, #tpu.memory_space<vmem>>, vector<16xf32>,
        %broadcast_in_dim3A_528 = arith.constant 3 : i32
        %broadcast_in_dim3A_529 = vector.broadcast %broadcast_in_dim3A_528 : i32 to vector<16xi32>
        %reshape3A_530 = vector.shape_cast %broadcast_in_dim3A_529 : vector<16xi32> to vector<16x1xi32>
        %gather3A_531 = vector.shape_cast %reshape3A_530 : vector<16x1xi32> to vector<16xi32>
        %gather3A_532 = tpu.dynamic_gather %exp3A[%gather3A_531] in [0] : vector<16xf32>, vector<16xi32> -> vector<16xf32>
        %reshape3A_533 = vector.shape_cast %broadcast_in_dim3A_529 : vector<16xi32> to vector<16x1xi32>
        %gather3A_534 = vector.shape_cast %reshape3A_533 : vector<16x1xi32> to vector<16xi32>
        %gather3A_535 = tpu.dynamic_gather %exp3A_215[%gather3A_534] in [0] : vector<16xf32>, vector<16xi32> -> vector<16xf32>
        %reshape3A_536 = vector.shape_cast %broadcast_in_dim3A_529 : vector<16xi32> to vector<16x1xi32>
        %gather3A_537 = vector.shape_cast %reshape3A_536 : vector<16x1xi32> to vector<16xi32>
        %gather3A_538 = tpu.dynamic_gather %exp3A_241[%gather3A_537] in [0] : vector<16xf32>, vector<16xi32> -> vector<16xf32>
        %reshape3A_539 = vector.shape_cast %broadcast_in_dim3A_529 : vector<16xi32> to vector<16x1xi32>
        %gather3A_540 = vector.shape_cast %reshape3A_539 : vector<16x1xi32> to vector<16xi32>
        %gather3A_541 = tpu.dynamic_gather %exp3A_267[%gather3A_540] in [0] : vector<16xf32>, vector<16xi32> -> vector<16xf32>
        %get3A_542 = arith.constant 3 : i32
        %get3A_543 = arith.index_cast %get3A_542 : i32 to index
        %get3A_544 = arith.constant 0 : index
        %get3A_545 = tpu.vector_load %arg14[%get3A_543, %get3A_544] {strides = array<i32>} : memref<16x144xf32, #tpu.memory_space<vmem>>, vector<16xf32>,
        %mul3A_546 = arith.mulf %get3A_545, %gather3A_532 : vector<16xf32>
        %swap3A_547 = arith.constant 3 : i32
        %swap3A_548 = arith.index_cast %swap3A_547 : i32 to index
        %swap3A_549 = arith.constant 0 : index
        %swap3A_550 = tpu.vector_load %arg15[%swap3A_548, %swap3A_549] {strides = array<i32>} : memref<16x144xf32, #tpu.memory_space<vmem>>, vector<16xf32>,
        tpu.vector_store %arg15[%swap3A_548, %swap3A_549], %mul3A_546 {strides = array<i32>} : memref<16x144xf32, #tpu.memory_space<vmem>>, vector<16xf32>,
        %get3A_551 = arith.constant 3 : i32
        %get3A_552 = arith.index_cast %get3A_551 : i32 to index
        %get3A_553 = arith.constant 16 : index
        %get3A_554 = tpu.vector_load %arg14[%get3A_552, %get3A_553] {strides = array<i32>} : memref<16x144xf32, #tpu.memory_space<vmem>>, vector<16xf32>,
        %mul3A_555 = arith.mulf %get3A_554, %gather3A_532 : vector<16xf32>
        %swap3A_556 = arith.constant 3 : i32
        %swap3A_557 = arith.index_cast %swap3A_556 : i32 to index
        %swap3A_558 = arith.constant 16 : index
        %swap3A_559 = tpu.vector_load %arg15[%swap3A_557, %swap3A_558] {strides = array<i32>} : memref<16x144xf32, #tpu.memory_space<vmem>>, vector<16xf32>,
        tpu.vector_store %arg15[%swap3A_557, %swap3A_558], %mul3A_555 {strides = array<i32>} : memref<16x144xf32, #tpu.memory_space<vmem>>, vector<16xf32>,
        %get3A_560 = arith.constant 3 : i32
        %get3A_561 = arith.index_cast %get3A_560 : i32 to index
        %get3A_562 = arith.constant 32 : index
        %get3A_563 = tpu.vector_load %arg14[%get3A_561, %get3A_562] {strides = array<i32>} : memref<16x144xf32, #tpu.memory_space<vmem>>, vector<16xf32>,
        %mul3A_564 = arith.mulf %get3A_563, %gather3A_535 : vector<16xf32>
        %swap3A_565 = arith.constant 3 : i32
        %swap3A_566 = arith.index_cast %swap3A_565 : i32 to index
        %swap3A_567 = arith.constant 32 : index
        %swap3A_568 = tpu.vector_load %arg15[%swap3A_566, %swap3A_567] {strides = array<i32>} : memref<16x144xf32, #tpu.memory_space<vmem>>, vector<16xf32>,
        tpu.vector_store %arg15[%swap3A_566, %swap3A_567], %mul3A_564 {strides = array<i32>} : memref<16x144xf32, #tpu.memory_space<vmem>>, vector<16xf32>,
        %get3A_569 = arith.constant 3 : i32
        %get3A_570 = arith.index_cast %get3A_569 : i32 to index
        %get3A_571 = arith.constant 48 : index
        %get3A_572 = tpu.vector_load %arg14[%get3A_570, %get3A_571] {strides = array<i32>} : memref<16x144xf32, #tpu.memory_space<vmem>>, vector<16xf32>,
        %mul3A_573 = arith.mulf %get3A_572, %gather3A_535 : vector<16xf32>
        %swap3A_574 = arith.constant 3 : i32
        %swap3A_575 = arith.index_cast %swap3A_574 : i32 to index
        %swap3A_576 = arith.constant 48 : index
        %swap3A_577 = tpu.vector_load %arg15[%swap3A_575, %swap3A_576] {strides = array<i32>} : memref<16x144xf32, #tpu.memory_space<vmem>>, vector<16xf32>,
        tpu.vector_store %arg15[%swap3A_575, %swap3A_576], %mul3A_573 {strides = array<i32>} : memref<16x144xf32, #tpu.memory_space<vmem>>, vector<16xf32>,
        %get3A_578 = arith.constant 3 : i32
        %get3A_579 = arith.index_cast %get3A_578 : i32 to index
        %get3A_580 = arith.constant 64 : index
        %get3A_581 = tpu.vector_load %arg14[%get3A_579, %get3A_580] {strides = array<i32>} : memref<16x144xf32, #tpu.memory_space<vmem>>, vector<16xf32>,
        %mul3A_582 = arith.mulf %get3A_581, %gather3A_538 : vector<16xf32>
        %swap3A_583 = arith.constant 3 : i32
        %swap3A_584 = arith.index_cast %swap3A_583 : i32 to index
        %swap3A_585 = arith.constant 64 : index
        %swap3A_586 = tpu.vector_load %arg15[%swap3A_584, %swap3A_585] {strides = array<i32>} : memref<16x144xf32, #tpu.memory_space<vmem>>, vector<16xf32>,
        tpu.vector_store %arg15[%swap3A_584, %swap3A_585], %mul3A_582 {strides = array<i32>} : memref<16x144xf32, #tpu.memory_space<vmem>>, vector<16xf32>,
        %get3A_587 = arith.constant 3 : i32
        %get3A_588 = arith.index_cast %get3A_587 : i32 to index
        %get3A_589 = arith.constant 80 : index
        %get3A_590 = tpu.vector_load %arg14[%get3A_588, %get3A_589] {strides = array<i32>} : memref<16x144xf32, #tpu.memory_space<vmem>>, vector<16xf32>,
        %mul3A_591 = arith.mulf %get3A_590, %gather3A_538 : vector<16xf32>
        %swap3A_592 = arith.constant 3 : i32
        %swap3A_593 = arith.index_cast %swap3A_592 : i32 to index
        %swap3A_594 = arith.constant 80 : index
        %swap3A_595 = tpu.vector_load %arg15[%swap3A_593, %swap3A_594] {strides = array<i32>} : memref<16x144xf32, #tpu.memory_space<vmem>>, vector<16xf32>,
        tpu.vector_store %arg15[%swap3A_593, %swap3A_594], %mul3A_591 {strides = array<i32>} : memref<16x144xf32, #tpu.memory_space<vmem>>, vector<16xf32>,
        %get3A_596 = arith.constant 3 : i32
        %get3A_597 = arith.index_cast %get3A_596 : i32 to index
        %get3A_598 = arith.constant 96 : index
        %get3A_599 = tpu.vector_load %arg14[%get3A_597, %get3A_598] {strides = array<i32>} : memref<16x144xf32, #tpu.memory_space<vmem>>, vector<16xf32>,
        %mul3A_600 = arith.mulf %get3A_599, %gather3A_541 : vector<16xf32>
        %swap3A_601 = arith.constant 3 : i32
        %swap3A_602 = arith.index_cast %swap3A_601 : i32 to index
        %swap3A_603 = arith.constant 96 : index
        %swap3A_604 = tpu.vector_load %arg15[%swap3A_602, %swap3A_603] {strides = array<i32>} : memref<16x144xf32, #tpu.memory_space<vmem>>, vector<16xf32>,
        tpu.vector_store %arg15[%swap3A_602, %swap3A_603], %mul3A_600 {strides = array<i32>} : memref<16x144xf32, #tpu.memory_space<vmem>>, vector<16xf32>,
        %get3A_605 = arith.constant 3 : i32
        %get3A_606 = arith.index_cast %get3A_605 : i32 to index
        %get3A_607 = arith.constant 112 : index
        %get3A_608 = tpu.vector_load %arg14[%get3A_606, %get3A_607] {strides = array<i32>} : memref<16x144xf32, #tpu.memory_space<vmem>>, vector<16xf32>,
        %mul3A_609 = arith.mulf %get3A_608, %gather3A_541 : vector<16xf32>
        %swap3A_610 = arith.constant 3 : i32
        %swap3A_611 = arith.index_cast %swap3A_610 : i32 to index
        %swap3A_612 = arith.constant 112 : index
        %swap3A_613 = tpu.vector_load %arg15[%swap3A_611, %swap3A_612] {strides = array<i32>} : memref<16x144xf32, #tpu.memory_space<vmem>>, vector<16xf32>,
        tpu.vector_store %arg15[%swap3A_611, %swap3A_612], %mul3A_609 {strides = array<i32>} : memref<16x144xf32, #tpu.memory_space<vmem>>, vector<16xf32>,
        %broadcast_in_dim3A_614 = arith.constant 4 : i32
        %broadcast_in_dim3A_615 = vector.broadcast %broadcast_in_dim3A_614 : i32 to vector<16xi32>
        %reshape3A_616 = vector.shape_cast %broadcast_in_dim3A_615 : vector<16xi32> to vector<16x1xi32>
        %gather3A_617 = vector.shape_cast %reshape3A_616 : vector<16x1xi32> to vector<16xi32>
        %gather3A_618 = tpu.dynamic_gather %exp3A[%gather3A_617] in [0] : vector<16xf32>, vector<16xi32> -> vector<16xf32>
        %reshape3A_619 = vector.shape_cast %broadcast_in_dim3A_615 : vector<16xi32> to vector<16x1xi32>
        %gather3A_620 = vector.shape_cast %reshape3A_619 : vector<16x1xi32> to vector<16xi32>
        %gather3A_621 = tpu.dynamic_gather %exp3A_215[%gather3A_620] in [0] : vector<16xf32>, vector<16xi32> -> vector<16xf32>
        %reshape3A_622 = vector.shape_cast %broadcast_in_dim3A_615 : vector<16xi32> to vector<16x1xi32>
        %gather3A_623 = vector.shape_cast %reshape3A_622 : vector<16x1xi32> to vector<16xi32>
        %gather3A_624 = tpu.dynamic_gather %exp3A_241[%gather3A_623] in [0] : vector<16xf32>, vector<16xi32> -> vector<16xf32>
        %reshape3A_625 = vector.shape_cast %broadcast_in_dim3A_615 : vector<16xi32> to vector<16x1xi32>
        %gather3A_626 = vector.shape_cast %reshape3A_625 : vector<16x1xi32> to vector<16xi32>
        %gather3A_627 = tpu.dynamic_gather %exp3A_267[%gather3A_626] in [0] : vector<16xf32>, vector<16xi32> -> vector<16xf32>
        %get3A_628 = arith.constant 4 : i32
        %get3A_629 = arith.index_cast %get3A_628 : i32 to index
        %get3A_630 = arith.constant 0 : index
        %get3A_631 = tpu.vector_load %arg14[%get3A_629, %get3A_630] {strides = array<i32>} : memref<16x144xf32, #tpu.memory_space<vmem>>, vector<16xf32>,
        %mul3A_632 = arith.mulf %get3A_631, %gather3A_618 : vector<16xf32>
        %swap3A_633 = arith.constant 4 : i32
        %swap3A_634 = arith.index_cast %swap3A_633 : i32 to index
        %swap3A_635 = arith.constant 0 : index
        %swap3A_636 = tpu.vector_load %arg15[%swap3A_634, %swap3A_635] {strides = array<i32>} : memref<16x144xf32, #tpu.memory_space<vmem>>, vector<16xf32>,
        tpu.vector_store %arg15[%swap3A_634, %swap3A_635], %mul3A_632 {strides = array<i32>} : memref<16x144xf32, #tpu.memory_space<vmem>>, vector<16xf32>,
        %get3A_637 = arith.constant 4 : i32
        %get3A_638 = arith.index_cast %get3A_637 : i32 to index
        %get3A_639 = arith.constant 16 : index
        %get3A_640 = tpu.vector_load %arg14[%get3A_638, %get3A_639] {strides = array<i32>} : memref<16x144xf32, #tpu.memory_space<vmem>>, vector<16xf32>,
        %mul3A_641 = arith.mulf %get3A_640, %gather3A_618 : vector<16xf32>
        %swap3A_642 = arith.constant 4 : i32
        %swap3A_643 = arith.index_cast %swap3A_642 : i32 to index
        %swap3A_644 = arith.constant 16 : index
        %swap3A_645 = tpu.vector_load %arg15[%swap3A_643, %swap3A_644] {strides = array<i32>} : memref<16x144xf32, #tpu.memory_space<vmem>>, vector<16xf32>,
        tpu.vector_store %arg15[%swap3A_643, %swap3A_644], %mul3A_641 {strides = array<i32>} : memref<16x144xf32, #tpu.memory_space<vmem>>, vector<16xf32>,
        %get3A_646 = arith.constant 4 : i32
        %get3A_647 = arith.index_cast %get3A_646 : i32 to index
        %get3A_648 = arith.constant 32 : index
        %get3A_649 = tpu.vector_load %arg14[%get3A_647, %get3A_648] {strides = array<i32>} : memref<16x144xf32, #tpu.memory_space<vmem>>, vector<16xf32>,
        %mul3A_650 = arith.mulf %get3A_649, %gather3A_621 : vector<16xf32>
        %swap3A_651 = arith.constant 4 : i32
        %swap3A_652 = arith.index_cast %swap3A_651 : i32 to index
        %swap3A_653 = arith.constant 32 : index
        %swap3A_654 = tpu.vector_load %arg15[%swap3A_652, %swap3A_653] {strides = array<i32>} : memref<16x144xf32, #tpu.memory_space<vmem>>, vector<16xf32>,
        tpu.vector_store %arg15[%swap3A_652, %swap3A_653], %mul3A_650 {strides = array<i32>} : memref<16x144xf32, #tpu.memory_space<vmem>>, vector<16xf32>,
        %get3A_655 = arith.constant 4 : i32
        %get3A_656 = arith.index_cast %get3A_655 : i32 to index
        %get3A_657 = arith.constant 48 : index
        %get3A_658 = tpu.vector_load %arg14[%get3A_656, %get3A_657] {strides = array<i32>} : memref<16x144xf32, #tpu.memory_space<vmem>>, vector<16xf32>,
        %mul3A_659 = arith.mulf %get3A_658, %gather3A_621 : vector<16xf32>
        %swap3A_660 = arith.constant 4 : i32
        %swap3A_661 = arith.index_cast %swap3A_660 : i32 to index
        %swap3A_662 = arith.constant 48 : index
        %swap3A_663 = tpu.vector_load %arg15[%swap3A_661, %swap3A_662] {strides = array<i32>} : memref<16x144xf32, #tpu.memory_space<vmem>>, vector<16xf32>,
        tpu.vector_store %arg15[%swap3A_661, %swap3A_662], %mul3A_659 {strides = array<i32>} : memref<16x144xf32, #tpu.memory_space<vmem>>, vector<16xf32>,
        %get3A_664 = arith.constant 4 : i32
        %get3A_665 = arith.index_cast %get3A_664 : i32 to index
        %get3A_666 = arith.constant 64 : index
        %get3A_667 = tpu.vector_load %arg14[%get3A_665, %get3A_666] {strides = array<i32>} : memref<16x144xf32, #tpu.memory_space<vmem>>, vector<16xf32>,
        %mul3A_668 = arith.mulf %get3A_667, %gather3A_624 : vector<16xf32>
        %swap3A_669 = arith.constant 4 : i32
        %swap3A_670 = arith.index_cast %swap3A_669 : i32 to index
        %swap3A_671 = arith.constant 64 : index
        %swap3A_672 = tpu.vector_load %arg15[%swap3A_670, %swap3A_671] {strides = array<i32>} : memref<16x144xf32, #tpu.memory_space<vmem>>, vector<16xf32>,
        tpu.vector_store %arg15[%swap3A_670, %swap3A_671], %mul3A_668 {strides = array<i32>} : memref<16x144xf32, #tpu.memory_space<vmem>>, vector<16xf32>,
        %get3A_673 = arith.constant 4 : i32
        %get3A_674 = arith.index_cast %get3A_673 : i32 to index
        %get3A_675 = arith.constant 80 : index
        %get3A_676 = tpu.vector_load %arg14[%get3A_674, %get3A_675] {strides = array<i32>} : memref<16x144xf32, #tpu.memory_space<vmem>>, vector<16xf32>,
        %mul3A_677 = arith.mulf %get3A_676, %gather3A_624 : vector<16xf32>
        %swap3A_678 = arith.constant 4 : i32
        %swap3A_679 = arith.index_cast %swap3A_678 : i32 to index
        %swap3A_680 = arith.constant 80 : index
        %swap3A_681 = tpu.vector_load %arg15[%swap3A_679, %swap3A_680] {strides = array<i32>} : memref<16x144xf32, #tpu.memory_space<vmem>>, vector<16xf32>,
        tpu.vector_store %arg15[%swap3A_679, %swap3A_680], %mul3A_677 {strides = array<i32>} : memref<16x144xf32, #tpu.memory_space<vmem>>, vector<16xf32>,
        %get3A_682 = arith.constant 4 : i32
        %get3A_683 = arith.index_cast %get3A_682 : i32 to index
        %get3A_684 = arith.constant 96 : index
        %get3A_685 = tpu.vector_load %arg14[%get3A_683, %get3A_684] {strides = array<i32>} : memref<16x144xf32, #tpu.memory_space<vmem>>, vector<16xf32>,
        %mul3A_686 = arith.mulf %get3A_685, %gather3A_627 : vector<16xf32>
        %swap3A_687 = arith.constant 4 : i32
        %swap3A_688 = arith.index_cast %swap3A_687 : i32 to index
        %swap3A_689 = arith.constant 96 : index
        %swap3A_690 = tpu.vector_load %arg15[%swap3A_688, %swap3A_689] {strides = array<i32>} : memref<16x144xf32, #tpu.memory_space<vmem>>, vector<16xf32>,
        tpu.vector_store %arg15[%swap3A_688, %swap3A_689], %mul3A_686 {strides = array<i32>} : memref<16x144xf32, #tpu.memory_space<vmem>>, vector<16xf32>,
        %get3A_691 = arith.constant 4 : i32
        %get3A_692 = arith.index_cast %get3A_691 : i32 to index
        %get3A_693 = arith.constant 112 : index
        %get3A_694 = tpu.vector_load %arg14[%get3A_692, %get3A_693] {strides = array<i32>} : memref<16x144xf32, #tpu.memory_space<vmem>>, vector<16xf32>,
        %mul3A_695 = arith.mulf %get3A_694, %gather3A_627 : vector<16xf32>
        %swap3A_696 = arith.constant 4 : i32
        %swap3A_697 = arith.index_cast %swap3A_696 : i32 to index
        %swap3A_698 = arith.constant 112 : index
        %swap3A_699 = tpu.vector_load %arg15[%swap3A_697, %swap3A_698] {strides = array<i32>} : memref<16x144xf32, #tpu.memory_space<vmem>>, vector<16xf32>,
        tpu.vector_store %arg15[%swap3A_697, %swap3A_698], %mul3A_695 {strides = array<i32>} : memref<16x144xf32, #tpu.memory_space<vmem>>, vector<16xf32>,
        %broadcast_in_dim3A_700 = arith.constant 5 : i32
        %broadcast_in_dim3A_701 = vector.broadcast %broadcast_in_dim3A_700 : i32 to vector<16xi32>
        %reshape3A_702 = vector.shape_cast %broadcast_in_dim3A_701 : vector<16xi32> to vector<16x1xi32>
        %gather3A_703 = vector.shape_cast %reshape3A_702 : vector<16x1xi32> to vector<16xi32>
        %gather3A_704 = tpu.dynamic_gather %exp3A[%gather3A_703] in [0] : vector<16xf32>, vector<16xi32> -> vector<16xf32>
        %reshape3A_705 = vector.shape_cast %broadcast_in_dim3A_701 : vector<16xi32> to vector<16x1xi32>
        %gather3A_706 = vector.shape_cast %reshape3A_705 : vector<16x1xi32> to vector<16xi32>
        %gather3A_707 = tpu.dynamic_gather %exp3A_215[%gather3A_706] in [0] : vector<16xf32>, vector<16xi32> -> vector<16xf32>
        %reshape3A_708 = vector.shape_cast %broadcast_in_dim3A_701 : vector<16xi32> to vector<16x1xi32>
        %gather3A_709 = vector.shape_cast %reshape3A_708 : vector<16x1xi32> to vector<16xi32>
        %gather3A_710 = tpu.dynamic_gather %exp3A_241[%gather3A_709] in [0] : vector<16xf32>, vector<16xi32> -> vector<16xf32>
        %reshape3A_711 = vector.shape_cast %broadcast_in_dim3A_701 : vector<16xi32> to vector<16x1xi32>
        %gather3A_712 = vector.shape_cast %reshape3A_711 : vector<16x1xi32> to vector<16xi32>
        %gather3A_713 = tpu.dynamic_gather %exp3A_267[%gather3A_712] in [0] : vector<16xf32>, vector<16xi32> -> vector<16xf32>
        %get3A_714 = arith.constant 5 : i32
        %get3A_715 = arith.index_cast %get3A_714 : i32 to index
        %get3A_716 = arith.constant 0 : index
        %get3A_717 = tpu.vector_load %arg14[%get3A_715, %get3A_716] {strides = array<i32>} : memref<16x144xf32, #tpu.memory_space<vmem>>, vector<16xf32>,
        %mul3A_718 = arith.mulf %get3A_717, %gather3A_704 : vector<16xf32>
        %swap3A_719 = arith.constant 5 : i32
        %swap3A_720 = arith.index_cast %swap3A_719 : i32 to index
        %swap3A_721 = arith.constant 0 : index
        %swap3A_722 = tpu.vector_load %arg15[%swap3A_720, %swap3A_721] {strides = array<i32>} : memref<16x144xf32, #tpu.memory_space<vmem>>, vector<16xf32>,
        tpu.vector_store %arg15[%swap3A_720, %swap3A_721], %mul3A_718 {strides = array<i32>} : memref<16x144xf32, #tpu.memory_space<vmem>>, vector<16xf32>,
        %get3A_723 = arith.constant 5 : i32
        %get3A_724 = arith.index_cast %get3A_723 : i32 to index
        %get3A_725 = arith.constant 16 : index
        %get3A_726 = tpu.vector_load %arg14[%get3A_724, %get3A_725] {strides = array<i32>} : memref<16x144xf32, #tpu.memory_space<vmem>>, vector<16xf32>,
        %mul3A_727 = arith.mulf %get3A_726, %gather3A_704 : vector<16xf32>
        %swap3A_728 = arith.constant 5 : i32
        %swap3A_729 = arith.index_cast %swap3A_728 : i32 to index
        %swap3A_730 = arith.constant 16 : index
        %swap3A_731 = tpu.vector_load %arg15[%swap3A_729, %swap3A_730] {strides = array<i32>} : memref<16x144xf32, #tpu.memory_space<vmem>>, vector<16xf32>,
        tpu.vector_store %arg15[%swap3A_729, %swap3A_730], %mul3A_727 {strides = array<i32>} : memref<16x144xf32, #tpu.memory_space<vmem>>, vector<16xf32>,
        %get3A_732 = arith.constant 5 : i32
        %get3A_733 = arith.index_cast %get3A_732 : i32 to index
        %get3A_734 = arith.constant 32 : index
        %get3A_735 = tpu.vector_load %arg14[%get3A_733, %get3A_734] {strides = array<i32>} : memref<16x144xf32, #tpu.memory_space<vmem>>, vector<16xf32>,
        %mul3A_736 = arith.mulf %get3A_735, %gather3A_707 : vector<16xf32>
        %swap3A_737 = arith.constant 5 : i32
        %swap3A_738 = arith.index_cast %swap3A_737 : i32 to index
        %swap3A_739 = arith.constant 32 : index
        %swap3A_740 = tpu.vector_load %arg15[%swap3A_738, %swap3A_739] {strides = array<i32>} : memref<16x144xf32, #tpu.memory_space<vmem>>, vector<16xf32>,
        tpu.vector_store %arg15[%swap3A_738, %swap3A_739], %mul3A_736 {strides = array<i32>} : memref<16x144xf32, #tpu.memory_space<vmem>>, vector<16xf32>,
        %get3A_741 = arith.constant 5 : i32
        %get3A_742 = arith.index_cast %get3A_741 : i32 to index
        %get3A_743 = arith.constant 48 : index
        %get3A_744 = tpu.vector_load %arg14[%get3A_742, %get3A_743] {strides = array<i32>} : memref<16x144xf32, #tpu.memory_space<vmem>>, vector<16xf32>,
        %mul3A_745 = arith.mulf %get3A_744, %gather3A_707 : vector<16xf32>
        %swap3A_746 = arith.constant 5 : i32
        %swap3A_747 = arith.index_cast %swap3A_746 : i32 to index
        %swap3A_748 = arith.constant 48 : index
        %swap3A_749 = tpu.vector_load %arg15[%swap3A_747, %swap3A_748] {strides = array<i32>} : memref<16x144xf32, #tpu.memory_space<vmem>>, vector<16xf32>,
        tpu.vector_store %arg15[%swap3A_747, %swap3A_748], %mul3A_745 {strides = array<i32>} : memref<16x144xf32, #tpu.memory_space<vmem>>, vector<16xf32>,
        %get3A_750 = arith.constant 5 : i32
        %get3A_751 = arith.index_cast %get3A_750 : i32 to index
        %get3A_752 = arith.constant 64 : index
        %get3A_753 = tpu.vector_load %arg14[%get3A_751, %get3A_752] {strides = array<i32>} : memref<16x144xf32, #tpu.memory_space<vmem>>, vector<16xf32>,
        %mul3A_754 = arith.mulf %get3A_753, %gather3A_710 : vector<16xf32>
        %swap3A_755 = arith.constant 5 : i32
        %swap3A_756 = arith.index_cast %swap3A_755 : i32 to index
        %swap3A_757 = arith.constant 64 : index
        %swap3A_758 = tpu.vector_load %arg15[%swap3A_756, %swap3A_757] {strides = array<i32>} : memref<16x144xf32, #tpu.memory_space<vmem>>, vector<16xf32>,
        tpu.vector_store %arg15[%swap3A_756, %swap3A_757], %mul3A_754 {strides = array<i32>} : memref<16x144xf32, #tpu.memory_space<vmem>>, vector<16xf32>,
        %get3A_759 = arith.constant 5 : i32
        %get3A_760 = arith.index_cast %get3A_759 : i32 to index
        %get3A_761 = arith.constant 80 : index
        %get3A_762 = tpu.vector_load %arg14[%get3A_760, %get3A_761] {strides = array<i32>} : memref<16x144xf32, #tpu.memory_space<vmem>>, vector<16xf32>,
        %mul3A_763 = arith.mulf %get3A_762, %gather3A_710 : vector<16xf32>
        %swap3A_764 = arith.constant 5 : i32
        %swap3A_765 = arith.index_cast %swap3A_764 : i32 to index
        %swap3A_766 = arith.constant 80 : index
        %swap3A_767 = tpu.vector_load %arg15[%swap3A_765, %swap3A_766] {strides = array<i32>} : memref<16x144xf32, #tpu.memory_space<vmem>>, vector<16xf32>,
        tpu.vector_store %arg15[%swap3A_765, %swap3A_766], %mul3A_763 {strides = array<i32>} : memref<16x144xf32, #tpu.memory_space<vmem>>, vector<16xf32>,
        %get3A_768 = arith.constant 5 : i32
        %get3A_769 = arith.index_cast %get3A_768 : i32 to index
        %get3A_770 = arith.constant 96 : index
        %get3A_771 = tpu.vector_load %arg14[%get3A_769, %get3A_770] {strides = array<i32>} : memref<16x144xf32, #tpu.memory_space<vmem>>, vector<16xf32>,
        %mul3A_772 = arith.mulf %get3A_771, %gather3A_713 : vector<16xf32>
        %swap3A_773 = arith.constant 5 : i32
        %swap3A_774 = arith.index_cast %swap3A_773 : i32 to index
        %swap3A_775 = arith.constant 96 : index
        %swap3A_776 = tpu.vector_load %arg15[%swap3A_774, %swap3A_775] {strides = array<i32>} : memref<16x144xf32, #tpu.memory_space<vmem>>, vector<16xf32>,
        tpu.vector_store %arg15[%swap3A_774, %swap3A_775], %mul3A_772 {strides = array<i32>} : memref<16x144xf32, #tpu.memory_space<vmem>>, vector<16xf32>,
        %get3A_777 = arith.constant 5 : i32
        %get3A_778 = arith.index_cast %get3A_777 : i32 to index
        %get3A_779 = arith.constant 112 : index
        %get3A_780 = tpu.vector_load %arg14[%get3A_778, %get3A_779] {strides = array<i32>} : memref<16x144xf32, #tpu.memory_space<vmem>>, vector<16xf32>,
        %mul3A_781 = arith.mulf %get3A_780, %gather3A_713 : vector<16xf32>
        %swap3A_782 = arith.constant 5 : i32
        %swap3A_783 = arith.index_cast %swap3A_782 : i32 to index
        %swap3A_784 = arith.constant 112 : index
        %swap3A_785 = tpu.vector_load %arg15[%swap3A_783, %swap3A_784] {strides = array<i32>} : memref<16x144xf32, #tpu.memory_space<vmem>>, vector<16xf32>,
        tpu.vector_store %arg15[%swap3A_783, %swap3A_784], %mul3A_781 {strides = array<i32>} : memref<16x144xf32, #tpu.memory_space<vmem>>, vector<16xf32>,
        %broadcast_in_dim3A_786 = arith.constant 6 : i32
        %broadcast_in_dim3A_787 = vector.broadcast %broadcast_in_dim3A_786 : i32 to vector<16xi32>
        %reshape3A_788 = vector.shape_cast %broadcast_in_dim3A_787 : vector<16xi32> to vector<16x1xi32>
        %gather3A_789 = vector.shape_cast %reshape3A_788 : vector<16x1xi32> to vector<16xi32>
        %gather3A_790 = tpu.dynamic_gather %exp3A[%gather3A_789] in [0] : vector<16xf32>, vector<16xi32> -> vector<16xf32>
        %reshape3A_791 = vector.shape_cast %broadcast_in_dim3A_787 : vector<16xi32> to vector<16x1xi32>
        %gather3A_792 = vector.shape_cast %reshape3A_791 : vector<16x1xi32> to vector<16xi32>
        %gather3A_793 = tpu.dynamic_gather %exp3A_215[%gather3A_792] in [0] : vector<16xf32>, vector<16xi32> -> vector<16xf32>
        %reshape3A_794 = vector.shape_cast %broadcast_in_dim3A_787 : vector<16xi32> to vector<16x1xi32>
        %gather3A_795 = vector.shape_cast %reshape3A_794 : vector<16x1xi32> to vector<16xi32>
        %gather3A_796 = tpu.dynamic_gather %exp3A_241[%gather3A_795] in [0] : vector<16xf32>, vector<16xi32> -> vector<16xf32>
        %reshape3A_797 = vector.shape_cast %broadcast_in_dim3A_787 : vector<16xi32> to vector<16x1xi32>
        %gather3A_798 = vector.shape_cast %reshape3A_797 : vector<16x1xi32> to vector<16xi32>
        %gather3A_799 = tpu.dynamic_gather %exp3A_267[%gather3A_798] in [0] : vector<16xf32>, vector<16xi32> -> vector<16xf32>
        %get3A_800 = arith.constant 6 : i32
        %get3A_801 = arith.index_cast %get3A_800 : i32 to index
        %get3A_802 = arith.constant 0 : index
        %get3A_803 = tpu.vector_load %arg14[%get3A_801, %get3A_802] {strides = array<i32>} : memref<16x144xf32, #tpu.memory_space<vmem>>, vector<16xf32>,
        %mul3A_804 = arith.mulf %get3A_803, %gather3A_790 : vector<16xf32>
        %swap3A_805 = arith.constant 6 : i32
        %swap3A_806 = arith.index_cast %swap3A_805 : i32 to index
        %swap3A_807 = arith.constant 0 : index
        %swap3A_808 = tpu.vector_load %arg15[%swap3A_806, %swap3A_807] {strides = array<i32>} : memref<16x144xf32, #tpu.memory_space<vmem>>, vector<16xf32>,
        tpu.vector_store %arg15[%swap3A_806, %swap3A_807], %mul3A_804 {strides = array<i32>} : memref<16x144xf32, #tpu.memory_space<vmem>>, vector<16xf32>,
        %get3A_809 = arith.constant 6 : i32
        %get3A_810 = arith.index_cast %get3A_809 : i32 to index
        %get3A_811 = arith.constant 16 : index
        %get3A_812 = tpu.vector_load %arg14[%get3A_810, %get3A_811] {strides = array<i32>} : memref<16x144xf32, #tpu.memory_space<vmem>>, vector<16xf32>,
        %mul3A_813 = arith.mulf %get3A_812, %gather3A_790 : vector<16xf32>
        %swap3A_814 = arith.constant 6 : i32
        %swap3A_815 = arith.index_cast %swap3A_814 : i32 to index
        %swap3A_816 = arith.constant 16 : index
        %swap3A_817 = tpu.vector_load %arg15[%swap3A_815, %swap3A_816] {strides = array<i32>} : memref<16x144xf32, #tpu.memory_space<vmem>>, vector<16xf32>,
        tpu.vector_store %arg15[%swap3A_815, %swap3A_816], %mul3A_813 {strides = array<i32>} : memref<16x144xf32, #tpu.memory_space<vmem>>, vector<16xf32>,
        %get3A_818 = arith.constant 6 : i32
        %get3A_819 = arith.index_cast %get3A_818 : i32 to index
        %get3A_820 = arith.constant 32 : index
        %get3A_821 = tpu.vector_load %arg14[%get3A_819, %get3A_820] {strides = array<i32>} : memref<16x144xf32, #tpu.memory_space<vmem>>, vector<16xf32>,
        %mul3A_822 = arith.mulf %get3A_821, %gather3A_793 : vector<16xf32>
        %swap3A_823 = arith.constant 6 : i32
        %swap3A_824 = arith.index_cast %swap3A_823 : i32 to index
        %swap3A_825 = arith.constant 32 : index
        %swap3A_826 = tpu.vector_load %arg15[%swap3A_824, %swap3A_825] {strides = array<i32>} : memref<16x144xf32, #tpu.memory_space<vmem>>, vector<16xf32>,
        tpu.vector_store %arg15[%swap3A_824, %swap3A_825], %mul3A_822 {strides = array<i32>} : memref<16x144xf32, #tpu.memory_space<vmem>>, vector<16xf32>,
        %get3A_827 = arith.constant 6 : i32
        %get3A_828 = arith.index_cast %get3A_827 : i32 to index
        %get3A_829 = arith.constant 48 : index
        %get3A_830 = tpu.vector_load %arg14[%get3A_828, %get3A_829] {strides = array<i32>} : memref<16x144xf32, #tpu.memory_space<vmem>>, vector<16xf32>,
        %mul3A_831 = arith.mulf %get3A_830, %gather3A_793 : vector<16xf32>
        %swap3A_832 = arith.constant 6 : i32
        %swap3A_833 = arith.index_cast %swap3A_832 : i32 to index
        %swap3A_834 = arith.constant 48 : index
        %swap3A_835 = tpu.vector_load %arg15[%swap3A_833, %swap3A_834] {strides = array<i32>} : memref<16x144xf32, #tpu.memory_space<vmem>>, vector<16xf32>,
        tpu.vector_store %arg15[%swap3A_833, %swap3A_834], %mul3A_831 {strides = array<i32>} : memref<16x144xf32, #tpu.memory_space<vmem>>, vector<16xf32>,
        %get3A_836 = arith.constant 6 : i32
        %get3A_837 = arith.index_cast %get3A_836 : i32 to index
        %get3A_838 = arith.constant 64 : index
        %get3A_839 = tpu.vector_load %arg14[%get3A_837, %get3A_838] {strides = array<i32>} : memref<16x144xf32, #tpu.memory_space<vmem>>, vector<16xf32>,
        %mul3A_840 = arith.mulf %get3A_839, %gather3A_796 : vector<16xf32>
        %swap3A_841 = arith.constant 6 : i32
        %swap3A_842 = arith.index_cast %swap3A_841 : i32 to index
        %swap3A_843 = arith.constant 64 : index
        %swap3A_844 = tpu.vector_load %arg15[%swap3A_842, %swap3A_843] {strides = array<i32>} : memref<16x144xf32, #tpu.memory_space<vmem>>, vector<16xf32>,
        tpu.vector_store %arg15[%swap3A_842, %swap3A_843], %mul3A_840 {strides = array<i32>} : memref<16x144xf32, #tpu.memory_space<vmem>>, vector<16xf32>,
        %get3A_845 = arith.constant 6 : i32
        %get3A_846 = arith.index_cast %get3A_845 : i32 to index
        %get3A_847 = arith.constant 80 : index
        %get3A_848 = tpu.vector_load %arg14[%get3A_846, %get3A_847] {strides = array<i32>} : memref<16x144xf32, #tpu.memory_space<vmem>>, vector<16xf32>,
        %mul3A_849 = arith.mulf %get3A_848, %gather3A_796 : vector<16xf32>
        %swap3A_850 = arith.constant 6 : i32
        %swap3A_851 = arith.index_cast %swap3A_850 : i32 to index
        %swap3A_852 = arith.constant 80 : index
        %swap3A_853 = tpu.vector_load %arg15[%swap3A_851, %swap3A_852] {strides = array<i32>} : memref<16x144xf32, #tpu.memory_space<vmem>>, vector<16xf32>,
        tpu.vector_store %arg15[%swap3A_851, %swap3A_852], %mul3A_849 {strides = array<i32>} : memref<16x144xf32, #tpu.memory_space<vmem>>, vector<16xf32>,
        %get3A_854 = arith.constant 6 : i32
        %get3A_855 = arith.index_cast %get3A_854 : i32 to index
        %get3A_856 = arith.constant 96 : index
        %get3A_857 = tpu.vector_load %arg14[%get3A_855, %get3A_856] {strides = array<i32>} : memref<16x144xf32, #tpu.memory_space<vmem>>, vector<16xf32>,
        %mul3A_858 = arith.mulf %get3A_857, %gather3A_799 : vector<16xf32>
        %swap3A_859 = arith.constant 6 : i32
        %swap3A_860 = arith.index_cast %swap3A_859 : i32 to index
        %swap3A_861 = arith.constant 96 : index
        %swap3A_862 = tpu.vector_load %arg15[%swap3A_860, %swap3A_861] {strides = array<i32>} : memref<16x144xf32, #tpu.memory_space<vmem>>, vector<16xf32>,
        tpu.vector_store %arg15[%swap3A_860, %swap3A_861], %mul3A_858 {strides = array<i32>} : memref<16x144xf32, #tpu.memory_space<vmem>>, vector<16xf32>,
        %get3A_863 = arith.constant 6 : i32
        %get3A_864 = arith.index_cast %get3A_863 : i32 to index
        %get3A_865 = arith.constant 112 : index
        %get3A_866 = tpu.vector_load %arg14[%get3A_864, %get3A_865] {strides = array<i32>} : memref<16x144xf32, #tpu.memory_space<vmem>>, vector<16xf32>,
        %mul3A_867 = arith.mulf %get3A_866, %gather3A_799 : vector<16xf32>
        %swap3A_868 = arith.constant 6 : i32
        %swap3A_869 = arith.index_cast %swap3A_868 : i32 to index
        %swap3A_870 = arith.constant 112 : index
        %swap3A_871 = tpu.vector_load %arg15[%swap3A_869, %swap3A_870] {strides = array<i32>} : memref<16x144xf32, #tpu.memory_space<vmem>>, vector<16xf32>,
        tpu.vector_store %arg15[%swap3A_869, %swap3A_870], %mul3A_867 {strides = array<i32>} : memref<16x144xf32, #tpu.memory_space<vmem>>, vector<16xf32>,
        %broadcast_in_dim3A_872 = arith.constant 7 : i32
        %broadcast_in_dim3A_873 = vector.broadcast %broadcast_in_dim3A_872 : i32 to vector<16xi32>
        %reshape3A_874 = vector.shape_cast %broadcast_in_dim3A_873 : vector<16xi32> to vector<16x1xi32>
        %gather3A_875 = vector.shape_cast %reshape3A_874 : vector<16x1xi32> to vector<16xi32>
        %gather3A_876 = tpu.dynamic_gather %exp3A[%gather3A_875] in [0] : vector<16xf32>, vector<16xi32> -> vector<16xf32>
        %reshape3A_877 = vector.shape_cast %broadcast_in_dim3A_873 : vector<16xi32> to vector<16x1xi32>
        %gather3A_878 = vector.shape_cast %reshape3A_877 : vector<16x1xi32> to vector<16xi32>
        %gather3A_879 = tpu.dynamic_gather %exp3A_215[%gather3A_878] in [0] : vector<16xf32>, vector<16xi32> -> vector<16xf32>
        %reshape3A_880 = vector.shape_cast %broadcast_in_dim3A_873 : vector<16xi32> to vector<16x1xi32>
        %gather3A_881 = vector.shape_cast %reshape3A_880 : vector<16x1xi32> to vector<16xi32>
        %gather3A_882 = tpu.dynamic_gather %exp3A_241[%gather3A_881] in [0] : vector<16xf32>, vector<16xi32> -> vector<16xf32>
        %reshape3A_883 = vector.shape_cast %broadcast_in_dim3A_873 : vector<16xi32> to vector<16x1xi32>
        %gather3A_884 = vector.shape_cast %reshape3A_883 : vector<16x1xi32> to vector<16xi32>
        %gather3A_885 = tpu.dynamic_gather %exp3A_267[%gather3A_884] in [0] : vector<16xf32>, vector<16xi32> -> vector<16xf32>
        %get3A_886 = arith.constant 7 : i32
        %get3A_887 = arith.index_cast %get3A_886 : i32 to index
        %get3A_888 = arith.constant 0 : index
        %get3A_889 = tpu.vector_load %arg14[%get3A_887, %get3A_888] {strides = array<i32>} : memref<16x144xf32, #tpu.memory_space<vmem>>, vector<16xf32>,
        %mul3A_890 = arith.mulf %get3A_889, %gather3A_876 : vector<16xf32>
        %swap3A_891 = arith.constant 7 : i32
        %swap3A_892 = arith.index_cast %swap3A_891 : i32 to index
        %swap3A_893 = arith.constant 0 : index
        %swap3A_894 = tpu.vector_load %arg15[%swap3A_892, %swap3A_893] {strides = array<i32>} : memref<16x144xf32, #tpu.memory_space<vmem>>, vector<16xf32>,
        tpu.vector_store %arg15[%swap3A_892, %swap3A_893], %mul3A_890 {strides = array<i32>} : memref<16x144xf32, #tpu.memory_space<vmem>>, vector<16xf32>,
        %get3A_895 = arith.constant 7 : i32
        %get3A_896 = arith.index_cast %get3A_895 : i32 to index
        %get3A_897 = arith.constant 16 : index
        %get3A_898 = tpu.vector_load %arg14[%get3A_896, %get3A_897] {strides = array<i32>} : memref<16x144xf32, #tpu.memory_space<vmem>>, vector<16xf32>,
        %mul3A_899 = arith.mulf %get3A_898, %gather3A_876 : vector<16xf32>
        %swap3A_900 = arith.constant 7 : i32
        %swap3A_901 = arith.index_cast %swap3A_900 : i32 to index
        %swap3A_902 = arith.constant 16 : index
        %swap3A_903 = tpu.vector_load %arg15[%swap3A_901, %swap3A_902] {strides = array<i32>} : memref<16x144xf32, #tpu.memory_space<vmem>>, vector<16xf32>,
        tpu.vector_store %arg15[%swap3A_901, %swap3A_902], %mul3A_899 {strides = array<i32>} : memref<16x144xf32, #tpu.memory_space<vmem>>, vector<16xf32>,
        %get3A_904 = arith.constant 7 : i32
        %get3A_905 = arith.index_cast %get3A_904 : i32 to index
        %get3A_906 = arith.constant 32 : index
        %get3A_907 = tpu.vector_load %arg14[%get3A_905, %get3A_906] {strides = array<i32>} : memref<16x144xf32, #tpu.memory_space<vmem>>, vector<16xf32>,
        %mul3A_908 = arith.mulf %get3A_907, %gather3A_879 : vector<16xf32>
        %swap3A_909 = arith.constant 7 : i32
        %swap3A_910 = arith.index_cast %swap3A_909 : i32 to index
        %swap3A_911 = arith.constant 32 : index
        %swap3A_912 = tpu.vector_load %arg15[%swap3A_910, %swap3A_911] {strides = array<i32>} : memref<16x144xf32, #tpu.memory_space<vmem>>, vector<16xf32>,
        tpu.vector_store %arg15[%swap3A_910, %swap3A_911], %mul3A_908 {strides = array<i32>} : memref<16x144xf32, #tpu.memory_space<vmem>>, vector<16xf32>,
        %get3A_913 = arith.constant 7 : i32
        %get3A_914 = arith.index_cast %get3A_913 : i32 to index
        %get3A_915 = arith.constant 48 : index
        %get3A_916 = tpu.vector_load %arg14[%get3A_914, %get3A_915] {strides = array<i32>} : memref<16x144xf32, #tpu.memory_space<vmem>>, vector<16xf32>,
        %mul3A_917 = arith.mulf %get3A_916, %gather3A_879 : vector<16xf32>
        %swap3A_918 = arith.constant 7 : i32
        %swap3A_919 = arith.index_cast %swap3A_918 : i32 to index
        %swap3A_920 = arith.constant 48 : index
        %swap3A_921 = tpu.vector_load %arg15[%swap3A_919, %swap3A_920] {strides = array<i32>} : memref<16x144xf32, #tpu.memory_space<vmem>>, vector<16xf32>,
        tpu.vector_store %arg15[%swap3A_919, %swap3A_920], %mul3A_917 {strides = array<i32>} : memref<16x144xf32, #tpu.memory_space<vmem>>, vector<16xf32>,
        %get3A_922 = arith.constant 7 : i32
        %get3A_923 = arith.index_cast %get3A_922 : i32 to index
        %get3A_924 = arith.constant 64 : index
        %get3A_925 = tpu.vector_load %arg14[%get3A_923, %get3A_924] {strides = array<i32>} : memref<16x144xf32, #tpu.memory_space<vmem>>, vector<16xf32>,
        %mul3A_926 = arith.mulf %get3A_925, %gather3A_882 : vector<16xf32>
        %swap3A_927 = arith.constant 7 : i32
        %swap3A_928 = arith.index_cast %swap3A_927 : i32 to index
        %swap3A_929 = arith.constant 64 : index
        %swap3A_930 = tpu.vector_load %arg15[%swap3A_928, %swap3A_929] {strides = array<i32>} : memref<16x144xf32, #tpu.memory_space<vmem>>, vector<16xf32>,
        tpu.vector_store %arg15[%swap3A_928, %swap3A_929], %mul3A_926 {strides = array<i32>} : memref<16x144xf32, #tpu.memory_space<vmem>>, vector<16xf32>,
        %get3A_931 = arith.constant 7 : i32
        %get3A_932 = arith.index_cast %get3A_931 : i32 to index
        %get3A_933 = arith.constant 80 : index
        %get3A_934 = tpu.vector_load %arg14[%get3A_932, %get3A_933] {strides = array<i32>} : memref<16x144xf32, #tpu.memory_space<vmem>>, vector<16xf32>,
        %mul3A_935 = arith.mulf %get3A_934, %gather3A_882 : vector<16xf32>
        %swap3A_936 = arith.constant 7 : i32
        %swap3A_937 = arith.index_cast %swap3A_936 : i32 to index
        %swap3A_938 = arith.constant 80 : index
        %swap3A_939 = tpu.vector_load %arg15[%swap3A_937, %swap3A_938] {strides = array<i32>} : memref<16x144xf32, #tpu.memory_space<vmem>>, vector<16xf32>,
        tpu.vector_store %arg15[%swap3A_937, %swap3A_938], %mul3A_935 {strides = array<i32>} : memref<16x144xf32, #tpu.memory_space<vmem>>, vector<16xf32>,
        %get3A_940 = arith.constant 7 : i32
        %get3A_941 = arith.index_cast %get3A_940 : i32 to index
        %get3A_942 = arith.constant 96 : index
        %get3A_943 = tpu.vector_load %arg14[%get3A_941, %get3A_942] {strides = array<i32>} : memref<16x144xf32, #tpu.memory_space<vmem>>, vector<16xf32>,
        %mul3A_944 = arith.mulf %get3A_943, %gather3A_885 : vector<16xf32>
        %swap3A_945 = arith.constant 7 : i32
        %swap3A_946 = arith.index_cast %swap3A_945 : i32 to index
        %swap3A_947 = arith.constant 96 : index
        %swap3A_948 = tpu.vector_load %arg15[%swap3A_946, %swap3A_947] {strides = array<i32>} : memref<16x144xf32, #tpu.memory_space<vmem>>, vector<16xf32>,
        tpu.vector_store %arg15[%swap3A_946, %swap3A_947], %mul3A_944 {strides = array<i32>} : memref<16x144xf32, #tpu.memory_space<vmem>>, vector<16xf32>,
        %get3A_949 = arith.constant 7 : i32
        %get3A_950 = arith.index_cast %get3A_949 : i32 to index
        %get3A_951 = arith.constant 112 : index
        %get3A_952 = tpu.vector_load %arg14[%get3A_950, %get3A_951] {strides = array<i32>} : memref<16x144xf32, #tpu.memory_space<vmem>>, vector<16xf32>,
        %mul3A_953 = arith.mulf %get3A_952, %gather3A_885 : vector<16xf32>
        %swap3A_954 = arith.constant 7 : i32
        %swap3A_955 = arith.index_cast %swap3A_954 : i32 to index
        %swap3A_956 = arith.constant 112 : index
        %swap3A_957 = tpu.vector_load %arg15[%swap3A_955, %swap3A_956] {strides = array<i32>} : memref<16x144xf32, #tpu.memory_space<vmem>>, vector<16xf32>,
        tpu.vector_store %arg15[%swap3A_955, %swap3A_956], %mul3A_953 {strides = array<i32>} : memref<16x144xf32, #tpu.memory_space<vmem>>, vector<16xf32>,
        %broadcast_in_dim3A_958 = arith.constant 8 : i32
        %broadcast_in_dim3A_959 = vector.broadcast %broadcast_in_dim3A_958 : i32 to vector<16xi32>
        %reshape3A_960 = vector.shape_cast %broadcast_in_dim3A_959 : vector<16xi32> to vector<16x1xi32>
        %gather3A_961 = vector.shape_cast %reshape3A_960 : vector<16x1xi32> to vector<16xi32>
        %gather3A_962 = tpu.dynamic_gather %exp3A[%gather3A_961] in [0] : vector<16xf32>, vector<16xi32> -> vector<16xf32>
        %reshape3A_963 = vector.shape_cast %broadcast_in_dim3A_959 : vector<16xi32> to vector<16x1xi32>
        %gather3A_964 = vector.shape_cast %reshape3A_963 : vector<16x1xi32> to vector<16xi32>
        %gather3A_965 = tpu.dynamic_gather %exp3A_215[%gather3A_964] in [0] : vector<16xf32>, vector<16xi32> -> vector<16xf32>
        %reshape3A_966 = vector.shape_cast %broadcast_in_dim3A_959 : vector<16xi32> to vector<16x1xi32>
        %gather3A_967 = vector.shape_cast %reshape3A_966 : vector<16x1xi32> to vector<16xi32>
        %gather3A_968 = tpu.dynamic_gather %exp3A_241[%gather3A_967] in [0] : vector<16xf32>, vector<16xi32> -> vector<16xf32>
        %reshape3A_969 = vector.shape_cast %broadcast_in_dim3A_959 : vector<16xi32> to vector<16x1xi32>
        %gather3A_970 = vector.shape_cast %reshape3A_969 : vector<16x1xi32> to vector<16xi32>
        %gather3A_971 = tpu.dynamic_gather %exp3A_267[%gather3A_970] in [0] : vector<16xf32>, vector<16xi32> -> vector<16xf32>
        %get3A_972 = arith.constant 8 : i32
        %get3A_973 = arith.index_cast %get3A_972 : i32 to index
        %get3A_974 = arith.constant 0 : index
        %get3A_975 = tpu.vector_load %arg14[%get3A_973, %get3A_974] {strides = array<i32>} : memref<16x144xf32, #tpu.memory_space<vmem>>, vector<16xf32>,
        %mul3A_976 = arith.mulf %get3A_975, %gather3A_962 : vector<16xf32>
        %swap3A_977 = arith.constant 8 : i32
        %swap3A_978 = arith.index_cast %swap3A_977 : i32 to index
        %swap3A_979 = arith.constant 0 : index
        %swap3A_980 = tpu.vector_load %arg15[%swap3A_978, %swap3A_979] {strides = array<i32>} : memref<16x144xf32, #tpu.memory_space<vmem>>, vector<16xf32>,
        tpu.vector_store %arg15[%swap3A_978, %swap3A_979], %mul3A_976 {strides = array<i32>} : memref<16x144xf32, #tpu.memory_space<vmem>>, vector<16xf32>,
        %get3A_981 = arith.constant 8 : i32
        %get3A_982 = arith.index_cast %get3A_981 : i32 to index
        %get3A_983 = arith.constant 16 : index
        %get3A_984 = tpu.vector_load %arg14[%get3A_982, %get3A_983] {strides = array<i32>} : memref<16x144xf32, #tpu.memory_space<vmem>>, vector<16xf32>,
        %mul3A_985 = arith.mulf %get3A_984, %gather3A_962 : vector<16xf32>
        %swap3A_986 = arith.constant 8 : i32
        %swap3A_987 = arith.index_cast %swap3A_986 : i32 to index
        %swap3A_988 = arith.constant 16 : index
        %swap3A_989 = tpu.vector_load %arg15[%swap3A_987, %swap3A_988] {strides = array<i32>} : memref<16x144xf32, #tpu.memory_space<vmem>>, vector<16xf32>,
        tpu.vector_store %arg15[%swap3A_987, %swap3A_988], %mul3A_985 {strides = array<i32>} : memref<16x144xf32, #tpu.memory_space<vmem>>, vector<16xf32>,
        %get3A_990 = arith.constant 8 : i32
        %get3A_991 = arith.index_cast %get3A_990 : i32 to index
        %get3A_992 = arith.constant 32 : index
        %get3A_993 = tpu.vector_load %arg14[%get3A_991, %get3A_992] {strides = array<i32>} : memref<16x144xf32, #tpu.memory_space<vmem>>, vector<16xf32>,
        %mul3A_994 = arith.mulf %get3A_993, %gather3A_965 : vector<16xf32>
        %swap3A_995 = arith.constant 8 : i32
        %swap3A_996 = arith.index_cast %swap3A_995 : i32 to index
        %swap3A_997 = arith.constant 32 : index
        %swap3A_998 = tpu.vector_load %arg15[%swap3A_996, %swap3A_997] {strides = array<i32>} : memref<16x144xf32, #tpu.memory_space<vmem>>, vector<16xf32>,
        tpu.vector_store %arg15[%swap3A_996, %swap3A_997], %mul3A_994 {strides = array<i32>} : memref<16x144xf32, #tpu.memory_space<vmem>>, vector<16xf32>,
        %get3A_999 = arith.constant 8 : i32
        %get3A_1000 = arith.index_cast %get3A_999 : i32 to index
        %get3A_1001 = arith.constant 48 : index
        %get3A_1002 = tpu.vector_load %arg14[%get3A_1000, %get3A_1001] {strides = array<i32>} : memref<16x144xf32, #tpu.memory_space<vmem>>, vector<16xf32>,
        %mul3A_1003 = arith.mulf %get3A_1002, %gather3A_965 : vector<16xf32>
        %swap3A_1004 = arith.constant 8 : i32
        %swap3A_1005 = arith.index_cast %swap3A_1004 : i32 to index
        %swap3A_1006 = arith.constant 48 : index
        %swap3A_1007 = tpu.vector_load %arg15[%swap3A_1005, %swap3A_1006] {strides = array<i32>} : memref<16x144xf32, #tpu.memory_space<vmem>>, vector<16xf32>,
        tpu.vector_store %arg15[%swap3A_1005, %swap3A_1006], %mul3A_1003 {strides = array<i32>} : memref<16x144xf32, #tpu.memory_space<vmem>>, vector<16xf32>,
        %get3A_1008 = arith.constant 8 : i32
        %get3A_1009 = arith.index_cast %get3A_1008 : i32 to index
        %get3A_1010 = arith.constant 64 : index
        %get3A_1011 = tpu.vector_load %arg14[%get3A_1009, %get3A_1010] {strides = array<i32>} : memref<16x144xf32, #tpu.memory_space<vmem>>, vector<16xf32>,
        %mul3A_1012 = arith.mulf %get3A_1011, %gather3A_968 : vector<16xf32>
        %swap3A_1013 = arith.constant 8 : i32
        %swap3A_1014 = arith.index_cast %swap3A_1013 : i32 to index
        %swap3A_1015 = arith.constant 64 : index
        %swap3A_1016 = tpu.vector_load %arg15[%swap3A_1014, %swap3A_1015] {strides = array<i32>} : memref<16x144xf32, #tpu.memory_space<vmem>>, vector<16xf32>,
        tpu.vector_store %arg15[%swap3A_1014, %swap3A_1015], %mul3A_1012 {strides = array<i32>} : memref<16x144xf32, #tpu.memory_space<vmem>>, vector<16xf32>,
        %get3A_1017 = arith.constant 8 : i32
        %get3A_1018 = arith.index_cast %get3A_1017 : i32 to index
        %get3A_1019 = arith.constant 80 : index
        %get3A_1020 = tpu.vector_load %arg14[%get3A_1018, %get3A_1019] {strides = array<i32>} : memref<16x144xf32, #tpu.memory_space<vmem>>, vector<16xf32>,
        %mul3A_1021 = arith.mulf %get3A_1020, %gather3A_968 : vector<16xf32>
        %swap3A_1022 = arith.constant 8 : i32
        %swap3A_1023 = arith.index_cast %swap3A_1022 : i32 to index
        %swap3A_1024 = arith.constant 80 : index
        %swap3A_1025 = tpu.vector_load %arg15[%swap3A_1023, %swap3A_1024] {strides = array<i32>} : memref<16x144xf32, #tpu.memory_space<vmem>>, vector<16xf32>,
        tpu.vector_store %arg15[%swap3A_1023, %swap3A_1024], %mul3A_1021 {strides = array<i32>} : memref<16x144xf32, #tpu.memory_space<vmem>>, vector<16xf32>,
        %get3A_1026 = arith.constant 8 : i32
        %get3A_1027 = arith.index_cast %get3A_1026 : i32 to index
        %get3A_1028 = arith.constant 96 : index
        %get3A_1029 = tpu.vector_load %arg14[%get3A_1027, %get3A_1028] {strides = array<i32>} : memref<16x144xf32, #tpu.memory_space<vmem>>, vector<16xf32>,
        %mul3A_1030 = arith.mulf %get3A_1029, %gather3A_971 : vector<16xf32>
        %swap3A_1031 = arith.constant 8 : i32
        %swap3A_1032 = arith.index_cast %swap3A_1031 : i32 to index
        %swap3A_1033 = arith.constant 96 : index
        %swap3A_1034 = tpu.vector_load %arg15[%swap3A_1032, %swap3A_1033] {strides = array<i32>} : memref<16x144xf32, #tpu.memory_space<vmem>>, vector<16xf32>,
        tpu.vector_store %arg15[%swap3A_1032, %swap3A_1033], %mul3A_1030 {strides = array<i32>} : memref<16x144xf32, #tpu.memory_space<vmem>>, vector<16xf32>,
        %get3A_1035 = arith.constant 8 : i32
        %get3A_1036 = arith.index_cast %get3A_1035 : i32 to index
        %get3A_1037 = arith.constant 112 : index
        %get3A_1038 = tpu.vector_load %arg14[%get3A_1036, %get3A_1037] {strides = array<i32>} : memref<16x144xf32, #tpu.memory_space<vmem>>, vector<16xf32>,
        %mul3A_1039 = arith.mulf %get3A_1038, %gather3A_971 : vector<16xf32>
        %swap3A_1040 = arith.constant 8 : i32
        %swap3A_1041 = arith.index_cast %swap3A_1040 : i32 to index
        %swap3A_1042 = arith.constant 112 : index
        %swap3A_1043 = tpu.vector_load %arg15[%swap3A_1041, %swap3A_1042] {strides = array<i32>} : memref<16x144xf32, #tpu.memory_space<vmem>>, vector<16xf32>,
        tpu.vector_store %arg15[%swap3A_1041, %swap3A_1042], %mul3A_1039 {strides = array<i32>} : memref<16x144xf32, #tpu.memory_space<vmem>>, vector<16xf32>,
        %broadcast_in_dim3A_1044 = arith.constant 9 : i32
        %broadcast_in_dim3A_1045 = vector.broadcast %broadcast_in_dim3A_1044 : i32 to vector<16xi32>
        %reshape3A_1046 = vector.shape_cast %broadcast_in_dim3A_1045 : vector<16xi32> to vector<16x1xi32>
        %gather3A_1047 = vector.shape_cast %reshape3A_1046 : vector<16x1xi32> to vector<16xi32>
        %gather3A_1048 = tpu.dynamic_gather %exp3A[%gather3A_1047] in [0] : vector<16xf32>, vector<16xi32> -> vector<16xf32>
        %reshape3A_1049 = vector.shape_cast %broadcast_in_dim3A_1045 : vector<16xi32> to vector<16x1xi32>
        %gather3A_1050 = vector.shape_cast %reshape3A_1049 : vector<16x1xi32> to vector<16xi32>
        %gather3A_1051 = tpu.dynamic_gather %exp3A_215[%gather3A_1050] in [0] : vector<16xf32>, vector<16xi32> -> vector<16xf32>
        %reshape3A_1052 = vector.shape_cast %broadcast_in_dim3A_1045 : vector<16xi32> to vector<16x1xi32>
        %gather3A_1053 = vector.shape_cast %reshape3A_1052 : vector<16x1xi32> to vector<16xi32>
        %gather3A_1054 = tpu.dynamic_gather %exp3A_241[%gather3A_1053] in [0] : vector<16xf32>, vector<16xi32> -> vector<16xf32>
        %reshape3A_1055 = vector.shape_cast %broadcast_in_dim3A_1045 : vector<16xi32> to vector<16x1xi32>
        %gather3A_1056 = vector.shape_cast %reshape3A_1055 : vector<16x1xi32> to vector<16xi32>
        %gather3A_1057 = tpu.dynamic_gather %exp3A_267[%gather3A_1056] in [0] : vector<16xf32>, vector<16xi32> -> vector<16xf32>
        %get3A_1058 = arith.constant 9 : i32
        %get3A_1059 = arith.index_cast %get3A_1058 : i32 to index
        %get3A_1060 = arith.constant 0 : index
        %get3A_1061 = tpu.vector_load %arg14[%get3A_1059, %get3A_1060] {strides = array<i32>} : memref<16x144xf32, #tpu.memory_space<vmem>>, vector<16xf32>,
        %mul3A_1062 = arith.mulf %get3A_1061, %gather3A_1048 : vector<16xf32>
        %swap3A_1063 = arith.constant 9 : i32
        %swap3A_1064 = arith.index_cast %swap3A_1063 : i32 to index
        %swap3A_1065 = arith.constant 0 : index
        %swap3A_1066 = tpu.vector_load %arg15[%swap3A_1064, %swap3A_1065] {strides = array<i32>} : memref<16x144xf32, #tpu.memory_space<vmem>>, vector<16xf32>,
        tpu.vector_store %arg15[%swap3A_1064, %swap3A_1065], %mul3A_1062 {strides = array<i32>} : memref<16x144xf32, #tpu.memory_space<vmem>>, vector<16xf32>,
        %get3A_1067 = arith.constant 9 : i32
        %get3A_1068 = arith.index_cast %get3A_1067 : i32 to index
        %get3A_1069 = arith.constant 16 : index
        %get3A_1070 = tpu.vector_load %arg14[%get3A_1068, %get3A_1069] {strides = array<i32>} : memref<16x144xf32, #tpu.memory_space<vmem>>, vector<16xf32>,
        %mul3A_1071 = arith.mulf %get3A_1070, %gather3A_1048 : vector<16xf32>
        %swap3A_1072 = arith.constant 9 : i32
        %swap3A_1073 = arith.index_cast %swap3A_1072 : i32 to index
        %swap3A_1074 = arith.constant 16 : index
        %swap3A_1075 = tpu.vector_load %arg15[%swap3A_1073, %swap3A_1074] {strides = array<i32>} : memref<16x144xf32, #tpu.memory_space<vmem>>, vector<16xf32>,
        tpu.vector_store %arg15[%swap3A_1073, %swap3A_1074], %mul3A_1071 {strides = array<i32>} : memref<16x144xf32, #tpu.memory_space<vmem>>, vector<16xf32>,
        %get3A_1076 = arith.constant 9 : i32
        %get3A_1077 = arith.index_cast %get3A_1076 : i32 to index
        %get3A_1078 = arith.constant 32 : index
        %get3A_1079 = tpu.vector_load %arg14[%get3A_1077, %get3A_1078] {strides = array<i32>} : memref<16x144xf32, #tpu.memory_space<vmem>>, vector<16xf32>,
        %mul3A_1080 = arith.mulf %get3A_1079, %gather3A_1051 : vector<16xf32>
        %swap3A_1081 = arith.constant 9 : i32
        %swap3A_1082 = arith.index_cast %swap3A_1081 : i32 to index
        %swap3A_1083 = arith.constant 32 : index
        %swap3A_1084 = tpu.vector_load %arg15[%swap3A_1082, %swap3A_1083] {strides = array<i32>} : memref<16x144xf32, #tpu.memory_space<vmem>>, vector<16xf32>,
        tpu.vector_store %arg15[%swap3A_1082, %swap3A_1083], %mul3A_1080 {strides = array<i32>} : memref<16x144xf32, #tpu.memory_space<vmem>>, vector<16xf32>,
        %get3A_1085 = arith.constant 9 : i32
        %get3A_1086 = arith.index_cast %get3A_1085 : i32 to index
        %get3A_1087 = arith.constant 48 : index
        %get3A_1088 = tpu.vector_load %arg14[%get3A_1086, %get3A_1087] {strides = array<i32>} : memref<16x144xf32, #tpu.memory_space<vmem>>, vector<16xf32>,
        %mul3A_1089 = arith.mulf %get3A_1088, %gather3A_1051 : vector<16xf32>
        %swap3A_1090 = arith.constant 9 : i32
        %swap3A_1091 = arith.index_cast %swap3A_1090 : i32 to index
        %swap3A_1092 = arith.constant 48 : index
        %swap3A_1093 = tpu.vector_load %arg15[%swap3A_1091, %swap3A_1092] {strides = array<i32>} : memref<16x144xf32, #tpu.memory_space<vmem>>, vector<16xf32>,
        tpu.vector_store %arg15[%swap3A_1091, %swap3A_1092], %mul3A_1089 {strides = array<i32>} : memref<16x144xf32, #tpu.memory_space<vmem>>, vector<16xf32>,
        %get3A_1094 = arith.constant 9 : i32
        %get3A_1095 = arith.index_cast %get3A_1094 : i32 to index
        %get3A_1096 = arith.constant 64 : index
        %get3A_1097 = tpu.vector_load %arg14[%get3A_1095, %get3A_1096] {strides = array<i32>} : memref<16x144xf32, #tpu.memory_space<vmem>>, vector<16xf32>,
        %mul3A_1098 = arith.mulf %get3A_1097, %gather3A_1054 : vector<16xf32>
        %swap3A_1099 = arith.constant 9 : i32
        %swap3A_1100 = arith.index_cast %swap3A_1099 : i32 to index
        %swap3A_1101 = arith.constant 64 : index
        %swap3A_1102 = tpu.vector_load %arg15[%swap3A_1100, %swap3A_1101] {strides = array<i32>} : memref<16x144xf32, #tpu.memory_space<vmem>>, vector<16xf32>,
        tpu.vector_store %arg15[%swap3A_1100, %swap3A_1101], %mul3A_1098 {strides = array<i32>} : memref<16x144xf32, #tpu.memory_space<vmem>>, vector<16xf32>,
        %get3A_1103 = arith.constant 9 : i32
        %get3A_1104 = arith.index_cast %get3A_1103 : i32 to index
        %get3A_1105 = arith.constant 80 : index
        %get3A_1106 = tpu.vector_load %arg14[%get3A_1104, %get3A_1105] {strides = array<i32>} : memref<16x144xf32, #tpu.memory_space<vmem>>, vector<16xf32>,
        %mul3A_1107 = arith.mulf %get3A_1106, %gather3A_1054 : vector<16xf32>
        %swap3A_1108 = arith.constant 9 : i32
        %swap3A_1109 = arith.index_cast %swap3A_1108 : i32 to index
        %swap3A_1110 = arith.constant 80 : index
        %swap3A_1111 = tpu.vector_load %arg15[%swap3A_1109, %swap3A_1110] {strides = array<i32>} : memref<16x144xf32, #tpu.memory_space<vmem>>, vector<16xf32>,
        tpu.vector_store %arg15[%swap3A_1109, %swap3A_1110], %mul3A_1107 {strides = array<i32>} : memref<16x144xf32, #tpu.memory_space<vmem>>, vector<16xf32>,
        %get3A_1112 = arith.constant 9 : i32
        %get3A_1113 = arith.index_cast %get3A_1112 : i32 to index
        %get3A_1114 = arith.constant 96 : index
        %get3A_1115 = tpu.vector_load %arg14[%get3A_1113, %get3A_1114] {strides = array<i32>} : memref<16x144xf32, #tpu.memory_space<vmem>>, vector<16xf32>,
        %mul3A_1116 = arith.mulf %get3A_1115, %gather3A_1057 : vector<16xf32>
        %swap3A_1117 = arith.constant 9 : i32
        %swap3A_1118 = arith.index_cast %swap3A_1117 : i32 to index
        %swap3A_1119 = arith.constant 96 : index
        %swap3A_1120 = tpu.vector_load %arg15[%swap3A_1118, %swap3A_1119] {strides = array<i32>} : memref<16x144xf32, #tpu.memory_space<vmem>>, vector<16xf32>,
        tpu.vector_store %arg15[%swap3A_1118, %swap3A_1119], %mul3A_1116 {strides = array<i32>} : memref<16x144xf32, #tpu.memory_space<vmem>>, vector<16xf32>,
        %get3A_1121 = arith.constant 9 : i32
        %get3A_1122 = arith.index_cast %get3A_1121 : i32 to index
        %get3A_1123 = arith.constant 112 : index
        %get3A_1124 = tpu.vector_load %arg14[%get3A_1122, %get3A_1123] {strides = array<i32>} : memref<16x144xf32, #tpu.memory_space<vmem>>, vector<16xf32>,
        %mul3A_1125 = arith.mulf %get3A_1124, %gather3A_1057 : vector<16xf32>
        %swap3A_1126 = arith.constant 9 : i32
        %swap3A_1127 = arith.index_cast %swap3A_1126 : i32 to index
        %swap3A_1128 = arith.constant 112 : index
        %swap3A_1129 = tpu.vector_load %arg15[%swap3A_1127, %swap3A_1128] {strides = array<i32>} : memref<16x144xf32, #tpu.memory_space<vmem>>, vector<16xf32>,
        tpu.vector_store %arg15[%swap3A_1127, %swap3A_1128], %mul3A_1125 {strides = array<i32>} : memref<16x144xf32, #tpu.memory_space<vmem>>, vector<16xf32>,
        %broadcast_in_dim3A_1130 = arith.constant 10 : i32
        %broadcast_in_dim3A_1131 = vector.broadcast %broadcast_in_dim3A_1130 : i32 to vector<16xi32>
        %reshape3A_1132 = vector.shape_cast %broadcast_in_dim3A_1131 : vector<16xi32> to vector<16x1xi32>
        %gather3A_1133 = vector.shape_cast %reshape3A_1132 : vector<16x1xi32> to vector<16xi32>
        %gather3A_1134 = tpu.dynamic_gather %exp3A[%gather3A_1133] in [0] : vector<16xf32>, vector<16xi32> -> vector<16xf32>
        %reshape3A_1135 = vector.shape_cast %broadcast_in_dim3A_1131 : vector<16xi32> to vector<16x1xi32>
        %gather3A_1136 = vector.shape_cast %reshape3A_1135 : vector<16x1xi32> to vector<16xi32>
        %gather3A_1137 = tpu.dynamic_gather %exp3A_215[%gather3A_1136] in [0] : vector<16xf32>, vector<16xi32> -> vector<16xf32>
        %reshape3A_1138 = vector.shape_cast %broadcast_in_dim3A_1131 : vector<16xi32> to vector<16x1xi32>
        %gather3A_1139 = vector.shape_cast %reshape3A_1138 : vector<16x1xi32> to vector<16xi32>
        %gather3A_1140 = tpu.dynamic_gather %exp3A_241[%gather3A_1139] in [0] : vector<16xf32>, vector<16xi32> -> vector<16xf32>
        %reshape3A_1141 = vector.shape_cast %broadcast_in_dim3A_1131 : vector<16xi32> to vector<16x1xi32>
        %gather3A_1142 = vector.shape_cast %reshape3A_1141 : vector<16x1xi32> to vector<16xi32>
        %gather3A_1143 = tpu.dynamic_gather %exp3A_267[%gather3A_1142] in [0] : vector<16xf32>, vector<16xi32> -> vector<16xf32>
        %get3A_1144 = arith.constant 10 : i32
        %get3A_1145 = arith.index_cast %get3A_1144 : i32 to index
        %get3A_1146 = arith.constant 0 : index
        %get3A_1147 = tpu.vector_load %arg14[%get3A_1145, %get3A_1146] {strides = array<i32>} : memref<16x144xf32, #tpu.memory_space<vmem>>, vector<16xf32>,
        %mul3A_1148 = arith.mulf %get3A_1147, %gather3A_1134 : vector<16xf32>
        %swap3A_1149 = arith.constant 10 : i32
        %swap3A_1150 = arith.index_cast %swap3A_1149 : i32 to index
        %swap3A_1151 = arith.constant 0 : index
        %swap3A_1152 = tpu.vector_load %arg15[%swap3A_1150, %swap3A_1151] {strides = array<i32>} : memref<16x144xf32, #tpu.memory_space<vmem>>, vector<16xf32>,
        tpu.vector_store %arg15[%swap3A_1150, %swap3A_1151], %mul3A_1148 {strides = array<i32>} : memref<16x144xf32, #tpu.memory_space<vmem>>, vector<16xf32>,
        %get3A_1153 = arith.constant 10 : i32
        %get3A_1154 = arith.index_cast %get3A_1153 : i32 to index
        %get3A_1155 = arith.constant 16 : index
        %get3A_1156 = tpu.vector_load %arg14[%get3A_1154, %get3A_1155] {strides = array<i32>} : memref<16x144xf32, #tpu.memory_space<vmem>>, vector<16xf32>,
        %mul3A_1157 = arith.mulf %get3A_1156, %gather3A_1134 : vector<16xf32>
        %swap3A_1158 = arith.constant 10 : i32
        %swap3A_1159 = arith.index_cast %swap3A_1158 : i32 to index
        %swap3A_1160 = arith.constant 16 : index
        %swap3A_1161 = tpu.vector_load %arg15[%swap3A_1159, %swap3A_1160] {strides = array<i32>} : memref<16x144xf32, #tpu.memory_space<vmem>>, vector<16xf32>,
        tpu.vector_store %arg15[%swap3A_1159, %swap3A_1160], %mul3A_1157 {strides = array<i32>} : memref<16x144xf32, #tpu.memory_space<vmem>>, vector<16xf32>,
        %get3A_1162 = arith.constant 10 : i32
        %get3A_1163 = arith.index_cast %get3A_1162 : i32 to index
        %get3A_1164 = arith.constant 32 : index
        %get3A_1165 = tpu.vector_load %arg14[%get3A_1163, %get3A_1164] {strides = array<i32>} : memref<16x144xf32, #tpu.memory_space<vmem>>, vector<16xf32>,
        %mul3A_1166 = arith.mulf %get3A_1165, %gather3A_1137 : vector<16xf32>
        %swap3A_1167 = arith.constant 10 : i32
        %swap3A_1168 = arith.index_cast %swap3A_1167 : i32 to index
        %swap3A_1169 = arith.constant 32 : index
        %swap3A_1170 = tpu.vector_load %arg15[%swap3A_1168, %swap3A_1169] {strides = array<i32>} : memref<16x144xf32, #tpu.memory_space<vmem>>, vector<16xf32>,
        tpu.vector_store %arg15[%swap3A_1168, %swap3A_1169], %mul3A_1166 {strides = array<i32>} : memref<16x144xf32, #tpu.memory_space<vmem>>, vector<16xf32>,
        %get3A_1171 = arith.constant 10 : i32
        %get3A_1172 = arith.index_cast %get3A_1171 : i32 to index
        %get3A_1173 = arith.constant 48 : index
        %get3A_1174 = tpu.vector_load %arg14[%get3A_1172, %get3A_1173] {strides = array<i32>} : memref<16x144xf32, #tpu.memory_space<vmem>>, vector<16xf32>,
        %mul3A_1175 = arith.mulf %get3A_1174, %gather3A_1137 : vector<16xf32>
        %swap3A_1176 = arith.constant 10 : i32
        %swap3A_1177 = arith.index_cast %swap3A_1176 : i32 to index
        %swap3A_1178 = arith.constant 48 : index
        %swap3A_1179 = tpu.vector_load %arg15[%swap3A_1177, %swap3A_1178] {strides = array<i32>} : memref<16x144xf32, #tpu.memory_space<vmem>>, vector<16xf32>,
        tpu.vector_store %arg15[%swap3A_1177, %swap3A_1178], %mul3A_1175 {strides = array<i32>} : memref<16x144xf32, #tpu.memory_space<vmem>>, vector<16xf32>,
        %get3A_1180 = arith.constant 10 : i32
        %get3A_1181 = arith.index_cast %get3A_1180 : i32 to index
        %get3A_1182 = arith.constant 64 : index
        %get3A_1183 = tpu.vector_load %arg14[%get3A_1181, %get3A_1182] {strides = array<i32>} : memref<16x144xf32, #tpu.memory_space<vmem>>, vector<16xf32>,
        %mul3A_1184 = arith.mulf %get3A_1183, %gather3A_1140 : vector<16xf32>
        %swap3A_1185 = arith.constant 10 : i32
        %swap3A_1186 = arith.index_cast %swap3A_1185 : i32 to index
        %swap3A_1187 = arith.constant 64 : index
        %swap3A_1188 = tpu.vector_load %arg15[%swap3A_1186, %swap3A_1187] {strides = array<i32>} : memref<16x144xf32, #tpu.memory_space<vmem>>, vector<16xf32>,
        tpu.vector_store %arg15[%swap3A_1186, %swap3A_1187], %mul3A_1184 {strides = array<i32>} : memref<16x144xf32, #tpu.memory_space<vmem>>, vector<16xf32>,
        %get3A_1189 = arith.constant 10 : i32
        %get3A_1190 = arith.index_cast %get3A_1189 : i32 to index
        %get3A_1191 = arith.constant 80 : index
        %get3A_1192 = tpu.vector_load %arg14[%get3A_1190, %get3A_1191] {strides = array<i32>} : memref<16x144xf32, #tpu.memory_space<vmem>>, vector<16xf32>,
        %mul3A_1193 = arith.mulf %get3A_1192, %gather3A_1140 : vector<16xf32>
        %swap3A_1194 = arith.constant 10 : i32
        %swap3A_1195 = arith.index_cast %swap3A_1194 : i32 to index
        %swap3A_1196 = arith.constant 80 : index
        %swap3A_1197 = tpu.vector_load %arg15[%swap3A_1195, %swap3A_1196] {strides = array<i32>} : memref<16x144xf32, #tpu.memory_space<vmem>>, vector<16xf32>,
        tpu.vector_store %arg15[%swap3A_1195, %swap3A_1196], %mul3A_1193 {strides = array<i32>} : memref<16x144xf32, #tpu.memory_space<vmem>>, vector<16xf32>,
        %get3A_1198 = arith.constant 10 : i32
        %get3A_1199 = arith.index_cast %get3A_1198 : i32 to index
        %get3A_1200 = arith.constant 96 : index
        %get3A_1201 = tpu.vector_load %arg14[%get3A_1199, %get3A_1200] {strides = array<i32>} : memref<16x144xf32, #tpu.memory_space<vmem>>, vector<16xf32>,
        %mul3A_1202 = arith.mulf %get3A_1201, %gather3A_1143 : vector<16xf32>
        %swap3A_1203 = arith.constant 10 : i32
        %swap3A_1204 = arith.index_cast %swap3A_1203 : i32 to index
        %swap3A_1205 = arith.constant 96 : index
        %swap3A_1206 = tpu.vector_load %arg15[%swap3A_1204, %swap3A_1205] {strides = array<i32>} : memref<16x144xf32, #tpu.memory_space<vmem>>, vector<16xf32>,
        tpu.vector_store %arg15[%swap3A_1204, %swap3A_1205], %mul3A_1202 {strides = array<i32>} : memref<16x144xf32, #tpu.memory_space<vmem>>, vector<16xf32>,
        %get3A_1207 = arith.constant 10 : i32
        %get3A_1208 = arith.index_cast %get3A_1207 : i32 to index
        %get3A_1209 = arith.constant 112 : index
        %get3A_1210 = tpu.vector_load %arg14[%get3A_1208, %get3A_1209] {strides = array<i32>} : memref<16x144xf32, #tpu.memory_space<vmem>>, vector<16xf32>,
        %mul3A_1211 = arith.mulf %get3A_1210, %gather3A_1143 : vector<16xf32>
        %swap3A_1212 = arith.constant 10 : i32
        %swap3A_1213 = arith.index_cast %swap3A_1212 : i32 to index
        %swap3A_1214 = arith.constant 112 : index
        %swap3A_1215 = tpu.vector_load %arg15[%swap3A_1213, %swap3A_1214] {strides = array<i32>} : memref<16x144xf32, #tpu.memory_space<vmem>>, vector<16xf32>,
        tpu.vector_store %arg15[%swap3A_1213, %swap3A_1214], %mul3A_1211 {strides = array<i32>} : memref<16x144xf32, #tpu.memory_space<vmem>>, vector<16xf32>,
        %broadcast_in_dim3A_1216 = arith.constant 11 : i32
        %broadcast_in_dim3A_1217 = vector.broadcast %broadcast_in_dim3A_1216 : i32 to vector<16xi32>
        %reshape3A_1218 = vector.shape_cast %broadcast_in_dim3A_1217 : vector<16xi32> to vector<16x1xi32>
        %gather3A_1219 = vector.shape_cast %reshape3A_1218 : vector<16x1xi32> to vector<16xi32>
        %gather3A_1220 = tpu.dynamic_gather %exp3A[%gather3A_1219] in [0] : vector<16xf32>, vector<16xi32> -> vector<16xf32>
        %reshape3A_1221 = vector.shape_cast %broadcast_in_dim3A_1217 : vector<16xi32> to vector<16x1xi32>
        %gather3A_1222 = vector.shape_cast %reshape3A_1221 : vector<16x1xi32> to vector<16xi32>
        %gather3A_1223 = tpu.dynamic_gather %exp3A_215[%gather3A_1222] in [0] : vector<16xf32>, vector<16xi32> -> vector<16xf32>
        %reshape3A_1224 = vector.shape_cast %broadcast_in_dim3A_1217 : vector<16xi32> to vector<16x1xi32>
        %gather3A_1225 = vector.shape_cast %reshape3A_1224 : vector<16x1xi32> to vector<16xi32>
        %gather3A_1226 = tpu.dynamic_gather %exp3A_241[%gather3A_1225] in [0] : vector<16xf32>, vector<16xi32> -> vector<16xf32>
        %reshape3A_1227 = vector.shape_cast %broadcast_in_dim3A_1217 : vector<16xi32> to vector<16x1xi32>
        %gather3A_1228 = vector.shape_cast %reshape3A_1227 : vector<16x1xi32> to vector<16xi32>
        %gather3A_1229 = tpu.dynamic_gather %exp3A_267[%gather3A_1228] in [0] : vector<16xf32>, vector<16xi32> -> vector<16xf32>
        %get3A_1230 = arith.constant 11 : i32
        %get3A_1231 = arith.index_cast %get3A_1230 : i32 to index
        %get3A_1232 = arith.constant 0 : index
        %get3A_1233 = tpu.vector_load %arg14[%get3A_1231, %get3A_1232] {strides = array<i32>} : memref<16x144xf32, #tpu.memory_space<vmem>>, vector<16xf32>,
        %mul3A_1234 = arith.mulf %get3A_1233, %gather3A_1220 : vector<16xf32>
        %swap3A_1235 = arith.constant 11 : i32
        %swap3A_1236 = arith.index_cast %swap3A_1235 : i32 to index
        %swap3A_1237 = arith.constant 0 : index
        %swap3A_1238 = tpu.vector_load %arg15[%swap3A_1236, %swap3A_1237] {strides = array<i32>} : memref<16x144xf32, #tpu.memory_space<vmem>>, vector<16xf32>,
        tpu.vector_store %arg15[%swap3A_1236, %swap3A_1237], %mul3A_1234 {strides = array<i32>} : memref<16x144xf32, #tpu.memory_space<vmem>>, vector<16xf32>,
        %get3A_1239 = arith.constant 11 : i32
        %get3A_1240 = arith.index_cast %get3A_1239 : i32 to index
        %get3A_1241 = arith.constant 16 : index
        %get3A_1242 = tpu.vector_load %arg14[%get3A_1240, %get3A_1241] {strides = array<i32>} : memref<16x144xf32, #tpu.memory_space<vmem>>, vector<16xf32>,
        %mul3A_1243 = arith.mulf %get3A_1242, %gather3A_1220 : vector<16xf32>
        %swap3A_1244 = arith.constant 11 : i32
        %swap3A_1245 = arith.index_cast %swap3A_1244 : i32 to index
        %swap3A_1246 = arith.constant 16 : index
        %swap3A_1247 = tpu.vector_load %arg15[%swap3A_1245, %swap3A_1246] {strides = array<i32>} : memref<16x144xf32, #tpu.memory_space<vmem>>, vector<16xf32>,
        tpu.vector_store %arg15[%swap3A_1245, %swap3A_1246], %mul3A_1243 {strides = array<i32>} : memref<16x144xf32, #tpu.memory_space<vmem>>, vector<16xf32>,
        %get3A_1248 = arith.constant 11 : i32
        %get3A_1249 = arith.index_cast %get3A_1248 : i32 to index
        %get3A_1250 = arith.constant 32 : index
        %get3A_1251 = tpu.vector_load %arg14[%get3A_1249, %get3A_1250] {strides = array<i32>} : memref<16x144xf32, #tpu.memory_space<vmem>>, vector<16xf32>,
        %mul3A_1252 = arith.mulf %get3A_1251, %gather3A_1223 : vector<16xf32>
        %swap3A_1253 = arith.constant 11 : i32
        %swap3A_1254 = arith.index_cast %swap3A_1253 : i32 to index
        %swap3A_1255 = arith.constant 32 : index
        %swap3A_1256 = tpu.vector_load %arg15[%swap3A_1254, %swap3A_1255] {strides = array<i32>} : memref<16x144xf32, #tpu.memory_space<vmem>>, vector<16xf32>,
        tpu.vector_store %arg15[%swap3A_1254, %swap3A_1255], %mul3A_1252 {strides = array<i32>} : memref<16x144xf32, #tpu.memory_space<vmem>>, vector<16xf32>,
        %get3A_1257 = arith.constant 11 : i32
        %get3A_1258 = arith.index_cast %get3A_1257 : i32 to index
        %get3A_1259 = arith.constant 48 : index
        %get3A_1260 = tpu.vector_load %arg14[%get3A_1258, %get3A_1259] {strides = array<i32>} : memref<16x144xf32, #tpu.memory_space<vmem>>, vector<16xf32>,
        %mul3A_1261 = arith.mulf %get3A_1260, %gather3A_1223 : vector<16xf32>
        %swap3A_1262 = arith.constant 11 : i32
        %swap3A_1263 = arith.index_cast %swap3A_1262 : i32 to index
        %swap3A_1264 = arith.constant 48 : index
        %swap3A_1265 = tpu.vector_load %arg15[%swap3A_1263, %swap3A_1264] {strides = array<i32>} : memref<16x144xf32, #tpu.memory_space<vmem>>, vector<16xf32>,
        tpu.vector_store %arg15[%swap3A_1263, %swap3A_1264], %mul3A_1261 {strides = array<i32>} : memref<16x144xf32, #tpu.memory_space<vmem>>, vector<16xf32>,
        %get3A_1266 = arith.constant 11 : i32
        %get3A_1267 = arith.index_cast %get3A_1266 : i32 to index
        %get3A_1268 = arith.constant 64 : index
        %get3A_1269 = tpu.vector_load %arg14[%get3A_1267, %get3A_1268] {strides = array<i32>} : memref<16x144xf32, #tpu.memory_space<vmem>>, vector<16xf32>,
        %mul3A_1270 = arith.mulf %get3A_1269, %gather3A_1226 : vector<16xf32>
        %swap3A_1271 = arith.constant 11 : i32
        %swap3A_1272 = arith.index_cast %swap3A_1271 : i32 to index
        %swap3A_1273 = arith.constant 64 : index
        %swap3A_1274 = tpu.vector_load %arg15[%swap3A_1272, %swap3A_1273] {strides = array<i32>} : memref<16x144xf32, #tpu.memory_space<vmem>>, vector<16xf32>,
        tpu.vector_store %arg15[%swap3A_1272, %swap3A_1273], %mul3A_1270 {strides = array<i32>} : memref<16x144xf32, #tpu.memory_space<vmem>>, vector<16xf32>,
        %get3A_1275 = arith.constant 11 : i32
        %get3A_1276 = arith.index_cast %get3A_1275 : i32 to index
        %get3A_1277 = arith.constant 80 : index
        %get3A_1278 = tpu.vector_load %arg14[%get3A_1276, %get3A_1277] {strides = array<i32>} : memref<16x144xf32, #tpu.memory_space<vmem>>, vector<16xf32>,
        %mul3A_1279 = arith.mulf %get3A_1278, %gather3A_1226 : vector<16xf32>
        %swap3A_1280 = arith.constant 11 : i32
        %swap3A_1281 = arith.index_cast %swap3A_1280 : i32 to index
        %swap3A_1282 = arith.constant 80 : index
        %swap3A_1283 = tpu.vector_load %arg15[%swap3A_1281, %swap3A_1282] {strides = array<i32>} : memref<16x144xf32, #tpu.memory_space<vmem>>, vector<16xf32>,
        tpu.vector_store %arg15[%swap3A_1281, %swap3A_1282], %mul3A_1279 {strides = array<i32>} : memref<16x144xf32, #tpu.memory_space<vmem>>, vector<16xf32>,
        %get3A_1284 = arith.constant 11 : i32
        %get3A_1285 = arith.index_cast %get3A_1284 : i32 to index
        %get3A_1286 = arith.constant 96 : index
        %get3A_1287 = tpu.vector_load %arg14[%get3A_1285, %get3A_1286] {strides = array<i32>} : memref<16x144xf32, #tpu.memory_space<vmem>>, vector<16xf32>,
        %mul3A_1288 = arith.mulf %get3A_1287, %gather3A_1229 : vector<16xf32>
        %swap3A_1289 = arith.constant 11 : i32
        %swap3A_1290 = arith.index_cast %swap3A_1289 : i32 to index
        %swap3A_1291 = arith.constant 96 : index
        %swap3A_1292 = tpu.vector_load %arg15[%swap3A_1290, %swap3A_1291] {strides = array<i32>} : memref<16x144xf32, #tpu.memory_space<vmem>>, vector<16xf32>,
        tpu.vector_store %arg15[%swap3A_1290, %swap3A_1291], %mul3A_1288 {strides = array<i32>} : memref<16x144xf32, #tpu.memory_space<vmem>>, vector<16xf32>,
        %get3A_1293 = arith.constant 11 : i32
        %get3A_1294 = arith.index_cast %get3A_1293 : i32 to index
        %get3A_1295 = arith.constant 112 : index
        %get3A_1296 = tpu.vector_load %arg14[%get3A_1294, %get3A_1295] {strides = array<i32>} : memref<16x144xf32, #tpu.memory_space<vmem>>, vector<16xf32>,
        %mul3A_1297 = arith.mulf %get3A_1296, %gather3A_1229 : vector<16xf32>
        %swap3A_1298 = arith.constant 11 : i32
        %swap3A_1299 = arith.index_cast %swap3A_1298 : i32 to index
        %swap3A_1300 = arith.constant 112 : index
        %swap3A_1301 = tpu.vector_load %arg15[%swap3A_1299, %swap3A_1300] {strides = array<i32>} : memref<16x144xf32, #tpu.memory_space<vmem>>, vector<16xf32>,
        tpu.vector_store %arg15[%swap3A_1299, %swap3A_1300], %mul3A_1297 {strides = array<i32>} : memref<16x144xf32, #tpu.memory_space<vmem>>, vector<16xf32>,
        %broadcast_in_dim3A_1302 = arith.constant 12 : i32
        %broadcast_in_dim3A_1303 = vector.broadcast %broadcast_in_dim3A_1302 : i32 to vector<16xi32>
        %reshape3A_1304 = vector.shape_cast %broadcast_in_dim3A_1303 : vector<16xi32> to vector<16x1xi32>
        %gather3A_1305 = vector.shape_cast %reshape3A_1304 : vector<16x1xi32> to vector<16xi32>
        %gather3A_1306 = tpu.dynamic_gather %exp3A[%gather3A_1305] in [0] : vector<16xf32>, vector<16xi32> -> vector<16xf32>
        %reshape3A_1307 = vector.shape_cast %broadcast_in_dim3A_1303 : vector<16xi32> to vector<16x1xi32>
        %gather3A_1308 = vector.shape_cast %reshape3A_1307 : vector<16x1xi32> to vector<16xi32>
        %gather3A_1309 = tpu.dynamic_gather %exp3A_215[%gather3A_1308] in [0] : vector<16xf32>, vector<16xi32> -> vector<16xf32>
        %reshape3A_1310 = vector.shape_cast %broadcast_in_dim3A_1303 : vector<16xi32> to vector<16x1xi32>
        %gather3A_1311 = vector.shape_cast %reshape3A_1310 : vector<16x1xi32> to vector<16xi32>
        %gather3A_1312 = tpu.dynamic_gather %exp3A_241[%gather3A_1311] in [0] : vector<16xf32>, vector<16xi32> -> vector<16xf32>
        %reshape3A_1313 = vector.shape_cast %broadcast_in_dim3A_1303 : vector<16xi32> to vector<16x1xi32>
        %gather3A_1314 = vector.shape_cast %reshape3A_1313 : vector<16x1xi32> to vector<16xi32>
        %gather3A_1315 = tpu.dynamic_gather %exp3A_267[%gather3A_1314] in [0] : vector<16xf32>, vector<16xi32> -> vector<16xf32>
        %get3A_1316 = arith.constant 12 : i32
        %get3A_1317 = arith.index_cast %get3A_1316 : i32 to index
        %get3A_1318 = arith.constant 0 : index
        %get3A_1319 = tpu.vector_load %arg14[%get3A_1317, %get3A_1318] {strides = array<i32>} : memref<16x144xf32, #tpu.memory_space<vmem>>, vector<16xf32>,
        %mul3A_1320 = arith.mulf %get3A_1319, %gather3A_1306 : vector<16xf32>
        %swap3A_1321 = arith.constant 12 : i32
        %swap3A_1322 = arith.index_cast %swap3A_1321 : i32 to index
        %swap3A_1323 = arith.constant 0 : index
        %swap3A_1324 = tpu.vector_load %arg15[%swap3A_1322, %swap3A_1323] {strides = array<i32>} : memref<16x144xf32, #tpu.memory_space<vmem>>, vector<16xf32>,
        tpu.vector_store %arg15[%swap3A_1322, %swap3A_1323], %mul3A_1320 {strides = array<i32>} : memref<16x144xf32, #tpu.memory_space<vmem>>, vector<16xf32>,
        %get3A_1325 = arith.constant 12 : i32
        %get3A_1326 = arith.index_cast %get3A_1325 : i32 to index
        %get3A_1327 = arith.constant 16 : index
        %get3A_1328 = tpu.vector_load %arg14[%get3A_1326, %get3A_1327] {strides = array<i32>} : memref<16x144xf32, #tpu.memory_space<vmem>>, vector<16xf32>,
        %mul3A_1329 = arith.mulf %get3A_1328, %gather3A_1306 : vector<16xf32>
        %swap3A_1330 = arith.constant 12 : i32
        %swap3A_1331 = arith.index_cast %swap3A_1330 : i32 to index
        %swap3A_1332 = arith.constant 16 : index
        %swap3A_1333 = tpu.vector_load %arg15[%swap3A_1331, %swap3A_1332] {strides = array<i32>} : memref<16x144xf32, #tpu.memory_space<vmem>>, vector<16xf32>,
        tpu.vector_store %arg15[%swap3A_1331, %swap3A_1332], %mul3A_1329 {strides = array<i32>} : memref<16x144xf32, #tpu.memory_space<vmem>>, vector<16xf32>,
        %get3A_1334 = arith.constant 12 : i32
        %get3A_1335 = arith.index_cast %get3A_1334 : i32 to index
        %get3A_1336 = arith.constant 32 : index
        %get3A_1337 = tpu.vector_load %arg14[%get3A_1335, %get3A_1336] {strides = array<i32>} : memref<16x144xf32, #tpu.memory_space<vmem>>, vector<16xf32>,
        %mul3A_1338 = arith.mulf %get3A_1337, %gather3A_1309 : vector<16xf32>
        %swap3A_1339 = arith.constant 12 : i32
        %swap3A_1340 = arith.index_cast %swap3A_1339 : i32 to index
        %swap3A_1341 = arith.constant 32 : index
        %swap3A_1342 = tpu.vector_load %arg15[%swap3A_1340, %swap3A_1341] {strides = array<i32>} : memref<16x144xf32, #tpu.memory_space<vmem>>, vector<16xf32>,
        tpu.vector_store %arg15[%swap3A_1340, %swap3A_1341], %mul3A_1338 {strides = array<i32>} : memref<16x144xf32, #tpu.memory_space<vmem>>, vector<16xf32>,
        %get3A_1343 = arith.constant 12 : i32
        %get3A_1344 = arith.index_cast %get3A_1343 : i32 to index
        %get3A_1345 = arith.constant 48 : index
        %get3A_1346 = tpu.vector_load %arg14[%get3A_1344, %get3A_1345] {strides = array<i32>} : memref<16x144xf32, #tpu.memory_space<vmem>>, vector<16xf32>,
        %mul3A_1347 = arith.mulf %get3A_1346, %gather3A_1309 : vector<16xf32>
        %swap3A_1348 = arith.constant 12 : i32
        %swap3A_1349 = arith.index_cast %swap3A_1348 : i32 to index
        %swap3A_1350 = arith.constant 48 : index
        %swap3A_1351 = tpu.vector_load %arg15[%swap3A_1349, %swap3A_1350] {strides = array<i32>} : memref<16x144xf32, #tpu.memory_space<vmem>>, vector<16xf32>,
        tpu.vector_store %arg15[%swap3A_1349, %swap3A_1350], %mul3A_1347 {strides = array<i32>} : memref<16x144xf32, #tpu.memory_space<vmem>>, vector<16xf32>,
        %get3A_1352 = arith.constant 12 : i32
        %get3A_1353 = arith.index_cast %get3A_1352 : i32 to index
        %get3A_1354 = arith.constant 64 : index
        %get3A_1355 = tpu.vector_load %arg14[%get3A_1353, %get3A_1354] {strides = array<i32>} : memref<16x144xf32, #tpu.memory_space<vmem>>, vector<16xf32>,
        %mul3A_1356 = arith.mulf %get3A_1355, %gather3A_1312 : vector<16xf32>
        %swap3A_1357 = arith.constant 12 : i32
        %swap3A_1358 = arith.index_cast %swap3A_1357 : i32 to index
        %swap3A_1359 = arith.constant 64 : index
        %swap3A_1360 = tpu.vector_load %arg15[%swap3A_1358, %swap3A_1359] {strides = array<i32>} : memref<16x144xf32, #tpu.memory_space<vmem>>, vector<16xf32>,
        tpu.vector_store %arg15[%swap3A_1358, %swap3A_1359], %mul3A_1356 {strides = array<i32>} : memref<16x144xf32, #tpu.memory_space<vmem>>, vector<16xf32>,
        %get3A_1361 = arith.constant 12 : i32
        %get3A_1362 = arith.index_cast %get3A_1361 : i32 to index
        %get3A_1363 = arith.constant 80 : index
        %get3A_1364 = tpu.vector_load %arg14[%get3A_1362, %get3A_1363] {strides = array<i32>} : memref<16x144xf32, #tpu.memory_space<vmem>>, vector<16xf32>,
        %mul3A_1365 = arith.mulf %get3A_1364, %gather3A_1312 : vector<16xf32>
        %swap3A_1366 = arith.constant 12 : i32
        %swap3A_1367 = arith.index_cast %swap3A_1366 : i32 to index
        %swap3A_1368 = arith.constant 80 : index
        %swap3A_1369 = tpu.vector_load %arg15[%swap3A_1367, %swap3A_1368] {strides = array<i32>} : memref<16x144xf32, #tpu.memory_space<vmem>>, vector<16xf32>,
        tpu.vector_store %arg15[%swap3A_1367, %swap3A_1368], %mul3A_1365 {strides = array<i32>} : memref<16x144xf32, #tpu.memory_space<vmem>>, vector<16xf32>,
        %get3A_1370 = arith.constant 12 : i32
        %get3A_1371 = arith.index_cast %get3A_1370 : i32 to index
        %get3A_1372 = arith.constant 96 : index
        %get3A_1373 = tpu.vector_load %arg14[%get3A_1371, %get3A_1372] {strides = array<i32>} : memref<16x144xf32, #tpu.memory_space<vmem>>, vector<16xf32>,
        %mul3A_1374 = arith.mulf %get3A_1373, %gather3A_1315 : vector<16xf32>
        %swap3A_1375 = arith.constant 12 : i32
        %swap3A_1376 = arith.index_cast %swap3A_1375 : i32 to index
        %swap3A_1377 = arith.constant 96 : index
        %swap3A_1378 = tpu.vector_load %arg15[%swap3A_1376, %swap3A_1377] {strides = array<i32>} : memref<16x144xf32, #tpu.memory_space<vmem>>, vector<16xf32>,
        tpu.vector_store %arg15[%swap3A_1376, %swap3A_1377], %mul3A_1374 {strides = array<i32>} : memref<16x144xf32, #tpu.memory_space<vmem>>, vector<16xf32>,
        %get3A_1379 = arith.constant 12 : i32
        %get3A_1380 = arith.index_cast %get3A_1379 : i32 to index
        %get3A_1381 = arith.constant 112 : index
        %get3A_1382 = tpu.vector_load %arg14[%get3A_1380, %get3A_1381] {strides = array<i32>} : memref<16x144xf32, #tpu.memory_space<vmem>>, vector<16xf32>,
        %mul3A_1383 = arith.mulf %get3A_1382, %gather3A_1315 : vector<16xf32>
        %swap3A_1384 = arith.constant 12 : i32
        %swap3A_1385 = arith.index_cast %swap3A_1384 : i32 to index
        %swap3A_1386 = arith.constant 112 : index
        %swap3A_1387 = tpu.vector_load %arg15[%swap3A_1385, %swap3A_1386] {strides = array<i32>} : memref<16x144xf32, #tpu.memory_space<vmem>>, vector<16xf32>,
        tpu.vector_store %arg15[%swap3A_1385, %swap3A_1386], %mul3A_1383 {strides = array<i32>} : memref<16x144xf32, #tpu.memory_space<vmem>>, vector<16xf32>,
        %broadcast_in_dim3A_1388 = arith.constant 13 : i32
        %broadcast_in_dim3A_1389 = vector.broadcast %broadcast_in_dim3A_1388 : i32 to vector<16xi32>
        %reshape3A_1390 = vector.shape_cast %broadcast_in_dim3A_1389 : vector<16xi32> to vector<16x1xi32>
        %gather3A_1391 = vector.shape_cast %reshape3A_1390 : vector<16x1xi32> to vector<16xi32>
        %gather3A_1392 = tpu.dynamic_gather %exp3A[%gather3A_1391] in [0] : vector<16xf32>, vector<16xi32> -> vector<16xf32>
        %reshape3A_1393 = vector.shape_cast %broadcast_in_dim3A_1389 : vector<16xi32> to vector<16x1xi32>
        %gather3A_1394 = vector.shape_cast %reshape3A_1393 : vector<16x1xi32> to vector<16xi32>
        %gather3A_1395 = tpu.dynamic_gather %exp3A_215[%gather3A_1394] in [0] : vector<16xf32>, vector<16xi32> -> vector<16xf32>
        %reshape3A_1396 = vector.shape_cast %broadcast_in_dim3A_1389 : vector<16xi32> to vector<16x1xi32>
        %gather3A_1397 = vector.shape_cast %reshape3A_1396 : vector<16x1xi32> to vector<16xi32>
        %gather3A_1398 = tpu.dynamic_gather %exp3A_241[%gather3A_1397] in [0] : vector<16xf32>, vector<16xi32> -> vector<16xf32>
        %reshape3A_1399 = vector.shape_cast %broadcast_in_dim3A_1389 : vector<16xi32> to vector<16x1xi32>
        %gather3A_1400 = vector.shape_cast %reshape3A_1399 : vector<16x1xi32> to vector<16xi32>
        %gather3A_1401 = tpu.dynamic_gather %exp3A_267[%gather3A_1400] in [0] : vector<16xf32>, vector<16xi32> -> vector<16xf32>
        %get3A_1402 = arith.constant 13 : i32
        %get3A_1403 = arith.index_cast %get3A_1402 : i32 to index
        %get3A_1404 = arith.constant 0 : index
        %get3A_1405 = tpu.vector_load %arg14[%get3A_1403, %get3A_1404] {strides = array<i32>} : memref<16x144xf32, #tpu.memory_space<vmem>>, vector<16xf32>,
        %mul3A_1406 = arith.mulf %get3A_1405, %gather3A_1392 : vector<16xf32>
        %swap3A_1407 = arith.constant 13 : i32
        %swap3A_1408 = arith.index_cast %swap3A_1407 : i32 to index
        %swap3A_1409 = arith.constant 0 : index
        %swap3A_1410 = tpu.vector_load %arg15[%swap3A_1408, %swap3A_1409] {strides = array<i32>} : memref<16x144xf32, #tpu.memory_space<vmem>>, vector<16xf32>,
        tpu.vector_store %arg15[%swap3A_1408, %swap3A_1409], %mul3A_1406 {strides = array<i32>} : memref<16x144xf32, #tpu.memory_space<vmem>>, vector<16xf32>,
        %get3A_1411 = arith.constant 13 : i32
        %get3A_1412 = arith.index_cast %get3A_1411 : i32 to index
        %get3A_1413 = arith.constant 16 : index
        %get3A_1414 = tpu.vector_load %arg14[%get3A_1412, %get3A_1413] {strides = array<i32>} : memref<16x144xf32, #tpu.memory_space<vmem>>, vector<16xf32>,
        %mul3A_1415 = arith.mulf %get3A_1414, %gather3A_1392 : vector<16xf32>
        %swap3A_1416 = arith.constant 13 : i32
        %swap3A_1417 = arith.index_cast %swap3A_1416 : i32 to index
        %swap3A_1418 = arith.constant 16 : index
        %swap3A_1419 = tpu.vector_load %arg15[%swap3A_1417, %swap3A_1418] {strides = array<i32>} : memref<16x144xf32, #tpu.memory_space<vmem>>, vector<16xf32>,
        tpu.vector_store %arg15[%swap3A_1417, %swap3A_1418], %mul3A_1415 {strides = array<i32>} : memref<16x144xf32, #tpu.memory_space<vmem>>, vector<16xf32>,
        %get3A_1420 = arith.constant 13 : i32
        %get3A_1421 = arith.index_cast %get3A_1420 : i32 to index
        %get3A_1422 = arith.constant 32 : index
        %get3A_1423 = tpu.vector_load %arg14[%get3A_1421, %get3A_1422] {strides = array<i32>} : memref<16x144xf32, #tpu.memory_space<vmem>>, vector<16xf32>,
        %mul3A_1424 = arith.mulf %get3A_1423, %gather3A_1395 : vector<16xf32>
        %swap3A_1425 = arith.constant 13 : i32
        %swap3A_1426 = arith.index_cast %swap3A_1425 : i32 to index
        %swap3A_1427 = arith.constant 32 : index
        %swap3A_1428 = tpu.vector_load %arg15[%swap3A_1426, %swap3A_1427] {strides = array<i32>} : memref<16x144xf32, #tpu.memory_space<vmem>>, vector<16xf32>,
        tpu.vector_store %arg15[%swap3A_1426, %swap3A_1427], %mul3A_1424 {strides = array<i32>} : memref<16x144xf32, #tpu.memory_space<vmem>>, vector<16xf32>,
        %get3A_1429 = arith.constant 13 : i32
        %get3A_1430 = arith.index_cast %get3A_1429 : i32 to index
        %get3A_1431 = arith.constant 48 : index
        %get3A_1432 = tpu.vector_load %arg14[%get3A_1430, %get3A_1431] {strides = array<i32>} : memref<16x144xf32, #tpu.memory_space<vmem>>, vector<16xf32>,
        %mul3A_1433 = arith.mulf %get3A_1432, %gather3A_1395 : vector<16xf32>
        %swap3A_1434 = arith.constant 13 : i32
        %swap3A_1435 = arith.index_cast %swap3A_1434 : i32 to index
        %swap3A_1436 = arith.constant 48 : index
        %swap3A_1437 = tpu.vector_load %arg15[%swap3A_1435, %swap3A_1436] {strides = array<i32>} : memref<16x144xf32, #tpu.memory_space<vmem>>, vector<16xf32>,
        tpu.vector_store %arg15[%swap3A_1435, %swap3A_1436], %mul3A_1433 {strides = array<i32>} : memref<16x144xf32, #tpu.memory_space<vmem>>, vector<16xf32>,
        %get3A_1438 = arith.constant 13 : i32
        %get3A_1439 = arith.index_cast %get3A_1438 : i32 to index
        %get3A_1440 = arith.constant 64 : index
        %get3A_1441 = tpu.vector_load %arg14[%get3A_1439, %get3A_1440] {strides = array<i32>} : memref<16x144xf32, #tpu.memory_space<vmem>>, vector<16xf32>,
        %mul3A_1442 = arith.mulf %get3A_1441, %gather3A_1398 : vector<16xf32>
        %swap3A_1443 = arith.constant 13 : i32
        %swap3A_1444 = arith.index_cast %swap3A_1443 : i32 to index
        %swap3A_1445 = arith.constant 64 : index
        %swap3A_1446 = tpu.vector_load %arg15[%swap3A_1444, %swap3A_1445] {strides = array<i32>} : memref<16x144xf32, #tpu.memory_space<vmem>>, vector<16xf32>,
        tpu.vector_store %arg15[%swap3A_1444, %swap3A_1445], %mul3A_1442 {strides = array<i32>} : memref<16x144xf32, #tpu.memory_space<vmem>>, vector<16xf32>,
        %get3A_1447 = arith.constant 13 : i32
        %get3A_1448 = arith.index_cast %get3A_1447 : i32 to index
        %get3A_1449 = arith.constant 80 : index
        %get3A_1450 = tpu.vector_load %arg14[%get3A_1448, %get3A_1449] {strides = array<i32>} : memref<16x144xf32, #tpu.memory_space<vmem>>, vector<16xf32>,
        %mul3A_1451 = arith.mulf %get3A_1450, %gather3A_1398 : vector<16xf32>
        %swap3A_1452 = arith.constant 13 : i32
        %swap3A_1453 = arith.index_cast %swap3A_1452 : i32 to index
        %swap3A_1454 = arith.constant 80 : index
        %swap3A_1455 = tpu.vector_load %arg15[%swap3A_1453, %swap3A_1454] {strides = array<i32>} : memref<16x144xf32, #tpu.memory_space<vmem>>, vector<16xf32>,
        tpu.vector_store %arg15[%swap3A_1453, %swap3A_1454], %mul3A_1451 {strides = array<i32>} : memref<16x144xf32, #tpu.memory_space<vmem>>, vector<16xf32>,
        %get3A_1456 = arith.constant 13 : i32
        %get3A_1457 = arith.index_cast %get3A_1456 : i32 to index
        %get3A_1458 = arith.constant 96 : index
        %get3A_1459 = tpu.vector_load %arg14[%get3A_1457, %get3A_1458] {strides = array<i32>} : memref<16x144xf32, #tpu.memory_space<vmem>>, vector<16xf32>,
        %mul3A_1460 = arith.mulf %get3A_1459, %gather3A_1401 : vector<16xf32>
        %swap3A_1461 = arith.constant 13 : i32
        %swap3A_1462 = arith.index_cast %swap3A_1461 : i32 to index
        %swap3A_1463 = arith.constant 96 : index
        %swap3A_1464 = tpu.vector_load %arg15[%swap3A_1462, %swap3A_1463] {strides = array<i32>} : memref<16x144xf32, #tpu.memory_space<vmem>>, vector<16xf32>,
        tpu.vector_store %arg15[%swap3A_1462, %swap3A_1463], %mul3A_1460 {strides = array<i32>} : memref<16x144xf32, #tpu.memory_space<vmem>>, vector<16xf32>,
        %get3A_1465 = arith.constant 13 : i32
        %get3A_1466 = arith.index_cast %get3A_1465 : i32 to index
        %get3A_1467 = arith.constant 112 : index
        %get3A_1468 = tpu.vector_load %arg14[%get3A_1466, %get3A_1467] {strides = array<i32>} : memref<16x144xf32, #tpu.memory_space<vmem>>, vector<16xf32>,
        %mul3A_1469 = arith.mulf %get3A_1468, %gather3A_1401 : vector<16xf32>
        %swap3A_1470 = arith.constant 13 : i32
        %swap3A_1471 = arith.index_cast %swap3A_1470 : i32 to index
        %swap3A_1472 = arith.constant 112 : index
        %swap3A_1473 = tpu.vector_load %arg15[%swap3A_1471, %swap3A_1472] {strides = array<i32>} : memref<16x144xf32, #tpu.memory_space<vmem>>, vector<16xf32>,
        tpu.vector_store %arg15[%swap3A_1471, %swap3A_1472], %mul3A_1469 {strides = array<i32>} : memref<16x144xf32, #tpu.memory_space<vmem>>, vector<16xf32>,
        %broadcast_in_dim3A_1474 = arith.constant 14 : i32
        %broadcast_in_dim3A_1475 = vector.broadcast %broadcast_in_dim3A_1474 : i32 to vector<16xi32>
        %reshape3A_1476 = vector.shape_cast %broadcast_in_dim3A_1475 : vector<16xi32> to vector<16x1xi32>
        %gather3A_1477 = vector.shape_cast %reshape3A_1476 : vector<16x1xi32> to vector<16xi32>
        %gather3A_1478 = tpu.dynamic_gather %exp3A[%gather3A_1477] in [0] : vector<16xf32>, vector<16xi32> -> vector<16xf32>
        %reshape3A_1479 = vector.shape_cast %broadcast_in_dim3A_1475 : vector<16xi32> to vector<16x1xi32>
        %gather3A_1480 = vector.shape_cast %reshape3A_1479 : vector<16x1xi32> to vector<16xi32>
        %gather3A_1481 = tpu.dynamic_gather %exp3A_215[%gather3A_1480] in [0] : vector<16xf32>, vector<16xi32> -> vector<16xf32>
        %reshape3A_1482 = vector.shape_cast %broadcast_in_dim3A_1475 : vector<16xi32> to vector<16x1xi32>
        %gather3A_1483 = vector.shape_cast %reshape3A_1482 : vector<16x1xi32> to vector<16xi32>
        %gather3A_1484 = tpu.dynamic_gather %exp3A_241[%gather3A_1483] in [0] : vector<16xf32>, vector<16xi32> -> vector<16xf32>
        %reshape3A_1485 = vector.shape_cast %broadcast_in_dim3A_1475 : vector<16xi32> to vector<16x1xi32>
        %gather3A_1486 = vector.shape_cast %reshape3A_1485 : vector<16x1xi32> to vector<16xi32>
        %gather3A_1487 = tpu.dynamic_gather %exp3A_267[%gather3A_1486] in [0] : vector<16xf32>, vector<16xi32> -> vector<16xf32>
        %get3A_1488 = arith.constant 14 : i32
        %get3A_1489 = arith.index_cast %get3A_1488 : i32 to index
        %get3A_1490 = arith.constant 0 : index
        %get3A_1491 = tpu.vector_load %arg14[%get3A_1489, %get3A_1490] {strides = array<i32>} : memref<16x144xf32, #tpu.memory_space<vmem>>, vector<16xf32>,
        %mul3A_1492 = arith.mulf %get3A_1491, %gather3A_1478 : vector<16xf32>
        %swap3A_1493 = arith.constant 14 : i32
        %swap3A_1494 = arith.index_cast %swap3A_1493 : i32 to index
        %swap3A_1495 = arith.constant 0 : index
        %swap3A_1496 = tpu.vector_load %arg15[%swap3A_1494, %swap3A_1495] {strides = array<i32>} : memref<16x144xf32, #tpu.memory_space<vmem>>, vector<16xf32>,
        tpu.vector_store %arg15[%swap3A_1494, %swap3A_1495], %mul3A_1492 {strides = array<i32>} : memref<16x144xf32, #tpu.memory_space<vmem>>, vector<16xf32>,
        %get3A_1497 = arith.constant 14 : i32
        %get3A_1498 = arith.index_cast %get3A_1497 : i32 to index
        %get3A_1499 = arith.constant 16 : index
        %get3A_1500 = tpu.vector_load %arg14[%get3A_1498, %get3A_1499] {strides = array<i32>} : memref<16x144xf32, #tpu.memory_space<vmem>>, vector<16xf32>,
        %mul3A_1501 = arith.mulf %get3A_1500, %gather3A_1478 : vector<16xf32>
        %swap3A_1502 = arith.constant 14 : i32
        %swap3A_1503 = arith.index_cast %swap3A_1502 : i32 to index
        %swap3A_1504 = arith.constant 16 : index
        %swap3A_1505 = tpu.vector_load %arg15[%swap3A_1503, %swap3A_1504] {strides = array<i32>} : memref<16x144xf32, #tpu.memory_space<vmem>>, vector<16xf32>,
        tpu.vector_store %arg15[%swap3A_1503, %swap3A_1504], %mul3A_1501 {strides = array<i32>} : memref<16x144xf32, #tpu.memory_space<vmem>>, vector<16xf32>,
        %get3A_1506 = arith.constant 14 : i32
        %get3A_1507 = arith.index_cast %get3A_1506 : i32 to index
        %get3A_1508 = arith.constant 32 : index
        %get3A_1509 = tpu.vector_load %arg14[%get3A_1507, %get3A_1508] {strides = array<i32>} : memref<16x144xf32, #tpu.memory_space<vmem>>, vector<16xf32>,
        %mul3A_1510 = arith.mulf %get3A_1509, %gather3A_1481 : vector<16xf32>
        %swap3A_1511 = arith.constant 14 : i32
        %swap3A_1512 = arith.index_cast %swap3A_1511 : i32 to index
        %swap3A_1513 = arith.constant 32 : index
        %swap3A_1514 = tpu.vector_load %arg15[%swap3A_1512, %swap3A_1513] {strides = array<i32>} : memref<16x144xf32, #tpu.memory_space<vmem>>, vector<16xf32>,
        tpu.vector_store %arg15[%swap3A_1512, %swap3A_1513], %mul3A_1510 {strides = array<i32>} : memref<16x144xf32, #tpu.memory_space<vmem>>, vector<16xf32>,
        %get3A_1515 = arith.constant 14 : i32
        %get3A_1516 = arith.index_cast %get3A_1515 : i32 to index
        %get3A_1517 = arith.constant 48 : index
        %get3A_1518 = tpu.vector_load %arg14[%get3A_1516, %get3A_1517] {strides = array<i32>} : memref<16x144xf32, #tpu.memory_space<vmem>>, vector<16xf32>,
        %mul3A_1519 = arith.mulf %get3A_1518, %gather3A_1481 : vector<16xf32>
        %swap3A_1520 = arith.constant 14 : i32
        %swap3A_1521 = arith.index_cast %swap3A_1520 : i32 to index
        %swap3A_1522 = arith.constant 48 : index
        %swap3A_1523 = tpu.vector_load %arg15[%swap3A_1521, %swap3A_1522] {strides = array<i32>} : memref<16x144xf32, #tpu.memory_space<vmem>>, vector<16xf32>,
        tpu.vector_store %arg15[%swap3A_1521, %swap3A_1522], %mul3A_1519 {strides = array<i32>} : memref<16x144xf32, #tpu.memory_space<vmem>>, vector<16xf32>,
        %get3A_1524 = arith.constant 14 : i32
        %get3A_1525 = arith.index_cast %get3A_1524 : i32 to index
        %get3A_1526 = arith.constant 64 : index
        %get3A_1527 = tpu.vector_load %arg14[%get3A_1525, %get3A_1526] {strides = array<i32>} : memref<16x144xf32, #tpu.memory_space<vmem>>, vector<16xf32>,
        %mul3A_1528 = arith.mulf %get3A_1527, %gather3A_1484 : vector<16xf32>
        %swap3A_1529 = arith.constant 14 : i32
        %swap3A_1530 = arith.index_cast %swap3A_1529 : i32 to index
        %swap3A_1531 = arith.constant 64 : index
        %swap3A_1532 = tpu.vector_load %arg15[%swap3A_1530, %swap3A_1531] {strides = array<i32>} : memref<16x144xf32, #tpu.memory_space<vmem>>, vector<16xf32>,
        tpu.vector_store %arg15[%swap3A_1530, %swap3A_1531], %mul3A_1528 {strides = array<i32>} : memref<16x144xf32, #tpu.memory_space<vmem>>, vector<16xf32>,
        %get3A_1533 = arith.constant 14 : i32
        %get3A_1534 = arith.index_cast %get3A_1533 : i32 to index
        %get3A_1535 = arith.constant 80 : index
        %get3A_1536 = tpu.vector_load %arg14[%get3A_1534, %get3A_1535] {strides = array<i32>} : memref<16x144xf32, #tpu.memory_space<vmem>>, vector<16xf32>,
        %mul3A_1537 = arith.mulf %get3A_1536, %gather3A_1484 : vector<16xf32>
        %swap3A_1538 = arith.constant 14 : i32
        %swap3A_1539 = arith.index_cast %swap3A_1538 : i32 to index
        %swap3A_1540 = arith.constant 80 : index
        %swap3A_1541 = tpu.vector_load %arg15[%swap3A_1539, %swap3A_1540] {strides = array<i32>} : memref<16x144xf32, #tpu.memory_space<vmem>>, vector<16xf32>,
        tpu.vector_store %arg15[%swap3A_1539, %swap3A_1540], %mul3A_1537 {strides = array<i32>} : memref<16x144xf32, #tpu.memory_space<vmem>>, vector<16xf32>,
        %get3A_1542 = arith.constant 14 : i32
        %get3A_1543 = arith.index_cast %get3A_1542 : i32 to index
        %get3A_1544 = arith.constant 96 : index
        %get3A_1545 = tpu.vector_load %arg14[%get3A_1543, %get3A_1544] {strides = array<i32>} : memref<16x144xf32, #tpu.memory_space<vmem>>, vector<16xf32>,
        %mul3A_1546 = arith.mulf %get3A_1545, %gather3A_1487 : vector<16xf32>
        %swap3A_1547 = arith.constant 14 : i32
        %swap3A_1548 = arith.index_cast %swap3A_1547 : i32 to index
        %swap3A_1549 = arith.constant 96 : index
        %swap3A_1550 = tpu.vector_load %arg15[%swap3A_1548, %swap3A_1549] {strides = array<i32>} : memref<16x144xf32, #tpu.memory_space<vmem>>, vector<16xf32>,
        tpu.vector_store %arg15[%swap3A_1548, %swap3A_1549], %mul3A_1546 {strides = array<i32>} : memref<16x144xf32, #tpu.memory_space<vmem>>, vector<16xf32>,
        %get3A_1551 = arith.constant 14 : i32
        %get3A_1552 = arith.index_cast %get3A_1551 : i32 to index
        %get3A_1553 = arith.constant 112 : index
        %get3A_1554 = tpu.vector_load %arg14[%get3A_1552, %get3A_1553] {strides = array<i32>} : memref<16x144xf32, #tpu.memory_space<vmem>>, vector<16xf32>,
        %mul3A_1555 = arith.mulf %get3A_1554, %gather3A_1487 : vector<16xf32>
        %swap3A_1556 = arith.constant 14 : i32
        %swap3A_1557 = arith.index_cast %swap3A_1556 : i32 to index
        %swap3A_1558 = arith.constant 112 : index
        %swap3A_1559 = tpu.vector_load %arg15[%swap3A_1557, %swap3A_1558] {strides = array<i32>} : memref<16x144xf32, #tpu.memory_space<vmem>>, vector<16xf32>,
        tpu.vector_store %arg15[%swap3A_1557, %swap3A_1558], %mul3A_1555 {strides = array<i32>} : memref<16x144xf32, #tpu.memory_space<vmem>>, vector<16xf32>,
        %broadcast_in_dim3A_1560 = arith.constant 15 : i32
        %broadcast_in_dim3A_1561 = vector.broadcast %broadcast_in_dim3A_1560 : i32 to vector<16xi32>
        %reshape3A_1562 = vector.shape_cast %broadcast_in_dim3A_1561 : vector<16xi32> to vector<16x1xi32>
        %gather3A_1563 = vector.shape_cast %reshape3A_1562 : vector<16x1xi32> to vector<16xi32>
        %gather3A_1564 = tpu.dynamic_gather %exp3A[%gather3A_1563] in [0] : vector<16xf32>, vector<16xi32> -> vector<16xf32>
        %reshape3A_1565 = vector.shape_cast %broadcast_in_dim3A_1561 : vector<16xi32> to vector<16x1xi32>
        %gather3A_1566 = vector.shape_cast %reshape3A_1565 : vector<16x1xi32> to vector<16xi32>
        %gather3A_1567 = tpu.dynamic_gather %exp3A_215[%gather3A_1566] in [0] : vector<16xf32>, vector<16xi32> -> vector<16xf32>
        %reshape3A_1568 = vector.shape_cast %broadcast_in_dim3A_1561 : vector<16xi32> to vector<16x1xi32>
        %gather3A_1569 = vector.shape_cast %reshape3A_1568 : vector<16x1xi32> to vector<16xi32>
        %gather3A_1570 = tpu.dynamic_gather %exp3A_241[%gather3A_1569] in [0] : vector<16xf32>, vector<16xi32> -> vector<16xf32>
        %reshape3A_1571 = vector.shape_cast %broadcast_in_dim3A_1561 : vector<16xi32> to vector<16x1xi32>
        %gather3A_1572 = vector.shape_cast %reshape3A_1571 : vector<16x1xi32> to vector<16xi32>
        %gather3A_1573 = tpu.dynamic_gather %exp3A_267[%gather3A_1572] in [0] : vector<16xf32>, vector<16xi32> -> vector<16xf32>
        %get3A_1574 = arith.constant 15 : i32
        %get3A_1575 = arith.index_cast %get3A_1574 : i32 to index
        %get3A_1576 = arith.constant 0 : index
        %get3A_1577 = tpu.vector_load %arg14[%get3A_1575, %get3A_1576] {strides = array<i32>} : memref<16x144xf32, #tpu.memory_space<vmem>>, vector<16xf32>,
        %mul3A_1578 = arith.mulf %get3A_1577, %gather3A_1564 : vector<16xf32>
        %swap3A_1579 = arith.constant 15 : i32
        %swap3A_1580 = arith.index_cast %swap3A_1579 : i32 to index
        %swap3A_1581 = arith.constant 0 : index
        %swap3A_1582 = tpu.vector_load %arg15[%swap3A_1580, %swap3A_1581] {strides = array<i32>} : memref<16x144xf32, #tpu.memory_space<vmem>>, vector<16xf32>,
        tpu.vector_store %arg15[%swap3A_1580, %swap3A_1581], %mul3A_1578 {strides = array<i32>} : memref<16x144xf32, #tpu.memory_space<vmem>>, vector<16xf32>,
        %get3A_1583 = arith.constant 15 : i32
        %get3A_1584 = arith.index_cast %get3A_1583 : i32 to index
        %get3A_1585 = arith.constant 16 : index
        %get3A_1586 = tpu.vector_load %arg14[%get3A_1584, %get3A_1585] {strides = array<i32>} : memref<16x144xf32, #tpu.memory_space<vmem>>, vector<16xf32>,
        %mul3A_1587 = arith.mulf %get3A_1586, %gather3A_1564 : vector<16xf32>
        %swap3A_1588 = arith.constant 15 : i32
        %swap3A_1589 = arith.index_cast %swap3A_1588 : i32 to index
        %swap3A_1590 = arith.constant 16 : index
        %swap3A_1591 = tpu.vector_load %arg15[%swap3A_1589, %swap3A_1590] {strides = array<i32>} : memref<16x144xf32, #tpu.memory_space<vmem>>, vector<16xf32>,
        tpu.vector_store %arg15[%swap3A_1589, %swap3A_1590], %mul3A_1587 {strides = array<i32>} : memref<16x144xf32, #tpu.memory_space<vmem>>, vector<16xf32>,
        %get3A_1592 = arith.constant 15 : i32
        %get3A_1593 = arith.index_cast %get3A_1592 : i32 to index
        %get3A_1594 = arith.constant 32 : index
        %get3A_1595 = tpu.vector_load %arg14[%get3A_1593, %get3A_1594] {strides = array<i32>} : memref<16x144xf32, #tpu.memory_space<vmem>>, vector<16xf32>,
        %mul3A_1596 = arith.mulf %get3A_1595, %gather3A_1567 : vector<16xf32>
        %swap3A_1597 = arith.constant 15 : i32
        %swap3A_1598 = arith.index_cast %swap3A_1597 : i32 to index
        %swap3A_1599 = arith.constant 32 : index
        %swap3A_1600 = tpu.vector_load %arg15[%swap3A_1598, %swap3A_1599] {strides = array<i32>} : memref<16x144xf32, #tpu.memory_space<vmem>>, vector<16xf32>,
        tpu.vector_store %arg15[%swap3A_1598, %swap3A_1599], %mul3A_1596 {strides = array<i32>} : memref<16x144xf32, #tpu.memory_space<vmem>>, vector<16xf32>,
        %get3A_1601 = arith.constant 15 : i32
        %get3A_1602 = arith.index_cast %get3A_1601 : i32 to index
        %get3A_1603 = arith.constant 48 : index
        %get3A_1604 = tpu.vector_load %arg14[%get3A_1602, %get3A_1603] {strides = array<i32>} : memref<16x144xf32, #tpu.memory_space<vmem>>, vector<16xf32>,
        %mul3A_1605 = arith.mulf %get3A_1604, %gather3A_1567 : vector<16xf32>
        %swap3A_1606 = arith.constant 15 : i32
        %swap3A_1607 = arith.index_cast %swap3A_1606 : i32 to index
        %swap3A_1608 = arith.constant 48 : index
        %swap3A_1609 = tpu.vector_load %arg15[%swap3A_1607, %swap3A_1608] {strides = array<i32>} : memref<16x144xf32, #tpu.memory_space<vmem>>, vector<16xf32>,
        tpu.vector_store %arg15[%swap3A_1607, %swap3A_1608], %mul3A_1605 {strides = array<i32>} : memref<16x144xf32, #tpu.memory_space<vmem>>, vector<16xf32>,
        %get3A_1610 = arith.constant 15 : i32
        %get3A_1611 = arith.index_cast %get3A_1610 : i32 to index
        %get3A_1612 = arith.constant 64 : index
        %get3A_1613 = tpu.vector_load %arg14[%get3A_1611, %get3A_1612] {strides = array<i32>} : memref<16x144xf32, #tpu.memory_space<vmem>>, vector<16xf32>,
        %mul3A_1614 = arith.mulf %get3A_1613, %gather3A_1570 : vector<16xf32>
        %swap3A_1615 = arith.constant 15 : i32
        %swap3A_1616 = arith.index_cast %swap3A_1615 : i32 to index
        %swap3A_1617 = arith.constant 64 : index
        %swap3A_1618 = tpu.vector_load %arg15[%swap3A_1616, %swap3A_1617] {strides = array<i32>} : memref<16x144xf32, #tpu.memory_space<vmem>>, vector<16xf32>,
        tpu.vector_store %arg15[%swap3A_1616, %swap3A_1617], %mul3A_1614 {strides = array<i32>} : memref<16x144xf32, #tpu.memory_space<vmem>>, vector<16xf32>,
        %get3A_1619 = arith.constant 15 : i32
        %get3A_1620 = arith.index_cast %get3A_1619 : i32 to index
        %get3A_1621 = arith.constant 80 : index
        %get3A_1622 = tpu.vector_load %arg14[%get3A_1620, %get3A_1621] {strides = array<i32>} : memref<16x144xf32, #tpu.memory_space<vmem>>, vector<16xf32>,
        %mul3A_1623 = arith.mulf %get3A_1622, %gather3A_1570 : vector<16xf32>
        %swap3A_1624 = arith.constant 15 : i32
        %swap3A_1625 = arith.index_cast %swap3A_1624 : i32 to index
        %swap3A_1626 = arith.constant 80 : index
        %swap3A_1627 = tpu.vector_load %arg15[%swap3A_1625, %swap3A_1626] {strides = array<i32>} : memref<16x144xf32, #tpu.memory_space<vmem>>, vector<16xf32>,
        tpu.vector_store %arg15[%swap3A_1625, %swap3A_1626], %mul3A_1623 {strides = array<i32>} : memref<16x144xf32, #tpu.memory_space<vmem>>, vector<16xf32>,
        %get3A_1628 = arith.constant 15 : i32
        %get3A_1629 = arith.index_cast %get3A_1628 : i32 to index
        %get3A_1630 = arith.constant 96 : index
        %get3A_1631 = tpu.vector_load %arg14[%get3A_1629, %get3A_1630] {strides = array<i32>} : memref<16x144xf32, #tpu.memory_space<vmem>>, vector<16xf32>,
        %mul3A_1632 = arith.mulf %get3A_1631, %gather3A_1573 : vector<16xf32>
        %swap3A_1633 = arith.constant 15 : i32
        %swap3A_1634 = arith.index_cast %swap3A_1633 : i32 to index
        %swap3A_1635 = arith.constant 96 : index
        %swap3A_1636 = tpu.vector_load %arg15[%swap3A_1634, %swap3A_1635] {strides = array<i32>} : memref<16x144xf32, #tpu.memory_space<vmem>>, vector<16xf32>,
        tpu.vector_store %arg15[%swap3A_1634, %swap3A_1635], %mul3A_1632 {strides = array<i32>} : memref<16x144xf32, #tpu.memory_space<vmem>>, vector<16xf32>,
        %get3A_1637 = arith.constant 15 : i32
        %get3A_1638 = arith.index_cast %get3A_1637 : i32 to index
        %get3A_1639 = arith.constant 112 : index
        %get3A_1640 = tpu.vector_load %arg14[%get3A_1638, %get3A_1639] {strides = array<i32>} : memref<16x144xf32, #tpu.memory_space<vmem>>, vector<16xf32>,
        %mul3A_1641 = arith.mulf %get3A_1640, %gather3A_1573 : vector<16xf32>
        %swap3A_1642 = arith.constant 15 : i32
        %swap3A_1643 = arith.index_cast %swap3A_1642 : i32 to index
        %swap3A_1644 = arith.constant 112 : index
        %swap3A_1645 = tpu.vector_load %arg15[%swap3A_1643, %swap3A_1644] {strides = array<i32>} : memref<16x144xf32, #tpu.memory_space<vmem>>, vector<16xf32>,
        tpu.vector_store %arg15[%swap3A_1643, %swap3A_1644], %mul3A_1641 {strides = array<i32>} : memref<16x144xf32, #tpu.memory_space<vmem>>, vector<16xf32>,
        %run_scoped3A = arith.constant 0 : i32
        "tpu.region"() ({
          %run_scoped3A_1661 = tpu.sem_alloc : memref<!tpu.dma_semaphore, #tpu.memory_space<semaphore_mem>>
          %dma_start3A_1662 = arith.constant 0 : i32
          %dma_start3A_1663 = arith.constant 0 : i32
          %dma_start3A_1664 = tpu.memref_slice %arg15[%dma_start3A_1662, %dma_start3A_1663] : memref<16x144xf32, #tpu.memory_space<vmem>> -> memref<1x144xf32, #tpu.memory_space<vmem>>
          %dma_start3A_1665 = arith.constant 0 : i32
          %dma_start3A_1666 = tpu.memref_slice %arg18[%run_scoped3A, %dma_start3A_1665] : memref<16x1xi32, #tpu.memory_space<vmem>> -> memref<1x1xi32, #tpu.memory_space<vmem>>
          %dma_start3A_1667 = tpu.memref_squeeze %dma_start3A_1666 : memref<1x1xi32, #tpu.memory_space<vmem>> -> memref<1xi32, #tpu.memory_space<vmem>>
          %dma_start3A_1668 = arith.constant 0 : i32
          %dma_start3A_1669 = arith.constant 0 : i32
          %dma_start3A_1670 = tpu.memref_slice %arg20[%dma_start3A_1668, %dma_start3A_1669] : memref<10000x144xf32, #tpu.memory_space<vmem_shared>> -> memref<10000x144xf32, #tpu.memory_space<vmem_shared>>
          tpu.enqueue_indirect_dma source(%dma_start3A_1664 : memref<1x144xf32, #tpu.memory_space<vmem>>) target(%dma_start3A_1670 : memref<10000x144xf32, #tpu.memory_space<vmem_shared>>) offsets(%dma_start3A_1667 : memref<1xi32, #tpu.memory_space<vmem>>) semaphore(%run_scoped3A_1661 : memref<!tpu.dma_semaphore, #tpu.memory_space<semaphore_mem>>) {add = true}
          %dma_wait3A_1671 = arith.constant 0 : i32
          %dma_wait3A_1672 = arith.constant 0 : i32
          %dma_wait3A_1673 = tpu.memref_slice %arg15[%dma_wait3A_1671, %dma_wait3A_1672] : memref<16x144xf32, #tpu.memory_space<vmem>> -> memref<1x144xf32, #tpu.memory_space<vmem>>
          %dma_wait3A_1674 = arith.constant 0 : i32
          %dma_wait3A_1675 = tpu.memref_slice %arg18[%run_scoped3A, %dma_wait3A_1674] : memref<16x1xi32, #tpu.memory_space<vmem>> -> memref<1x1xi32, #tpu.memory_space<vmem>>
          %dma_wait3A_1676 = tpu.memref_squeeze %dma_wait3A_1675 : memref<1x1xi32, #tpu.memory_space<vmem>> -> memref<1xi32, #tpu.memory_space<vmem>>
          %dma_wait3A_1677 = arith.constant 0 : i32
          %dma_wait3A_1678 = arith.constant 0 : i32
          %dma_wait3A_1679 = tpu.memref_slice %arg20[%dma_wait3A_1677, %dma_wait3A_1678] : memref<10000x144xf32, #tpu.memory_space<vmem_shared>> -> memref<10000x144xf32, #tpu.memory_space<vmem_shared>>
          tpu.wait_indirect_dma semaphore(%run_scoped3A_1661 : memref<!tpu.dma_semaphore, #tpu.memory_space<semaphore_mem>>) src(%dma_wait3A_1673 : memref<1x144xf32, #tpu.memory_space<vmem>>) dst(%dma_wait3A_1679 : memref<10000x144xf32, #tpu.memory_space<vmem_shared>>)
          tpu.yield
        }) : () -> ()
        %run_scoped3A_1646 = arith.constant 1 : i32
        "tpu.region"() ({
          %run_scoped3A_1661 = tpu.sem_alloc : memref<!tpu.dma_semaphore, #tpu.memory_space<semaphore_mem>>
          %dma_start3A_1662 = arith.constant 1 : i32
          %dma_start3A_1663 = arith.constant 0 : i32
          %dma_start3A_1664 = tpu.memref_slice %arg15[%dma_start3A_1662, %dma_start3A_1663] : memref<16x144xf32, #tpu.memory_space<vmem>> -> memref<1x144xf32, #tpu.memory_space<vmem>>
          %dma_start3A_1665 = arith.constant 0 : i32
          %dma_start3A_1666 = tpu.memref_slice %arg18[%run_scoped3A_1646, %dma_start3A_1665] : memref<16x1xi32, #tpu.memory_space<vmem>> -> memref<1x1xi32, #tpu.memory_space<vmem>>
          %dma_start3A_1667 = tpu.memref_squeeze %dma_start3A_1666 : memref<1x1xi32, #tpu.memory_space<vmem>> -> memref<1xi32, #tpu.memory_space<vmem>>
          %dma_start3A_1668 = arith.constant 0 : i32
          %dma_start3A_1669 = arith.constant 0 : i32
          %dma_start3A_1670 = tpu.memref_slice %arg20[%dma_start3A_1668, %dma_start3A_1669] : memref<10000x144xf32, #tpu.memory_space<vmem_shared>> -> memref<10000x144xf32, #tpu.memory_space<vmem_shared>>
          tpu.enqueue_indirect_dma source(%dma_start3A_1664 : memref<1x144xf32, #tpu.memory_space<vmem>>) target(%dma_start3A_1670 : memref<10000x144xf32, #tpu.memory_space<vmem_shared>>) offsets(%dma_start3A_1667 : memref<1xi32, #tpu.memory_space<vmem>>) semaphore(%run_scoped3A_1661 : memref<!tpu.dma_semaphore, #tpu.memory_space<semaphore_mem>>) {add = true}
          %dma_wait3A_1671 = arith.constant 1 : i32
          %dma_wait3A_1672 = arith.constant 0 : i32
          %dma_wait3A_1673 = tpu.memref_slice %arg15[%dma_wait3A_1671, %dma_wait3A_1672] : memref<16x144xf32, #tpu.memory_space<vmem>> -> memref<1x144xf32, #tpu.memory_space<vmem>>
          %dma_wait3A_1674 = arith.constant 0 : i32
          %dma_wait3A_1675 = tpu.memref_slice %arg18[%run_scoped3A_1646, %dma_wait3A_1674] : memref<16x1xi32, #tpu.memory_space<vmem>> -> memref<1x1xi32, #tpu.memory_space<vmem>>
          %dma_wait3A_1676 = tpu.memref_squeeze %dma_wait3A_1675 : memref<1x1xi32, #tpu.memory_space<vmem>> -> memref<1xi32, #tpu.memory_space<vmem>>
          %dma_wait3A_1677 = arith.constant 0 : i32
          %dma_wait3A_1678 = arith.constant 0 : i32
          %dma_wait3A_1679 = tpu.memref_slice %arg20[%dma_wait3A_1677, %dma_wait3A_1678] : memref<10000x144xf32, #tpu.memory_space<vmem_shared>> -> memref<10000x144xf32, #tpu.memory_space<vmem_shared>>
          tpu.wait_indirect_dma semaphore(%run_scoped3A_1661 : memref<!tpu.dma_semaphore, #tpu.memory_space<semaphore_mem>>) src(%dma_wait3A_1673 : memref<1x144xf32, #tpu.memory_space<vmem>>) dst(%dma_wait3A_1679 : memref<10000x144xf32, #tpu.memory_space<vmem_shared>>)
          tpu.yield
        }) : () -> ()
        %run_scoped3A_1647 = arith.constant 2 : i32
        "tpu.region"() ({
          %run_scoped3A_1661 = tpu.sem_alloc : memref<!tpu.dma_semaphore, #tpu.memory_space<semaphore_mem>>
          %dma_start3A_1662 = arith.constant 2 : i32
          %dma_start3A_1663 = arith.constant 0 : i32
          %dma_start3A_1664 = tpu.memref_slice %arg15[%dma_start3A_1662, %dma_start3A_1663] : memref<16x144xf32, #tpu.memory_space<vmem>> -> memref<1x144xf32, #tpu.memory_space<vmem>>
          %dma_start3A_1665 = arith.constant 0 : i32
          %dma_start3A_1666 = tpu.memref_slice %arg18[%run_scoped3A_1647, %dma_start3A_1665] : memref<16x1xi32, #tpu.memory_space<vmem>> -> memref<1x1xi32, #tpu.memory_space<vmem>>
          %dma_start3A_1667 = tpu.memref_squeeze %dma_start3A_1666 : memref<1x1xi32, #tpu.memory_space<vmem>> -> memref<1xi32, #tpu.memory_space<vmem>>
          %dma_start3A_1668 = arith.constant 0 : i32
          %dma_start3A_1669 = arith.constant 0 : i32
          %dma_start3A_1670 = tpu.memref_slice %arg20[%dma_start3A_1668, %dma_start3A_1669] : memref<10000x144xf32, #tpu.memory_space<vmem_shared>> -> memref<10000x144xf32, #tpu.memory_space<vmem_shared>>
          tpu.enqueue_indirect_dma source(%dma_start3A_1664 : memref<1x144xf32, #tpu.memory_space<vmem>>) target(%dma_start3A_1670 : memref<10000x144xf32, #tpu.memory_space<vmem_shared>>) offsets(%dma_start3A_1667 : memref<1xi32, #tpu.memory_space<vmem>>) semaphore(%run_scoped3A_1661 : memref<!tpu.dma_semaphore, #tpu.memory_space<semaphore_mem>>) {add = true}
          %dma_wait3A_1671 = arith.constant 2 : i32
          %dma_wait3A_1672 = arith.constant 0 : i32
          %dma_wait3A_1673 = tpu.memref_slice %arg15[%dma_wait3A_1671, %dma_wait3A_1672] : memref<16x144xf32, #tpu.memory_space<vmem>> -> memref<1x144xf32, #tpu.memory_space<vmem>>
          %dma_wait3A_1674 = arith.constant 0 : i32
          %dma_wait3A_1675 = tpu.memref_slice %arg18[%run_scoped3A_1647, %dma_wait3A_1674] : memref<16x1xi32, #tpu.memory_space<vmem>> -> memref<1x1xi32, #tpu.memory_space<vmem>>
          %dma_wait3A_1676 = tpu.memref_squeeze %dma_wait3A_1675 : memref<1x1xi32, #tpu.memory_space<vmem>> -> memref<1xi32, #tpu.memory_space<vmem>>
          %dma_wait3A_1677 = arith.constant 0 : i32
          %dma_wait3A_1678 = arith.constant 0 : i32
          %dma_wait3A_1679 = tpu.memref_slice %arg20[%dma_wait3A_1677, %dma_wait3A_1678] : memref<10000x144xf32, #tpu.memory_space<vmem_shared>> -> memref<10000x144xf32, #tpu.memory_space<vmem_shared>>
          tpu.wait_indirect_dma semaphore(%run_scoped3A_1661 : memref<!tpu.dma_semaphore, #tpu.memory_space<semaphore_mem>>) src(%dma_wait3A_1673 : memref<1x144xf32, #tpu.memory_space<vmem>>) dst(%dma_wait3A_1679 : memref<10000x144xf32, #tpu.memory_space<vmem_shared>>)
          tpu.yield
        }) : () -> ()
        %run_scoped3A_1648 = arith.constant 3 : i32
        "tpu.region"() ({
          %run_scoped3A_1661 = tpu.sem_alloc : memref<!tpu.dma_semaphore, #tpu.memory_space<semaphore_mem>>
          %dma_start3A_1662 = arith.constant 3 : i32
          %dma_start3A_1663 = arith.constant 0 : i32
          %dma_start3A_1664 = tpu.memref_slice %arg15[%dma_start3A_1662, %dma_start3A_1663] : memref<16x144xf32, #tpu.memory_space<vmem>> -> memref<1x144xf32, #tpu.memory_space<vmem>>
          %dma_start3A_1665 = arith.constant 0 : i32
          %dma_start3A_1666 = tpu.memref_slice %arg18[%run_scoped3A_1648, %dma_start3A_1665] : memref<16x1xi32, #tpu.memory_space<vmem>> -> memref<1x1xi32, #tpu.memory_space<vmem>>
          %dma_start3A_1667 = tpu.memref_squeeze %dma_start3A_1666 : memref<1x1xi32, #tpu.memory_space<vmem>> -> memref<1xi32, #tpu.memory_space<vmem>>
          %dma_start3A_1668 = arith.constant 0 : i32
          %dma_start3A_1669 = arith.constant 0 : i32
          %dma_start3A_1670 = tpu.memref_slice %arg20[%dma_start3A_1668, %dma_start3A_1669] : memref<10000x144xf32, #tpu.memory_space<vmem_shared>> -> memref<10000x144xf32, #tpu.memory_space<vmem_shared>>
          tpu.enqueue_indirect_dma source(%dma_start3A_1664 : memref<1x144xf32, #tpu.memory_space<vmem>>) target(%dma_start3A_1670 : memref<10000x144xf32, #tpu.memory_space<vmem_shared>>) offsets(%dma_start3A_1667 : memref<1xi32, #tpu.memory_space<vmem>>) semaphore(%run_scoped3A_1661 : memref<!tpu.dma_semaphore, #tpu.memory_space<semaphore_mem>>) {add = true}
          %dma_wait3A_1671 = arith.constant 3 : i32
          %dma_wait3A_1672 = arith.constant 0 : i32
          %dma_wait3A_1673 = tpu.memref_slice %arg15[%dma_wait3A_1671, %dma_wait3A_1672] : memref<16x144xf32, #tpu.memory_space<vmem>> -> memref<1x144xf32, #tpu.memory_space<vmem>>
          %dma_wait3A_1674 = arith.constant 0 : i32
          %dma_wait3A_1675 = tpu.memref_slice %arg18[%run_scoped3A_1648, %dma_wait3A_1674] : memref<16x1xi32, #tpu.memory_space<vmem>> -> memref<1x1xi32, #tpu.memory_space<vmem>>
          %dma_wait3A_1676 = tpu.memref_squeeze %dma_wait3A_1675 : memref<1x1xi32, #tpu.memory_space<vmem>> -> memref<1xi32, #tpu.memory_space<vmem>>
          %dma_wait3A_1677 = arith.constant 0 : i32
          %dma_wait3A_1678 = arith.constant 0 : i32
          %dma_wait3A_1679 = tpu.memref_slice %arg20[%dma_wait3A_1677, %dma_wait3A_1678] : memref<10000x144xf32, #tpu.memory_space<vmem_shared>> -> memref<10000x144xf32, #tpu.memory_space<vmem_shared>>
          tpu.wait_indirect_dma semaphore(%run_scoped3A_1661 : memref<!tpu.dma_semaphore, #tpu.memory_space<semaphore_mem>>) src(%dma_wait3A_1673 : memref<1x144xf32, #tpu.memory_space<vmem>>) dst(%dma_wait3A_1679 : memref<10000x144xf32, #tpu.memory_space<vmem_shared>>)
          tpu.yield
        }) : () -> ()
        %run_scoped3A_1649 = arith.constant 4 : i32
        "tpu.region"() ({
          %run_scoped3A_1661 = tpu.sem_alloc : memref<!tpu.dma_semaphore, #tpu.memory_space<semaphore_mem>>
          %dma_start3A_1662 = arith.constant 4 : i32
          %dma_start3A_1663 = arith.constant 0 : i32
          %dma_start3A_1664 = tpu.memref_slice %arg15[%dma_start3A_1662, %dma_start3A_1663] : memref<16x144xf32, #tpu.memory_space<vmem>> -> memref<1x144xf32, #tpu.memory_space<vmem>>
          %dma_start3A_1665 = arith.constant 0 : i32
          %dma_start3A_1666 = tpu.memref_slice %arg18[%run_scoped3A_1649, %dma_start3A_1665] : memref<16x1xi32, #tpu.memory_space<vmem>> -> memref<1x1xi32, #tpu.memory_space<vmem>>
          %dma_start3A_1667 = tpu.memref_squeeze %dma_start3A_1666 : memref<1x1xi32, #tpu.memory_space<vmem>> -> memref<1xi32, #tpu.memory_space<vmem>>
          %dma_start3A_1668 = arith.constant 0 : i32
          %dma_start3A_1669 = arith.constant 0 : i32
          %dma_start3A_1670 = tpu.memref_slice %arg20[%dma_start3A_1668, %dma_start3A_1669] : memref<10000x144xf32, #tpu.memory_space<vmem_shared>> -> memref<10000x144xf32, #tpu.memory_space<vmem_shared>>
          tpu.enqueue_indirect_dma source(%dma_start3A_1664 : memref<1x144xf32, #tpu.memory_space<vmem>>) target(%dma_start3A_1670 : memref<10000x144xf32, #tpu.memory_space<vmem_shared>>) offsets(%dma_start3A_1667 : memref<1xi32, #tpu.memory_space<vmem>>) semaphore(%run_scoped3A_1661 : memref<!tpu.dma_semaphore, #tpu.memory_space<semaphore_mem>>) {add = true}
          %dma_wait3A_1671 = arith.constant 4 : i32
          %dma_wait3A_1672 = arith.constant 0 : i32
          %dma_wait3A_1673 = tpu.memref_slice %arg15[%dma_wait3A_1671, %dma_wait3A_1672] : memref<16x144xf32, #tpu.memory_space<vmem>> -> memref<1x144xf32, #tpu.memory_space<vmem>>
          %dma_wait3A_1674 = arith.constant 0 : i32
          %dma_wait3A_1675 = tpu.memref_slice %arg18[%run_scoped3A_1649, %dma_wait3A_1674] : memref<16x1xi32, #tpu.memory_space<vmem>> -> memref<1x1xi32, #tpu.memory_space<vmem>>
          %dma_wait3A_1676 = tpu.memref_squeeze %dma_wait3A_1675 : memref<1x1xi32, #tpu.memory_space<vmem>> -> memref<1xi32, #tpu.memory_space<vmem>>
          %dma_wait3A_1677 = arith.constant 0 : i32
          %dma_wait3A_1678 = arith.constant 0 : i32
          %dma_wait3A_1679 = tpu.memref_slice %arg20[%dma_wait3A_1677, %dma_wait3A_1678] : memref<10000x144xf32, #tpu.memory_space<vmem_shared>> -> memref<10000x144xf32, #tpu.memory_space<vmem_shared>>
          tpu.wait_indirect_dma semaphore(%run_scoped3A_1661 : memref<!tpu.dma_semaphore, #tpu.memory_space<semaphore_mem>>) src(%dma_wait3A_1673 : memref<1x144xf32, #tpu.memory_space<vmem>>) dst(%dma_wait3A_1679 : memref<10000x144xf32, #tpu.memory_space<vmem_shared>>)
          tpu.yield
        }) : () -> ()
        %run_scoped3A_1650 = arith.constant 5 : i32
        "tpu.region"() ({
          %run_scoped3A_1661 = tpu.sem_alloc : memref<!tpu.dma_semaphore, #tpu.memory_space<semaphore_mem>>
          %dma_start3A_1662 = arith.constant 5 : i32
          %dma_start3A_1663 = arith.constant 0 : i32
          %dma_start3A_1664 = tpu.memref_slice %arg15[%dma_start3A_1662, %dma_start3A_1663] : memref<16x144xf32, #tpu.memory_space<vmem>> -> memref<1x144xf32, #tpu.memory_space<vmem>>
          %dma_start3A_1665 = arith.constant 0 : i32
          %dma_start3A_1666 = tpu.memref_slice %arg18[%run_scoped3A_1650, %dma_start3A_1665] : memref<16x1xi32, #tpu.memory_space<vmem>> -> memref<1x1xi32, #tpu.memory_space<vmem>>
          %dma_start3A_1667 = tpu.memref_squeeze %dma_start3A_1666 : memref<1x1xi32, #tpu.memory_space<vmem>> -> memref<1xi32, #tpu.memory_space<vmem>>
          %dma_start3A_1668 = arith.constant 0 : i32
          %dma_start3A_1669 = arith.constant 0 : i32
          %dma_start3A_1670 = tpu.memref_slice %arg20[%dma_start3A_1668, %dma_start3A_1669] : memref<10000x144xf32, #tpu.memory_space<vmem_shared>> -> memref<10000x144xf32, #tpu.memory_space<vmem_shared>>
          tpu.enqueue_indirect_dma source(%dma_start3A_1664 : memref<1x144xf32, #tpu.memory_space<vmem>>) target(%dma_start3A_1670 : memref<10000x144xf32, #tpu.memory_space<vmem_shared>>) offsets(%dma_start3A_1667 : memref<1xi32, #tpu.memory_space<vmem>>) semaphore(%run_scoped3A_1661 : memref<!tpu.dma_semaphore, #tpu.memory_space<semaphore_mem>>) {add = true}
          %dma_wait3A_1671 = arith.constant 5 : i32
          %dma_wait3A_1672 = arith.constant 0 : i32
          %dma_wait3A_1673 = tpu.memref_slice %arg15[%dma_wait3A_1671, %dma_wait3A_1672] : memref<16x144xf32, #tpu.memory_space<vmem>> -> memref<1x144xf32, #tpu.memory_space<vmem>>
          %dma_wait3A_1674 = arith.constant 0 : i32
          %dma_wait3A_1675 = tpu.memref_slice %arg18[%run_scoped3A_1650, %dma_wait3A_1674] : memref<16x1xi32, #tpu.memory_space<vmem>> -> memref<1x1xi32, #tpu.memory_space<vmem>>
          %dma_wait3A_1676 = tpu.memref_squeeze %dma_wait3A_1675 : memref<1x1xi32, #tpu.memory_space<vmem>> -> memref<1xi32, #tpu.memory_space<vmem>>
          %dma_wait3A_1677 = arith.constant 0 : i32
          %dma_wait3A_1678 = arith.constant 0 : i32
          %dma_wait3A_1679 = tpu.memref_slice %arg20[%dma_wait3A_1677, %dma_wait3A_1678] : memref<10000x144xf32, #tpu.memory_space<vmem_shared>> -> memref<10000x144xf32, #tpu.memory_space<vmem_shared>>
          tpu.wait_indirect_dma semaphore(%run_scoped3A_1661 : memref<!tpu.dma_semaphore, #tpu.memory_space<semaphore_mem>>) src(%dma_wait3A_1673 : memref<1x144xf32, #tpu.memory_space<vmem>>) dst(%dma_wait3A_1679 : memref<10000x144xf32, #tpu.memory_space<vmem_shared>>)
          tpu.yield
        }) : () -> ()
        %run_scoped3A_1651 = arith.constant 6 : i32
        "tpu.region"() ({
          %run_scoped3A_1661 = tpu.sem_alloc : memref<!tpu.dma_semaphore, #tpu.memory_space<semaphore_mem>>
          %dma_start3A_1662 = arith.constant 6 : i32
          %dma_start3A_1663 = arith.constant 0 : i32
          %dma_start3A_1664 = tpu.memref_slice %arg15[%dma_start3A_1662, %dma_start3A_1663] : memref<16x144xf32, #tpu.memory_space<vmem>> -> memref<1x144xf32, #tpu.memory_space<vmem>>
          %dma_start3A_1665 = arith.constant 0 : i32
          %dma_start3A_1666 = tpu.memref_slice %arg18[%run_scoped3A_1651, %dma_start3A_1665] : memref<16x1xi32, #tpu.memory_space<vmem>> -> memref<1x1xi32, #tpu.memory_space<vmem>>
          %dma_start3A_1667 = tpu.memref_squeeze %dma_start3A_1666 : memref<1x1xi32, #tpu.memory_space<vmem>> -> memref<1xi32, #tpu.memory_space<vmem>>
          %dma_start3A_1668 = arith.constant 0 : i32
          %dma_start3A_1669 = arith.constant 0 : i32
          %dma_start3A_1670 = tpu.memref_slice %arg20[%dma_start3A_1668, %dma_start3A_1669] : memref<10000x144xf32, #tpu.memory_space<vmem_shared>> -> memref<10000x144xf32, #tpu.memory_space<vmem_shared>>
          tpu.enqueue_indirect_dma source(%dma_start3A_1664 : memref<1x144xf32, #tpu.memory_space<vmem>>) target(%dma_start3A_1670 : memref<10000x144xf32, #tpu.memory_space<vmem_shared>>) offsets(%dma_start3A_1667 : memref<1xi32, #tpu.memory_space<vmem>>) semaphore(%run_scoped3A_1661 : memref<!tpu.dma_semaphore, #tpu.memory_space<semaphore_mem>>) {add = true}
          %dma_wait3A_1671 = arith.constant 6 : i32
          %dma_wait3A_1672 = arith.constant 0 : i32
          %dma_wait3A_1673 = tpu.memref_slice %arg15[%dma_wait3A_1671, %dma_wait3A_1672] : memref<16x144xf32, #tpu.memory_space<vmem>> -> memref<1x144xf32, #tpu.memory_space<vmem>>
          %dma_wait3A_1674 = arith.constant 0 : i32
          %dma_wait3A_1675 = tpu.memref_slice %arg18[%run_scoped3A_1651, %dma_wait3A_1674] : memref<16x1xi32, #tpu.memory_space<vmem>> -> memref<1x1xi32, #tpu.memory_space<vmem>>
          %dma_wait3A_1676 = tpu.memref_squeeze %dma_wait3A_1675 : memref<1x1xi32, #tpu.memory_space<vmem>> -> memref<1xi32, #tpu.memory_space<vmem>>
          %dma_wait3A_1677 = arith.constant 0 : i32
          %dma_wait3A_1678 = arith.constant 0 : i32
          %dma_wait3A_1679 = tpu.memref_slice %arg20[%dma_wait3A_1677, %dma_wait3A_1678] : memref<10000x144xf32, #tpu.memory_space<vmem_shared>> -> memref<10000x144xf32, #tpu.memory_space<vmem_shared>>
          tpu.wait_indirect_dma semaphore(%run_scoped3A_1661 : memref<!tpu.dma_semaphore, #tpu.memory_space<semaphore_mem>>) src(%dma_wait3A_1673 : memref<1x144xf32, #tpu.memory_space<vmem>>) dst(%dma_wait3A_1679 : memref<10000x144xf32, #tpu.memory_space<vmem_shared>>)
          tpu.yield
        }) : () -> ()
        %run_scoped3A_1652 = arith.constant 7 : i32
        "tpu.region"() ({
          %run_scoped3A_1661 = tpu.sem_alloc : memref<!tpu.dma_semaphore, #tpu.memory_space<semaphore_mem>>
          %dma_start3A_1662 = arith.constant 7 : i32
          %dma_start3A_1663 = arith.constant 0 : i32
          %dma_start3A_1664 = tpu.memref_slice %arg15[%dma_start3A_1662, %dma_start3A_1663] : memref<16x144xf32, #tpu.memory_space<vmem>> -> memref<1x144xf32, #tpu.memory_space<vmem>>
          %dma_start3A_1665 = arith.constant 0 : i32
          %dma_start3A_1666 = tpu.memref_slice %arg18[%run_scoped3A_1652, %dma_start3A_1665] : memref<16x1xi32, #tpu.memory_space<vmem>> -> memref<1x1xi32, #tpu.memory_space<vmem>>
          %dma_start3A_1667 = tpu.memref_squeeze %dma_start3A_1666 : memref<1x1xi32, #tpu.memory_space<vmem>> -> memref<1xi32, #tpu.memory_space<vmem>>
          %dma_start3A_1668 = arith.constant 0 : i32
          %dma_start3A_1669 = arith.constant 0 : i32
          %dma_start3A_1670 = tpu.memref_slice %arg20[%dma_start3A_1668, %dma_start3A_1669] : memref<10000x144xf32, #tpu.memory_space<vmem_shared>> -> memref<10000x144xf32, #tpu.memory_space<vmem_shared>>
          tpu.enqueue_indirect_dma source(%dma_start3A_1664 : memref<1x144xf32, #tpu.memory_space<vmem>>) target(%dma_start3A_1670 : memref<10000x144xf32, #tpu.memory_space<vmem_shared>>) offsets(%dma_start3A_1667 : memref<1xi32, #tpu.memory_space<vmem>>) semaphore(%run_scoped3A_1661 : memref<!tpu.dma_semaphore, #tpu.memory_space<semaphore_mem>>) {add = true}
          %dma_wait3A_1671 = arith.constant 7 : i32
          %dma_wait3A_1672 = arith.constant 0 : i32
          %dma_wait3A_1673 = tpu.memref_slice %arg15[%dma_wait3A_1671, %dma_wait3A_1672] : memref<16x144xf32, #tpu.memory_space<vmem>> -> memref<1x144xf32, #tpu.memory_space<vmem>>
          %dma_wait3A_1674 = arith.constant 0 : i32
          %dma_wait3A_1675 = tpu.memref_slice %arg18[%run_scoped3A_1652, %dma_wait3A_1674] : memref<16x1xi32, #tpu.memory_space<vmem>> -> memref<1x1xi32, #tpu.memory_space<vmem>>
          %dma_wait3A_1676 = tpu.memref_squeeze %dma_wait3A_1675 : memref<1x1xi32, #tpu.memory_space<vmem>> -> memref<1xi32, #tpu.memory_space<vmem>>
          %dma_wait3A_1677 = arith.constant 0 : i32
          %dma_wait3A_1678 = arith.constant 0 : i32
          %dma_wait3A_1679 = tpu.memref_slice %arg20[%dma_wait3A_1677, %dma_wait3A_1678] : memref<10000x144xf32, #tpu.memory_space<vmem_shared>> -> memref<10000x144xf32, #tpu.memory_space<vmem_shared>>
          tpu.wait_indirect_dma semaphore(%run_scoped3A_1661 : memref<!tpu.dma_semaphore, #tpu.memory_space<semaphore_mem>>) src(%dma_wait3A_1673 : memref<1x144xf32, #tpu.memory_space<vmem>>) dst(%dma_wait3A_1679 : memref<10000x144xf32, #tpu.memory_space<vmem_shared>>)
          tpu.yield
        }) : () -> ()
        %run_scoped3A_1653 = arith.constant 8 : i32
        "tpu.region"() ({
          %run_scoped3A_1661 = tpu.sem_alloc : memref<!tpu.dma_semaphore, #tpu.memory_space<semaphore_mem>>
          %dma_start3A_1662 = arith.constant 8 : i32
          %dma_start3A_1663 = arith.constant 0 : i32
          %dma_start3A_1664 = tpu.memref_slice %arg15[%dma_start3A_1662, %dma_start3A_1663] : memref<16x144xf32, #tpu.memory_space<vmem>> -> memref<1x144xf32, #tpu.memory_space<vmem>>
          %dma_start3A_1665 = arith.constant 0 : i32
          %dma_start3A_1666 = tpu.memref_slice %arg18[%run_scoped3A_1653, %dma_start3A_1665] : memref<16x1xi32, #tpu.memory_space<vmem>> -> memref<1x1xi32, #tpu.memory_space<vmem>>
          %dma_start3A_1667 = tpu.memref_squeeze %dma_start3A_1666 : memref<1x1xi32, #tpu.memory_space<vmem>> -> memref<1xi32, #tpu.memory_space<vmem>>
          %dma_start3A_1668 = arith.constant 0 : i32
          %dma_start3A_1669 = arith.constant 0 : i32
          %dma_start3A_1670 = tpu.memref_slice %arg20[%dma_start3A_1668, %dma_start3A_1669] : memref<10000x144xf32, #tpu.memory_space<vmem_shared>> -> memref<10000x144xf32, #tpu.memory_space<vmem_shared>>
          tpu.enqueue_indirect_dma source(%dma_start3A_1664 : memref<1x144xf32, #tpu.memory_space<vmem>>) target(%dma_start3A_1670 : memref<10000x144xf32, #tpu.memory_space<vmem_shared>>) offsets(%dma_start3A_1667 : memref<1xi32, #tpu.memory_space<vmem>>) semaphore(%run_scoped3A_1661 : memref<!tpu.dma_semaphore, #tpu.memory_space<semaphore_mem>>) {add = true}
          %dma_wait3A_1671 = arith.constant 8 : i32
          %dma_wait3A_1672 = arith.constant 0 : i32
          %dma_wait3A_1673 = tpu.memref_slice %arg15[%dma_wait3A_1671, %dma_wait3A_1672] : memref<16x144xf32, #tpu.memory_space<vmem>> -> memref<1x144xf32, #tpu.memory_space<vmem>>
          %dma_wait3A_1674 = arith.constant 0 : i32
          %dma_wait3A_1675 = tpu.memref_slice %arg18[%run_scoped3A_1653, %dma_wait3A_1674] : memref<16x1xi32, #tpu.memory_space<vmem>> -> memref<1x1xi32, #tpu.memory_space<vmem>>
          %dma_wait3A_1676 = tpu.memref_squeeze %dma_wait3A_1675 : memref<1x1xi32, #tpu.memory_space<vmem>> -> memref<1xi32, #tpu.memory_space<vmem>>
          %dma_wait3A_1677 = arith.constant 0 : i32
          %dma_wait3A_1678 = arith.constant 0 : i32
          %dma_wait3A_1679 = tpu.memref_slice %arg20[%dma_wait3A_1677, %dma_wait3A_1678] : memref<10000x144xf32, #tpu.memory_space<vmem_shared>> -> memref<10000x144xf32, #tpu.memory_space<vmem_shared>>
          tpu.wait_indirect_dma semaphore(%run_scoped3A_1661 : memref<!tpu.dma_semaphore, #tpu.memory_space<semaphore_mem>>) src(%dma_wait3A_1673 : memref<1x144xf32, #tpu.memory_space<vmem>>) dst(%dma_wait3A_1679 : memref<10000x144xf32, #tpu.memory_space<vmem_shared>>)
          tpu.yield
        }) : () -> ()
        %run_scoped3A_1654 = arith.constant 9 : i32
        "tpu.region"() ({
          %run_scoped3A_1661 = tpu.sem_alloc : memref<!tpu.dma_semaphore, #tpu.memory_space<semaphore_mem>>
          %dma_start3A_1662 = arith.constant 9 : i32
          %dma_start3A_1663 = arith.constant 0 : i32
          %dma_start3A_1664 = tpu.memref_slice %arg15[%dma_start3A_1662, %dma_start3A_1663] : memref<16x144xf32, #tpu.memory_space<vmem>> -> memref<1x144xf32, #tpu.memory_space<vmem>>
          %dma_start3A_1665 = arith.constant 0 : i32
          %dma_start3A_1666 = tpu.memref_slice %arg18[%run_scoped3A_1654, %dma_start3A_1665] : memref<16x1xi32, #tpu.memory_space<vmem>> -> memref<1x1xi32, #tpu.memory_space<vmem>>
          %dma_start3A_1667 = tpu.memref_squeeze %dma_start3A_1666 : memref<1x1xi32, #tpu.memory_space<vmem>> -> memref<1xi32, #tpu.memory_space<vmem>>
          %dma_start3A_1668 = arith.constant 0 : i32
          %dma_start3A_1669 = arith.constant 0 : i32
          %dma_start3A_1670 = tpu.memref_slice %arg20[%dma_start3A_1668, %dma_start3A_1669] : memref<10000x144xf32, #tpu.memory_space<vmem_shared>> -> memref<10000x144xf32, #tpu.memory_space<vmem_shared>>
          tpu.enqueue_indirect_dma source(%dma_start3A_1664 : memref<1x144xf32, #tpu.memory_space<vmem>>) target(%dma_start3A_1670 : memref<10000x144xf32, #tpu.memory_space<vmem_shared>>) offsets(%dma_start3A_1667 : memref<1xi32, #tpu.memory_space<vmem>>) semaphore(%run_scoped3A_1661 : memref<!tpu.dma_semaphore, #tpu.memory_space<semaphore_mem>>) {add = true}
          %dma_wait3A_1671 = arith.constant 9 : i32
          %dma_wait3A_1672 = arith.constant 0 : i32
          %dma_wait3A_1673 = tpu.memref_slice %arg15[%dma_wait3A_1671, %dma_wait3A_1672] : memref<16x144xf32, #tpu.memory_space<vmem>> -> memref<1x144xf32, #tpu.memory_space<vmem>>
          %dma_wait3A_1674 = arith.constant 0 : i32
          %dma_wait3A_1675 = tpu.memref_slice %arg18[%run_scoped3A_1654, %dma_wait3A_1674] : memref<16x1xi32, #tpu.memory_space<vmem>> -> memref<1x1xi32, #tpu.memory_space<vmem>>
          %dma_wait3A_1676 = tpu.memref_squeeze %dma_wait3A_1675 : memref<1x1xi32, #tpu.memory_space<vmem>> -> memref<1xi32, #tpu.memory_space<vmem>>
          %dma_wait3A_1677 = arith.constant 0 : i32
          %dma_wait3A_1678 = arith.constant 0 : i32
          %dma_wait3A_1679 = tpu.memref_slice %arg20[%dma_wait3A_1677, %dma_wait3A_1678] : memref<10000x144xf32, #tpu.memory_space<vmem_shared>> -> memref<10000x144xf32, #tpu.memory_space<vmem_shared>>
          tpu.wait_indirect_dma semaphore(%run_scoped3A_1661 : memref<!tpu.dma_semaphore, #tpu.memory_space<semaphore_mem>>) src(%dma_wait3A_1673 : memref<1x144xf32, #tpu.memory_space<vmem>>) dst(%dma_wait3A_1679 : memref<10000x144xf32, #tpu.memory_space<vmem_shared>>)
          tpu.yield
        }) : () -> ()
        %run_scoped3A_1655 = arith.constant 10 : i32
        "tpu.region"() ({
          %run_scoped3A_1661 = tpu.sem_alloc : memref<!tpu.dma_semaphore, #tpu.memory_space<semaphore_mem>>
          %dma_start3A_1662 = arith.constant 10 : i32
          %dma_start3A_1663 = arith.constant 0 : i32
          %dma_start3A_1664 = tpu.memref_slice %arg15[%dma_start3A_1662, %dma_start3A_1663] : memref<16x144xf32, #tpu.memory_space<vmem>> -> memref<1x144xf32, #tpu.memory_space<vmem>>
          %dma_start3A_1665 = arith.constant 0 : i32
          %dma_start3A_1666 = tpu.memref_slice %arg18[%run_scoped3A_1655, %dma_start3A_1665] : memref<16x1xi32, #tpu.memory_space<vmem>> -> memref<1x1xi32, #tpu.memory_space<vmem>>
          %dma_start3A_1667 = tpu.memref_squeeze %dma_start3A_1666 : memref<1x1xi32, #tpu.memory_space<vmem>> -> memref<1xi32, #tpu.memory_space<vmem>>
          %dma_start3A_1668 = arith.constant 0 : i32
          %dma_start3A_1669 = arith.constant 0 : i32
          %dma_start3A_1670 = tpu.memref_slice %arg20[%dma_start3A_1668, %dma_start3A_1669] : memref<10000x144xf32, #tpu.memory_space<vmem_shared>> -> memref<10000x144xf32, #tpu.memory_space<vmem_shared>>
          tpu.enqueue_indirect_dma source(%dma_start3A_1664 : memref<1x144xf32, #tpu.memory_space<vmem>>) target(%dma_start3A_1670 : memref<10000x144xf32, #tpu.memory_space<vmem_shared>>) offsets(%dma_start3A_1667 : memref<1xi32, #tpu.memory_space<vmem>>) semaphore(%run_scoped3A_1661 : memref<!tpu.dma_semaphore, #tpu.memory_space<semaphore_mem>>) {add = true}
          %dma_wait3A_1671 = arith.constant 10 : i32
          %dma_wait3A_1672 = arith.constant 0 : i32
          %dma_wait3A_1673 = tpu.memref_slice %arg15[%dma_wait3A_1671, %dma_wait3A_1672] : memref<16x144xf32, #tpu.memory_space<vmem>> -> memref<1x144xf32, #tpu.memory_space<vmem>>
          %dma_wait3A_1674 = arith.constant 0 : i32
          %dma_wait3A_1675 = tpu.memref_slice %arg18[%run_scoped3A_1655, %dma_wait3A_1674] : memref<16x1xi32, #tpu.memory_space<vmem>> -> memref<1x1xi32, #tpu.memory_space<vmem>>
          %dma_wait3A_1676 = tpu.memref_squeeze %dma_wait3A_1675 : memref<1x1xi32, #tpu.memory_space<vmem>> -> memref<1xi32, #tpu.memory_space<vmem>>
          %dma_wait3A_1677 = arith.constant 0 : i32
          %dma_wait3A_1678 = arith.constant 0 : i32
          %dma_wait3A_1679 = tpu.memref_slice %arg20[%dma_wait3A_1677, %dma_wait3A_1678] : memref<10000x144xf32, #tpu.memory_space<vmem_shared>> -> memref<10000x144xf32, #tpu.memory_space<vmem_shared>>
          tpu.wait_indirect_dma semaphore(%run_scoped3A_1661 : memref<!tpu.dma_semaphore, #tpu.memory_space<semaphore_mem>>) src(%dma_wait3A_1673 : memref<1x144xf32, #tpu.memory_space<vmem>>) dst(%dma_wait3A_1679 : memref<10000x144xf32, #tpu.memory_space<vmem_shared>>)
          tpu.yield
        }) : () -> ()
        %run_scoped3A_1656 = arith.constant 11 : i32
        "tpu.region"() ({
          %run_scoped3A_1661 = tpu.sem_alloc : memref<!tpu.dma_semaphore, #tpu.memory_space<semaphore_mem>>
          %dma_start3A_1662 = arith.constant 11 : i32
          %dma_start3A_1663 = arith.constant 0 : i32
          %dma_start3A_1664 = tpu.memref_slice %arg15[%dma_start3A_1662, %dma_start3A_1663] : memref<16x144xf32, #tpu.memory_space<vmem>> -> memref<1x144xf32, #tpu.memory_space<vmem>>
          %dma_start3A_1665 = arith.constant 0 : i32
          %dma_start3A_1666 = tpu.memref_slice %arg18[%run_scoped3A_1656, %dma_start3A_1665] : memref<16x1xi32, #tpu.memory_space<vmem>> -> memref<1x1xi32, #tpu.memory_space<vmem>>
          %dma_start3A_1667 = tpu.memref_squeeze %dma_start3A_1666 : memref<1x1xi32, #tpu.memory_space<vmem>> -> memref<1xi32, #tpu.memory_space<vmem>>
          %dma_start3A_1668 = arith.constant 0 : i32
          %dma_start3A_1669 = arith.constant 0 : i32
          %dma_start3A_1670 = tpu.memref_slice %arg20[%dma_start3A_1668, %dma_start3A_1669] : memref<10000x144xf32, #tpu.memory_space<vmem_shared>> -> memref<10000x144xf32, #tpu.memory_space<vmem_shared>>
          tpu.enqueue_indirect_dma source(%dma_start3A_1664 : memref<1x144xf32, #tpu.memory_space<vmem>>) target(%dma_start3A_1670 : memref<10000x144xf32, #tpu.memory_space<vmem_shared>>) offsets(%dma_start3A_1667 : memref<1xi32, #tpu.memory_space<vmem>>) semaphore(%run_scoped3A_1661 : memref<!tpu.dma_semaphore, #tpu.memory_space<semaphore_mem>>) {add = true}
          %dma_wait3A_1671 = arith.constant 11 : i32
          %dma_wait3A_1672 = arith.constant 0 : i32
          %dma_wait3A_1673 = tpu.memref_slice %arg15[%dma_wait3A_1671, %dma_wait3A_1672] : memref<16x144xf32, #tpu.memory_space<vmem>> -> memref<1x144xf32, #tpu.memory_space<vmem>>
          %dma_wait3A_1674 = arith.constant 0 : i32
          %dma_wait3A_1675 = tpu.memref_slice %arg18[%run_scoped3A_1656, %dma_wait3A_1674] : memref<16x1xi32, #tpu.memory_space<vmem>> -> memref<1x1xi32, #tpu.memory_space<vmem>>
          %dma_wait3A_1676 = tpu.memref_squeeze %dma_wait3A_1675 : memref<1x1xi32, #tpu.memory_space<vmem>> -> memref<1xi32, #tpu.memory_space<vmem>>
          %dma_wait3A_1677 = arith.constant 0 : i32
          %dma_wait3A_1678 = arith.constant 0 : i32
          %dma_wait3A_1679 = tpu.memref_slice %arg20[%dma_wait3A_1677, %dma_wait3A_1678] : memref<10000x144xf32, #tpu.memory_space<vmem_shared>> -> memref<10000x144xf32, #tpu.memory_space<vmem_shared>>
          tpu.wait_indirect_dma semaphore(%run_scoped3A_1661 : memref<!tpu.dma_semaphore, #tpu.memory_space<semaphore_mem>>) src(%dma_wait3A_1673 : memref<1x144xf32, #tpu.memory_space<vmem>>) dst(%dma_wait3A_1679 : memref<10000x144xf32, #tpu.memory_space<vmem_shared>>)
          tpu.yield
        }) : () -> ()
        %run_scoped3A_1657 = arith.constant 12 : i32
        "tpu.region"() ({
          %run_scoped3A_1661 = tpu.sem_alloc : memref<!tpu.dma_semaphore, #tpu.memory_space<semaphore_mem>>
          %dma_start3A_1662 = arith.constant 12 : i32
          %dma_start3A_1663 = arith.constant 0 : i32
          %dma_start3A_1664 = tpu.memref_slice %arg15[%dma_start3A_1662, %dma_start3A_1663] : memref<16x144xf32, #tpu.memory_space<vmem>> -> memref<1x144xf32, #tpu.memory_space<vmem>>
          %dma_start3A_1665 = arith.constant 0 : i32
          %dma_start3A_1666 = tpu.memref_slice %arg18[%run_scoped3A_1657, %dma_start3A_1665] : memref<16x1xi32, #tpu.memory_space<vmem>> -> memref<1x1xi32, #tpu.memory_space<vmem>>
          %dma_start3A_1667 = tpu.memref_squeeze %dma_start3A_1666 : memref<1x1xi32, #tpu.memory_space<vmem>> -> memref<1xi32, #tpu.memory_space<vmem>>
          %dma_start3A_1668 = arith.constant 0 : i32
          %dma_start3A_1669 = arith.constant 0 : i32
          %dma_start3A_1670 = tpu.memref_slice %arg20[%dma_start3A_1668, %dma_start3A_1669] : memref<10000x144xf32, #tpu.memory_space<vmem_shared>> -> memref<10000x144xf32, #tpu.memory_space<vmem_shared>>
          tpu.enqueue_indirect_dma source(%dma_start3A_1664 : memref<1x144xf32, #tpu.memory_space<vmem>>) target(%dma_start3A_1670 : memref<10000x144xf32, #tpu.memory_space<vmem_shared>>) offsets(%dma_start3A_1667 : memref<1xi32, #tpu.memory_space<vmem>>) semaphore(%run_scoped3A_1661 : memref<!tpu.dma_semaphore, #tpu.memory_space<semaphore_mem>>) {add = true}
          %dma_wait3A_1671 = arith.constant 12 : i32
          %dma_wait3A_1672 = arith.constant 0 : i32
          %dma_wait3A_1673 = tpu.memref_slice %arg15[%dma_wait3A_1671, %dma_wait3A_1672] : memref<16x144xf32, #tpu.memory_space<vmem>> -> memref<1x144xf32, #tpu.memory_space<vmem>>
          %dma_wait3A_1674 = arith.constant 0 : i32
          %dma_wait3A_1675 = tpu.memref_slice %arg18[%run_scoped3A_1657, %dma_wait3A_1674] : memref<16x1xi32, #tpu.memory_space<vmem>> -> memref<1x1xi32, #tpu.memory_space<vmem>>
          %dma_wait3A_1676 = tpu.memref_squeeze %dma_wait3A_1675 : memref<1x1xi32, #tpu.memory_space<vmem>> -> memref<1xi32, #tpu.memory_space<vmem>>
          %dma_wait3A_1677 = arith.constant 0 : i32
          %dma_wait3A_1678 = arith.constant 0 : i32
          %dma_wait3A_1679 = tpu.memref_slice %arg20[%dma_wait3A_1677, %dma_wait3A_1678] : memref<10000x144xf32, #tpu.memory_space<vmem_shared>> -> memref<10000x144xf32, #tpu.memory_space<vmem_shared>>
          tpu.wait_indirect_dma semaphore(%run_scoped3A_1661 : memref<!tpu.dma_semaphore, #tpu.memory_space<semaphore_mem>>) src(%dma_wait3A_1673 : memref<1x144xf32, #tpu.memory_space<vmem>>) dst(%dma_wait3A_1679 : memref<10000x144xf32, #tpu.memory_space<vmem_shared>>)
          tpu.yield
        }) : () -> ()
        %run_scoped3A_1658 = arith.constant 13 : i32
        "tpu.region"() ({
          %run_scoped3A_1661 = tpu.sem_alloc : memref<!tpu.dma_semaphore, #tpu.memory_space<semaphore_mem>>
          %dma_start3A_1662 = arith.constant 13 : i32
          %dma_start3A_1663 = arith.constant 0 : i32
          %dma_start3A_1664 = tpu.memref_slice %arg15[%dma_start3A_1662, %dma_start3A_1663] : memref<16x144xf32, #tpu.memory_space<vmem>> -> memref<1x144xf32, #tpu.memory_space<vmem>>
          %dma_start3A_1665 = arith.constant 0 : i32
          %dma_start3A_1666 = tpu.memref_slice %arg18[%run_scoped3A_1658, %dma_start3A_1665] : memref<16x1xi32, #tpu.memory_space<vmem>> -> memref<1x1xi32, #tpu.memory_space<vmem>>
          %dma_start3A_1667 = tpu.memref_squeeze %dma_start3A_1666 : memref<1x1xi32, #tpu.memory_space<vmem>> -> memref<1xi32, #tpu.memory_space<vmem>>
          %dma_start3A_1668 = arith.constant 0 : i32
          %dma_start3A_1669 = arith.constant 0 : i32
          %dma_start3A_1670 = tpu.memref_slice %arg20[%dma_start3A_1668, %dma_start3A_1669] : memref<10000x144xf32, #tpu.memory_space<vmem_shared>> -> memref<10000x144xf32, #tpu.memory_space<vmem_shared>>
          tpu.enqueue_indirect_dma source(%dma_start3A_1664 : memref<1x144xf32, #tpu.memory_space<vmem>>) target(%dma_start3A_1670 : memref<10000x144xf32, #tpu.memory_space<vmem_shared>>) offsets(%dma_start3A_1667 : memref<1xi32, #tpu.memory_space<vmem>>) semaphore(%run_scoped3A_1661 : memref<!tpu.dma_semaphore, #tpu.memory_space<semaphore_mem>>) {add = true}
          %dma_wait3A_1671 = arith.constant 13 : i32
          %dma_wait3A_1672 = arith.constant 0 : i32
          %dma_wait3A_1673 = tpu.memref_slice %arg15[%dma_wait3A_1671, %dma_wait3A_1672] : memref<16x144xf32, #tpu.memory_space<vmem>> -> memref<1x144xf32, #tpu.memory_space<vmem>>
          %dma_wait3A_1674 = arith.constant 0 : i32
          %dma_wait3A_1675 = tpu.memref_slice %arg18[%run_scoped3A_1658, %dma_wait3A_1674] : memref<16x1xi32, #tpu.memory_space<vmem>> -> memref<1x1xi32, #tpu.memory_space<vmem>>
          %dma_wait3A_1676 = tpu.memref_squeeze %dma_wait3A_1675 : memref<1x1xi32, #tpu.memory_space<vmem>> -> memref<1xi32, #tpu.memory_space<vmem>>
          %dma_wait3A_1677 = arith.constant 0 : i32
          %dma_wait3A_1678 = arith.constant 0 : i32
          %dma_wait3A_1679 = tpu.memref_slice %arg20[%dma_wait3A_1677, %dma_wait3A_1678] : memref<10000x144xf32, #tpu.memory_space<vmem_shared>> -> memref<10000x144xf32, #tpu.memory_space<vmem_shared>>
          tpu.wait_indirect_dma semaphore(%run_scoped3A_1661 : memref<!tpu.dma_semaphore, #tpu.memory_space<semaphore_mem>>) src(%dma_wait3A_1673 : memref<1x144xf32, #tpu.memory_space<vmem>>) dst(%dma_wait3A_1679 : memref<10000x144xf32, #tpu.memory_space<vmem_shared>>)
          tpu.yield
        }) : () -> ()
        %run_scoped3A_1659 = arith.constant 14 : i32
        "tpu.region"() ({
          %run_scoped3A_1661 = tpu.sem_alloc : memref<!tpu.dma_semaphore, #tpu.memory_space<semaphore_mem>>
          %dma_start3A_1662 = arith.constant 14 : i32
          %dma_start3A_1663 = arith.constant 0 : i32
          %dma_start3A_1664 = tpu.memref_slice %arg15[%dma_start3A_1662, %dma_start3A_1663] : memref<16x144xf32, #tpu.memory_space<vmem>> -> memref<1x144xf32, #tpu.memory_space<vmem>>
          %dma_start3A_1665 = arith.constant 0 : i32
          %dma_start3A_1666 = tpu.memref_slice %arg18[%run_scoped3A_1659, %dma_start3A_1665] : memref<16x1xi32, #tpu.memory_space<vmem>> -> memref<1x1xi32, #tpu.memory_space<vmem>>
          %dma_start3A_1667 = tpu.memref_squeeze %dma_start3A_1666 : memref<1x1xi32, #tpu.memory_space<vmem>> -> memref<1xi32, #tpu.memory_space<vmem>>
          %dma_start3A_1668 = arith.constant 0 : i32
          %dma_start3A_1669 = arith.constant 0 : i32
          %dma_start3A_1670 = tpu.memref_slice %arg20[%dma_start3A_1668, %dma_start3A_1669] : memref<10000x144xf32, #tpu.memory_space<vmem_shared>> -> memref<10000x144xf32, #tpu.memory_space<vmem_shared>>
          tpu.enqueue_indirect_dma source(%dma_start3A_1664 : memref<1x144xf32, #tpu.memory_space<vmem>>) target(%dma_start3A_1670 : memref<10000x144xf32, #tpu.memory_space<vmem_shared>>) offsets(%dma_start3A_1667 : memref<1xi32, #tpu.memory_space<vmem>>) semaphore(%run_scoped3A_1661 : memref<!tpu.dma_semaphore, #tpu.memory_space<semaphore_mem>>) {add = true}
          %dma_wait3A_1671 = arith.constant 14 : i32
          %dma_wait3A_1672 = arith.constant 0 : i32
          %dma_wait3A_1673 = tpu.memref_slice %arg15[%dma_wait3A_1671, %dma_wait3A_1672] : memref<16x144xf32, #tpu.memory_space<vmem>> -> memref<1x144xf32, #tpu.memory_space<vmem>>
          %dma_wait3A_1674 = arith.constant 0 : i32
          %dma_wait3A_1675 = tpu.memref_slice %arg18[%run_scoped3A_1659, %dma_wait3A_1674] : memref<16x1xi32, #tpu.memory_space<vmem>> -> memref<1x1xi32, #tpu.memory_space<vmem>>
          %dma_wait3A_1676 = tpu.memref_squeeze %dma_wait3A_1675 : memref<1x1xi32, #tpu.memory_space<vmem>> -> memref<1xi32, #tpu.memory_space<vmem>>
          %dma_wait3A_1677 = arith.constant 0 : i32
          %dma_wait3A_1678 = arith.constant 0 : i32
          %dma_wait3A_1679 = tpu.memref_slice %arg20[%dma_wait3A_1677, %dma_wait3A_1678] : memref<10000x144xf32, #tpu.memory_space<vmem_shared>> -> memref<10000x144xf32, #tpu.memory_space<vmem_shared>>
          tpu.wait_indirect_dma semaphore(%run_scoped3A_1661 : memref<!tpu.dma_semaphore, #tpu.memory_space<semaphore_mem>>) src(%dma_wait3A_1673 : memref<1x144xf32, #tpu.memory_space<vmem>>) dst(%dma_wait3A_1679 : memref<10000x144xf32, #tpu.memory_space<vmem_shared>>)
          tpu.yield
        }) : () -> ()
        %run_scoped3A_1660 = arith.constant 15 : i32
        "tpu.region"() ({
          %run_scoped3A_1661 = tpu.sem_alloc : memref<!tpu.dma_semaphore, #tpu.memory_space<semaphore_mem>>
          %dma_start3A_1662 = arith.constant 15 : i32
          %dma_start3A_1663 = arith.constant 0 : i32
          %dma_start3A_1664 = tpu.memref_slice %arg15[%dma_start3A_1662, %dma_start3A_1663] : memref<16x144xf32, #tpu.memory_space<vmem>> -> memref<1x144xf32, #tpu.memory_space<vmem>>
          %dma_start3A_1665 = arith.constant 0 : i32
          %dma_start3A_1666 = tpu.memref_slice %arg18[%run_scoped3A_1660, %dma_start3A_1665] : memref<16x1xi32, #tpu.memory_space<vmem>> -> memref<1x1xi32, #tpu.memory_space<vmem>>
          %dma_start3A_1667 = tpu.memref_squeeze %dma_start3A_1666 : memref<1x1xi32, #tpu.memory_space<vmem>> -> memref<1xi32, #tpu.memory_space<vmem>>
          %dma_start3A_1668 = arith.constant 0 : i32
          %dma_start3A_1669 = arith.constant 0 : i32
          %dma_start3A_1670 = tpu.memref_slice %arg20[%dma_start3A_1668, %dma_start3A_1669] : memref<10000x144xf32, #tpu.memory_space<vmem_shared>> -> memref<10000x144xf32, #tpu.memory_space<vmem_shared>>
          tpu.enqueue_indirect_dma source(%dma_start3A_1664 : memref<1x144xf32, #tpu.memory_space<vmem>>) target(%dma_start3A_1670 : memref<10000x144xf32, #tpu.memory_space<vmem_shared>>) offsets(%dma_start3A_1667 : memref<1xi32, #tpu.memory_space<vmem>>) semaphore(%run_scoped3A_1661 : memref<!tpu.dma_semaphore, #tpu.memory_space<semaphore_mem>>) {add = true}
          %dma_wait3A_1671 = arith.constant 15 : i32
          %dma_wait3A_1672 = arith.constant 0 : i32
          %dma_wait3A_1673 = tpu.memref_slice %arg15[%dma_wait3A_1671, %dma_wait3A_1672] : memref<16x144xf32, #tpu.memory_space<vmem>> -> memref<1x144xf32, #tpu.memory_space<vmem>>
          %dma_wait3A_1674 = arith.constant 0 : i32
          %dma_wait3A_1675 = tpu.memref_slice %arg18[%run_scoped3A_1660, %dma_wait3A_1674] : memref<16x1xi32, #tpu.memory_space<vmem>> -> memref<1x1xi32, #tpu.memory_space<vmem>>
          %dma_wait3A_1676 = tpu.memref_squeeze %dma_wait3A_1675 : memref<1x1xi32, #tpu.memory_space<vmem>> -> memref<1xi32, #tpu.memory_space<vmem>>
          %dma_wait3A_1677 = arith.constant 0 : i32
          %dma_wait3A_1678 = arith.constant 0 : i32
          %dma_wait3A_1679 = tpu.memref_slice %arg20[%dma_wait3A_1677, %dma_wait3A_1678] : memref<10000x144xf32, #tpu.memory_space<vmem_shared>> -> memref<10000x144xf32, #tpu.memory_space<vmem_shared>>
          tpu.wait_indirect_dma semaphore(%run_scoped3A_1661 : memref<!tpu.dma_semaphore, #tpu.memory_space<semaphore_mem>>) src(%dma_wait3A_1673 : memref<1x144xf32, #tpu.memory_space<vmem>>) dst(%dma_wait3A_1679 : memref<10000x144xf32, #tpu.memory_space<vmem_shared>>)
          tpu.yield
        }) : () -> ()
      }
      %scan3A_144 = arith.constant 125 : i32
    }
    %scan3A_110 = arith.constant 5 : i32
    %barrier3A_111 = arith.constant 0 : index
    tpu.barrier barrier_id(%barrier3A_111)
    %mul3A_112 = arith.constant 625 : i32
    %mul3A_113 = arith.muli %arg1, %mul3A_112 : i32
    %add3A_114 = arith.constant 0 : i32
    %add3A_115 = arith.addi %mul3A_113, %add3A_114 : i32
    "tpu.region"() ({
      %run_scoped3A = tpu.sem_alloc : memref<!tpu.dma_semaphore, #tpu.memory_space<semaphore_mem>>
      %dma_start3A = arith.constant 0 : i32
      %dma_start3A_132 = tpu.memref_slice %arg8[%arg0, %add3A_115, %dma_start3A] : memref<2x10000x144xf32, #tpu.memory_space<hbm>> -> memref<1x125x144xf32, #tpu.memory_space<hbm>>
      %dma_start3A_133 = tpu.memref_squeeze %dma_start3A_132 : memref<1x125x144xf32, #tpu.memory_space<hbm>> -> memref<125x144xf32, #tpu.memory_space<hbm>>
      %dma_start3A_134 = arith.constant 0 : i32
      %dma_start3A_135 = tpu.memref_slice %arg20[%add3A_115, %dma_start3A_134] : memref<10000x144xf32, #tpu.memory_space<vmem_shared>> -> memref<125x144xf32, #tpu.memory_space<vmem_shared>>
      tpu.enqueue_dma source(%dma_start3A_135 : memref<125x144xf32, #tpu.memory_space<vmem_shared>>) target(%dma_start3A_133 : memref<125x144xf32, #tpu.memory_space<hbm>>) target_semaphore(%run_scoped3A : memref<!tpu.dma_semaphore, #tpu.memory_space<semaphore_mem>>)
      %dma_wait3A = arith.constant 0 : i32
      %dma_wait3A_136 = tpu.memref_slice %arg8[%arg0, %add3A_115, %dma_wait3A] : memref<2x10000x144xf32, #tpu.memory_space<hbm>> -> memref<1x125x144xf32, #tpu.memory_space<hbm>>
      %dma_wait3A_137 = tpu.memref_squeeze %dma_wait3A_136 : memref<1x125x144xf32, #tpu.memory_space<hbm>> -> memref<125x144xf32, #tpu.memory_space<hbm>>
      %dma_wait3A_138 = arith.constant 0 : i32
      %dma_wait3A_139 = tpu.memref_slice %arg20[%add3A_115, %dma_wait3A_138] : memref<10000x144xf32, #tpu.memory_space<vmem_shared>> -> memref<125x144xf32, #tpu.memory_space<vmem_shared>>
      tpu.wait_dma2 semaphore(%run_scoped3A : memref<!tpu.dma_semaphore, #tpu.memory_space<semaphore_mem>>) src(%dma_wait3A_139 : memref<125x144xf32, #tpu.memory_space<vmem_shared>>) dst(%dma_wait3A_137 : memref<125x144xf32, #tpu.memory_space<hbm>>)
      tpu.yield
    }) : () -> ()
    %mul3A_116 = arith.constant 625 : i32
    %mul3A_117 = arith.muli %arg1, %mul3A_116 : i32
    %add3A_118 = arith.constant 125 : i32
    %add3A_119 = arith.addi %mul3A_117, %add3A_118 : i32
    "tpu.region"() ({
      %run_scoped3A = tpu.sem_alloc : memref<!tpu.dma_semaphore, #tpu.memory_space<semaphore_mem>>
      %dma_start3A = arith.constant 0 : i32
      %dma_start3A_132 = tpu.memref_slice %arg8[%arg0, %add3A_119, %dma_start3A] : memref<2x10000x144xf32, #tpu.memory_space<hbm>> -> memref<1x125x144xf32, #tpu.memory_space<hbm>>
      %dma_start3A_133 = tpu.memref_squeeze %dma_start3A_132 : memref<1x125x144xf32, #tpu.memory_space<hbm>> -> memref<125x144xf32, #tpu.memory_space<hbm>>
      %dma_start3A_134 = arith.constant 0 : i32
      %dma_start3A_135 = tpu.memref_slice %arg20[%add3A_119, %dma_start3A_134] : memref<10000x144xf32, #tpu.memory_space<vmem_shared>> -> memref<125x144xf32, #tpu.memory_space<vmem_shared>>
      tpu.enqueue_dma source(%dma_start3A_135 : memref<125x144xf32, #tpu.memory_space<vmem_shared>>) target(%dma_start3A_133 : memref<125x144xf32, #tpu.memory_space<hbm>>) target_semaphore(%run_scoped3A : memref<!tpu.dma_semaphore, #tpu.memory_space<semaphore_mem>>)
      %dma_wait3A = arith.constant 0 : i32
      %dma_wait3A_136 = tpu.memref_slice %arg8[%arg0, %add3A_119, %dma_wait3A] : memref<2x10000x144xf32, #tpu.memory_space<hbm>> -> memref<1x125x144xf32, #tpu.memory_space<hbm>>
      %dma_wait3A_137 = tpu.memref_squeeze %dma_wait3A_136 : memref<1x125x144xf32, #tpu.memory_space<hbm>> -> memref<125x144xf32, #tpu.memory_space<hbm>>
      %dma_wait3A_138 = arith.constant 0 : i32
      %dma_wait3A_139 = tpu.memref_slice %arg20[%add3A_119, %dma_wait3A_138] : memref<10000x144xf32, #tpu.memory_space<vmem_shared>> -> memref<125x144xf32, #tpu.memory_space<vmem_shared>>
      tpu.wait_dma2 semaphore(%run_scoped3A : memref<!tpu.dma_semaphore, #tpu.memory_space<semaphore_mem>>) src(%dma_wait3A_139 : memref<125x144xf32, #tpu.memory_space<vmem_shared>>) dst(%dma_wait3A_137 : memref<125x144xf32, #tpu.memory_space<hbm>>)
      tpu.yield
    }) : () -> ()
    %mul3A_120 = arith.constant 625 : i32
    %mul3A_121 = arith.muli %arg1, %mul3A_120 : i32
    %add3A_122 = arith.constant 250 : i32
    %add3A_123 = arith.addi %mul3A_121, %add3A_122 : i32
    "tpu.region"() ({
      %run_scoped3A = tpu.sem_alloc : memref<!tpu.dma_semaphore, #tpu.memory_space<semaphore_mem>>
      %dma_start3A = arith.constant 0 : i32
      %dma_start3A_132 = tpu.memref_slice %arg8[%arg0, %add3A_123, %dma_start3A] : memref<2x10000x144xf32, #tpu.memory_space<hbm>> -> memref<1x125x144xf32, #tpu.memory_space<hbm>>
      %dma_start3A_133 = tpu.memref_squeeze %dma_start3A_132 : memref<1x125x144xf32, #tpu.memory_space<hbm>> -> memref<125x144xf32, #tpu.memory_space<hbm>>
      %dma_start3A_134 = arith.constant 0 : i32
      %dma_start3A_135 = tpu.memref_slice %arg20[%add3A_123, %dma_start3A_134] : memref<10000x144xf32, #tpu.memory_space<vmem_shared>> -> memref<125x144xf32, #tpu.memory_space<vmem_shared>>
      tpu.enqueue_dma source(%dma_start3A_135 : memref<125x144xf32, #tpu.memory_space<vmem_shared>>) target(%dma_start3A_133 : memref<125x144xf32, #tpu.memory_space<hbm>>) target_semaphore(%run_scoped3A : memref<!tpu.dma_semaphore, #tpu.memory_space<semaphore_mem>>)
      %dma_wait3A = arith.constant 0 : i32
      %dma_wait3A_136 = tpu.memref_slice %arg8[%arg0, %add3A_123, %dma_wait3A] : memref<2x10000x144xf32, #tpu.memory_space<hbm>> -> memref<1x125x144xf32, #tpu.memory_space<hbm>>
      %dma_wait3A_137 = tpu.memref_squeeze %dma_wait3A_136 : memref<1x125x144xf32, #tpu.memory_space<hbm>> -> memref<125x144xf32, #tpu.memory_space<hbm>>
      %dma_wait3A_138 = arith.constant 0 : i32
      %dma_wait3A_139 = tpu.memref_slice %arg20[%add3A_123, %dma_wait3A_138] : memref<10000x144xf32, #tpu.memory_space<vmem_shared>> -> memref<125x144xf32, #tpu.memory_space<vmem_shared>>
      tpu.wait_dma2 semaphore(%run_scoped3A : memref<!tpu.dma_semaphore, #tpu.memory_space<semaphore_mem>>) src(%dma_wait3A_139 : memref<125x144xf32, #tpu.memory_space<vmem_shared>>) dst(%dma_wait3A_137 : memref<125x144xf32, #tpu.memory_space<hbm>>)
      tpu.yield
    }) : () -> ()
    %mul3A_124 = arith.constant 625 : i32
    %mul3A_125 = arith.muli %arg1, %mul3A_124 : i32
    %add3A_126 = arith.constant 375 : i32
    %add3A_127 = arith.addi %mul3A_125, %add3A_126 : i32
    "tpu.region"() ({
      %run_scoped3A = tpu.sem_alloc : memref<!tpu.dma_semaphore, #tpu.memory_space<semaphore_mem>>
      %dma_start3A = arith.constant 0 : i32
      %dma_start3A_132 = tpu.memref_slice %arg8[%arg0, %add3A_127, %dma_start3A] : memref<2x10000x144xf32, #tpu.memory_space<hbm>> -> memref<1x125x144xf32, #tpu.memory_space<hbm>>
      %dma_start3A_133 = tpu.memref_squeeze %dma_start3A_132 : memref<1x125x144xf32, #tpu.memory_space<hbm>> -> memref<125x144xf32, #tpu.memory_space<hbm>>
      %dma_start3A_134 = arith.constant 0 : i32
      %dma_start3A_135 = tpu.memref_slice %arg20[%add3A_127, %dma_start3A_134] : memref<10000x144xf32, #tpu.memory_space<vmem_shared>> -> memref<125x144xf32, #tpu.memory_space<vmem_shared>>
      tpu.enqueue_dma source(%dma_start3A_135 : memref<125x144xf32, #tpu.memory_space<vmem_shared>>) target(%dma_start3A_133 : memref<125x144xf32, #tpu.memory_space<hbm>>) target_semaphore(%run_scoped3A : memref<!tpu.dma_semaphore, #tpu.memory_space<semaphore_mem>>)
      %dma_wait3A = arith.constant 0 : i32
      %dma_wait3A_136 = tpu.memref_slice %arg8[%arg0, %add3A_127, %dma_wait3A] : memref<2x10000x144xf32, #tpu.memory_space<hbm>> -> memref<1x125x144xf32, #tpu.memory_space<hbm>>
      %dma_wait3A_137 = tpu.memref_squeeze %dma_wait3A_136 : memref<1x125x144xf32, #tpu.memory_space<hbm>> -> memref<125x144xf32, #tpu.memory_space<hbm>>
      %dma_wait3A_138 = arith.constant 0 : i32
      %dma_wait3A_139 = tpu.memref_slice %arg20[%add3A_127, %dma_wait3A_138] : memref<10000x144xf32, #tpu.memory_space<vmem_shared>> -> memref<125x144xf32, #tpu.memory_space<vmem_shared>>
      tpu.wait_dma2 semaphore(%run_scoped3A : memref<!tpu.dma_semaphore, #tpu.memory_space<semaphore_mem>>) src(%dma_wait3A_139 : memref<125x144xf32, #tpu.memory_space<vmem_shared>>) dst(%dma_wait3A_137 : memref<125x144xf32, #tpu.memory_space<hbm>>)
      tpu.yield
    }) : () -> ()
    %mul3A_128 = arith.constant 625 : i32
    %mul3A_129 = arith.muli %arg1, %mul3A_128 : i32
    %add3A_130 = arith.constant 500 : i32
    %add3A_131 = arith.addi %mul3A_129, %add3A_130 : i32
    "tpu.region"() ({
      %run_scoped3A = tpu.sem_alloc : memref<!tpu.dma_semaphore, #tpu.memory_space<semaphore_mem>>
      %dma_start3A = arith.constant 0 : i32
      %dma_start3A_132 = tpu.memref_slice %arg8[%arg0, %add3A_131, %dma_start3A] : memref<2x10000x144xf32, #tpu.memory_space<hbm>> -> memref<1x125x144xf32, #tpu.memory_space<hbm>>
      %dma_start3A_133 = tpu.memref_squeeze %dma_start3A_132 : memref<1x125x144xf32, #tpu.memory_space<hbm>> -> memref<125x144xf32, #tpu.memory_space<hbm>>
      %dma_start3A_134 = arith.constant 0 : i32
      %dma_start3A_135 = tpu.memref_slice %arg20[%add3A_131, %dma_start3A_134] : memref<10000x144xf32, #tpu.memory_space<vmem_shared>> -> memref<125x144xf32, #tpu.memory_space<vmem_shared>>
      tpu.enqueue_dma source(%dma_start3A_135 : memref<125x144xf32, #tpu.memory_space<vmem_shared>>) target(%dma_start3A_133 : memref<125x144xf32, #tpu.memory_space<hbm>>) target_semaphore(%run_scoped3A : memref<!tpu.dma_semaphore, #tpu.memory_space<semaphore_mem>>)
      %dma_wait3A = arith.constant 0 : i32
      %dma_wait3A_136 = tpu.memref_slice %arg8[%arg0, %add3A_131, %dma_wait3A] : memref<2x10000x144xf32, #tpu.memory_space<hbm>> -> memref<1x125x144xf32, #tpu.memory_space<hbm>>
      %dma_wait3A_137 = tpu.memref_squeeze %dma_wait3A_136 : memref<1x125x144xf32, #tpu.memory_space<hbm>> -> memref<125x144xf32, #tpu.memory_space<hbm>>
      %dma_wait3A_138 = arith.constant 0 : i32
      %dma_wait3A_139 = tpu.memref_slice %arg20[%add3A_131, %dma_wait3A_138] : memref<10000x144xf32, #tpu.memory_space<vmem_shared>> -> memref<125x144xf32, #tpu.memory_space<vmem_shared>>
      tpu.wait_dma2 semaphore(%run_scoped3A : memref<!tpu.dma_semaphore, #tpu.memory_space<semaphore_mem>>) src(%dma_wait3A_139 : memref<125x144xf32, #tpu.memory_space<vmem_shared>>) dst(%dma_wait3A_137 : memref<125x144xf32, #tpu.memory_space<hbm>>)
      tpu.yield
    }) : () -> ()
    return
  }
}

module attributes {stable_mosaic.version = 14 : i64} {
  func.func @_k1_body(%arg0: i32, %arg1: memref<1000x128xf32, #tpu.memory_space<vmem>>, %arg2: memref<128x128xf32, #tpu.memory_space<vmem>>, %arg3: memref<128x16xf32, #tpu.memory_space<vmem>>, %arg4: memref<1000x144xf32, #tpu.memory_space<vmem>>, %arg5: memref<1000x16xf32, #tpu.memory_space<vmem>>, %arg6: memref<1x16xf32, #tpu.memory_space<vmem>>, %arg7: memref<1x16xf32, #tpu.memory_space<vmem>>) attributes {dimension_semantics = [#tpu.dimension_semantics<arbitrary>], iteration_bounds = array<i64: 10>, scalar_prefetch = 0 : i64, scratch_operands = 1 : i64, tpu.core_type = #tpu.core_type<tc>, window_params = [{transform_indices = @transform_0, window_bounds = array<i64: 1000, 128>}, {pipeline_mode = #tpu.pipeline_mode<synchronous>, transform_indices = @transform_1, window_bounds = array<i64: 128, 128>}, {pipeline_mode = #tpu.pipeline_mode<synchronous>, transform_indices = @transform_2, window_bounds = array<i64: 128, 16>}, {transform_indices = @transform_3, window_bounds = array<i64: 1000, 144>}, {transform_indices = @transform_4, window_bounds = array<i64: 1000, 16>}, {pipeline_mode = #tpu.pipeline_mode<synchronous>, transform_indices = @transform_5, window_bounds = array<i64: 1, 16>}]} {
    %get3A = arith.constant 0 : index
    %get3A_0 = arith.constant 0 : index
    %get3A_1 = vector.load %arg1[%get3A, %get3A_0] : memref<1000x128xf32, #tpu.memory_space<vmem>>, vector<1000x128xf32>
    %get3A_2 = arith.constant 0 : index
    %get3A_3 = arith.constant 0 : index
    %get3A_4 = vector.load %arg2[%get3A_2, %get3A_3] : memref<128x128xf32, #tpu.memory_space<vmem>>, vector<128x128xf32>
    %dot_general3A = arith.constant dense<0.000000e+00> : vector<1000x128xf32>
    %dot_general3A_5 = tpu.matmul %get3A_1, %get3A_4, %dot_general3A {dimension_numbers = #tpu.dot_dimension_numbers<[1], [0], [0], [1], [0, 0, 1, 1], [], []>, transpose_lhs_hint = false} : vector<1000x128xf32>, vector<128x128xf32>, vector<1000x128xf32> -> vector<1000x128xf32>
    %get3A_6 = arith.constant 0 : index
    %get3A_7 = arith.constant 0 : index
    %get3A_8 = vector.load %arg3[%get3A_6, %get3A_7] : memref<128x16xf32, #tpu.memory_space<vmem>>, vector<128x16xf32>
    %dot_general3A_9 = arith.constant dense<0.000000e+00> : vector<1000x16xf32>
    %dot_general3A_10 = tpu.matmul %dot_general3A_5, %get3A_8, %dot_general3A_9 {dimension_numbers = #tpu.dot_dimension_numbers<[1], [0], [0], [1], [0, 0, 1, 1], [], []>, transpose_lhs_hint = false} : vector<1000x128xf32>, vector<128x16xf32>, vector<1000x16xf32> -> vector<1000x16xf32>
    %swap3A = arith.constant 0 : index
    %swap3A_11 = arith.constant 0 : index
    %swap3A_12 = vector.load %arg5[%swap3A, %swap3A_11] : memref<1000x16xf32, #tpu.memory_space<vmem>>, vector<1000x16xf32>
    tpu.vector_store %arg5[%swap3A, %swap3A_11], %dot_general3A_10 {strides = array<i32>} : memref<1000x16xf32, #tpu.memory_space<vmem>>, vector<1000x16xf32>,
    %concatenate3A = tpu.concatenate %dot_general3A_5, %dot_general3A_10 in 1 : vector<1000x128xf32>, vector<1000x16xf32> -> vector<1000x144xf32>
    %swap3A_13 = arith.constant 0 : index
    %swap3A_14 = arith.constant 0 : index
    %swap3A_15 = vector.load %arg4[%swap3A_13, %swap3A_14] : memref<1000x144xf32, #tpu.memory_space<vmem>>, vector<1000x144xf32>
    tpu.vector_store %arg4[%swap3A_13, %swap3A_14], %concatenate3A {strides = array<i32>} : memref<1000x144xf32, #tpu.memory_space<vmem>>, vector<1000x144xf32>,
    %reduce_max3A = arith.constant dense<0xFF800000> : vector<16xf32>
    %reduce_max3A_16 = vector.multi_reduction <maximumf>, %dot_general3A_10, %reduce_max3A [0] : vector<1000x16xf32> to vector<16xf32>
    %broadcast_in_dim3A = vector.shape_cast %reduce_max3A_16 : vector<16xf32> to vector<1x16xf32>
    %eq3A = arith.constant 0 : i32
    %eq3A_17 = arith.cmpi eq, %arg0, %eq3A : i32
    %convert_element_type3A = arith.extui %eq3A_17 : i1 to i32
    %cond3A = arith.constant 0 : i32
    %cond3A_18 = arith.cmpi ne, %convert_element_type3A, %cond3A : i32
    scf.if %cond3A_18 {
      %swap3A_29 = arith.constant 0 : index
      %swap3A_30 = arith.constant 0 : index
      %swap3A_31 = vector.load %arg7[%swap3A_29, %swap3A_30] : memref<1x16xf32, #tpu.memory_space<vmem>>, vector<1x16xf32>
      tpu.vector_store %arg7[%swap3A_29, %swap3A_30], %broadcast_in_dim3A {strides = array<i32>} : memref<1x16xf32, #tpu.memory_space<vmem>>, vector<1x16xf32>,
    } else {
    }
    %gt3A = arith.constant 0 : i32
    %gt3A_19 = arith.cmpi sgt, %arg0, %gt3A : i32
    %convert_element_type3A_20 = arith.extui %gt3A_19 : i1 to i32
    %cond3A_21 = arith.constant 0 : i32
    %cond3A_22 = arith.cmpi ne, %convert_element_type3A_20, %cond3A_21 : i32
    scf.if %cond3A_22 {
      %get3A_29 = arith.constant 0 : index
      %get3A_30 = arith.constant 0 : index
      %get3A_31 = vector.load %arg7[%get3A_29, %get3A_30] : memref<1x16xf32, #tpu.memory_space<vmem>>, vector<1x16xf32>
      %max3A = arith.maximumf %get3A_31, %broadcast_in_dim3A : vector<1x16xf32>
      %swap3A_32 = arith.constant 0 : index
      %swap3A_33 = arith.constant 0 : index
      %swap3A_34 = vector.load %arg7[%swap3A_32, %swap3A_33] : memref<1x16xf32, #tpu.memory_space<vmem>>, vector<1x16xf32>
      tpu.vector_store %arg7[%swap3A_32, %swap3A_33], %max3A {strides = array<i32>} : memref<1x16xf32, #tpu.memory_space<vmem>>, vector<1x16xf32>,
    } else {
    }
    %get3A_23 = arith.constant 0 : index
    %get3A_24 = arith.constant 0 : index
    %get3A_25 = vector.load %arg7[%get3A_23, %get3A_24] : memref<1x16xf32, #tpu.memory_space<vmem>>, vector<1x16xf32>
    %swap3A_26 = arith.constant 0 : index
    %swap3A_27 = arith.constant 0 : index
    %swap3A_28 = vector.load %arg6[%swap3A_26, %swap3A_27] : memref<1x16xf32, #tpu.memory_space<vmem>>, vector<1x16xf32>
    tpu.vector_store %arg6[%swap3A_26, %swap3A_27], %get3A_25 {strides = array<i32>} : memref<1x16xf32, #tpu.memory_space<vmem>>, vector<1x16xf32>,
    return
  }
  func.func @transform_0(%arg0: i32) -> (i32, i32) {
    %c0_i32 = arith.constant 0 : i32
    %c0_i32_0 = arith.constant 0 : i32
    return %arg0, %c0_i32 : i32, i32
  }
  func.func @transform_1(%arg0: i32) -> (i32, i32) {
    %c0_i32 = arith.constant 0 : i32
    %c0_i32_0 = arith.constant 0 : i32
    %c0_i32_1 = arith.constant 0 : i32
    return %c0_i32, %c0_i32_0 : i32, i32
  }
  func.func @transform_2(%arg0: i32) -> (i32, i32) {
    %c0_i32 = arith.constant 0 : i32
    %c0_i32_0 = arith.constant 0 : i32
    %c0_i32_1 = arith.constant 0 : i32
    return %c0_i32, %c0_i32_0 : i32, i32
  }
  func.func @transform_3(%arg0: i32) -> (i32, i32) {
    %c0_i32 = arith.constant 0 : i32
    %c0_i32_0 = arith.constant 0 : i32
    return %arg0, %c0_i32 : i32, i32
  }
  func.func @transform_4(%arg0: i32) -> (i32, i32) {
    %c0_i32 = arith.constant 0 : i32
    %c0_i32_0 = arith.constant 0 : i32
    return %arg0, %c0_i32 : i32, i32
  }
  func.func @transform_5(%arg0: i32) -> (i32, i32) {
    %c0_i32 = arith.constant 0 : i32
    %c0_i32_0 = arith.constant 0 : i32
    %c0_i32_1 = arith.constant 0 : i32
    return %c0_i32, %c0_i32_0 : i32, i32
  }
}

module attributes {stable_mosaic.version = 14 : i64} {
  func.func @_k2_body(%arg0: i32, %arg1: memref<1x1000x144xf32, #tpu.memory_space<vmem>>, %arg2: memref<1x1000x144xf32, #tpu.memory_space<vmem>>, %arg3: memref<1000x144xf32, #tpu.memory_space<vmem>>, %arg4: memref<1000x16xf32, #tpu.memory_space<vmem>>, %arg5: memref<1x16xf32, #tpu.memory_space<vmem>>, %arg6: memref<1x128xf32, #tpu.memory_space<vmem>>, %arg7: memref<4x128xf32, #tpu.memory_space<vmem>>, %arg8: memref<1000x128xf32, #tpu.memory_space<vmem>>, %arg9: memref<2x128xf32, #tpu.memory_space<vmem>>, %arg10: memref<2x128xf32, #tpu.memory_space<vmem>>) attributes {dimension_semantics = [#tpu.dimension_semantics<arbitrary>], iteration_bounds = array<i64: 10>, scalar_prefetch = 0 : i64, scratch_operands = 1 : i64, tpu.core_type = #tpu.core_type<tc>, window_params = [{transform_indices = @transform_0, window_bounds = array<i64: 1, 1000, 144>}, {transform_indices = @transform_1, window_bounds = array<i64: 1, 1000, 144>}, {transform_indices = @transform_2, window_bounds = array<i64: 1000, 144>}, {transform_indices = @transform_3, window_bounds = array<i64: 1000, 16>}, {pipeline_mode = #tpu.pipeline_mode<synchronous>, transform_indices = @transform_4, window_bounds = array<i64: 1, 16>}, {pipeline_mode = #tpu.pipeline_mode<synchronous>, transform_indices = @transform_5, window_bounds = array<i64: 1, 128>}, {pipeline_mode = #tpu.pipeline_mode<synchronous>, transform_indices = @transform_6, window_bounds = array<i64: 4, 128>}, {transform_indices = @transform_7, window_bounds = array<i64: 1000, 128>}, {pipeline_mode = #tpu.pipeline_mode<synchronous>, transform_indices = @transform_8, window_bounds = array<i64: 2, 128>}]} {
    %get3A = arith.constant 0 : index
    %get3A_0 = arith.constant 0 : index
    %get3A_1 = arith.constant 0 : index
    %get3A_2 = vector.load %arg1[%get3A, %get3A_0, %get3A_1] : memref<1x1000x144xf32, #tpu.memory_space<vmem>>, vector<1x1000x144xf32>
    %get3A_3 = vector.shape_cast %get3A_2 : vector<1x1000x144xf32> to vector<1000x144xf32>
    %get3A_4 = arith.constant 0 : index
    %get3A_5 = arith.constant 0 : index
    %get3A_6 = arith.constant 0 : index
    %get3A_7 = vector.load %arg2[%get3A_4, %get3A_5, %get3A_6] : memref<1x1000x144xf32, #tpu.memory_space<vmem>>, vector<1x1000x144xf32>
    %get3A_8 = vector.shape_cast %get3A_7 : vector<1x1000x144xf32> to vector<1000x144xf32>
    %slice3A = vector.extract_strided_slice %get3A_3 {offsets = [0, 0], sizes = [1000, 128], strides = [1, 1]} : vector<1000x144xf32> to vector<1000x128xf32>
    %slice3A_9 = vector.extract_strided_slice %get3A_8 {offsets = [0, 0], sizes = [1000, 128], strides = [1, 1]} : vector<1000x144xf32> to vector<1000x128xf32>
    %add3A = arith.addf %slice3A, %slice3A_9 : vector<1000x128xf32>
    %slice3A_10 = vector.extract_strided_slice %get3A_3 {offsets = [0, 128], sizes = [1000, 4], strides = [1, 1]} : vector<1000x144xf32> to vector<1000x4xf32>
    %slice3A_11 = vector.extract_strided_slice %get3A_8 {offsets = [0, 128], sizes = [1000, 4], strides = [1, 1]} : vector<1000x144xf32> to vector<1000x4xf32>
    %add3A_12 = arith.addf %slice3A_10, %slice3A_11 : vector<1000x4xf32>
    %get3A_13 = arith.constant 0 : index
    %get3A_14 = arith.constant 0 : index
    %get3A_15 = vector.load %arg4[%get3A_13, %get3A_14] : memref<1000x16xf32, #tpu.memory_space<vmem>>, vector<1000x16xf32>
    %slice3A_16 = vector.extract_strided_slice %get3A_15 {offsets = [0, 0], sizes = [1000, 4], strides = [1, 1]} : vector<1000x16xf32> to vector<1000x4xf32>
    %slice3A_17 = vector.extract_strided_slice %get3A_15 {offsets = [0, 4], sizes = [1000, 4], strides = [1, 1]} : vector<1000x16xf32> to vector<1000x4xf32>
    %get3A_18 = arith.constant 0 : index
    %get3A_19 = arith.constant 0 : index
    %get3A_20 = vector.load %arg5[%get3A_18, %get3A_19] : memref<1x16xf32, #tpu.memory_space<vmem>>, vector<1x16xf32>
    %slice3A_21 = vector.extract_strided_slice %get3A_20 {offsets = [0, 0], sizes = [1, 4], strides = [1, 1]} : vector<1x16xf32> to vector<1x4xf32>
    %add3A_22 = arith.addf %slice3A_16, %slice3A_17 : vector<1000x4xf32>
    %ge3A = arith.constant 0.000000e+00 : f32
    %ge3A_23 = vector.broadcast %ge3A : f32 to vector<1000x4xf32>
    %ge3A_24 = arith.cmpf oge, %add3A_22, %ge3A_23 : vector<1000x4xf32>
    %mul3A = arith.constant 2.000000e-01 : f32
    %mul3A_25 = vector.broadcast %mul3A : f32 to vector<1000x4xf32>
    %mul3A_26 = arith.mulf %add3A_22, %mul3A_25 : vector<1000x4xf32>
    %select_n3A = arith.select %ge3A_24, %add3A_22, %mul3A_26 : vector<1000x4xi1>, vector<1000x4xf32>
    %add3A_27 = vector.broadcast %slice3A_21 : vector<1x4xf32> to vector<1000x4xf32>
    %add3A_28 = arith.addf %add3A_27, %slice3A_17 : vector<1000x4xf32>
    %ge3A_29 = arith.constant 0.000000e+00 : f32
    %ge3A_30 = vector.broadcast %ge3A_29 : f32 to vector<1000x4xf32>
    %ge3A_31 = arith.cmpf oge, %add3A_28, %ge3A_30 : vector<1000x4xf32>
    %mul3A_32 = arith.constant 2.000000e-01 : f32
    %mul3A_33 = vector.broadcast %mul3A_32 : f32 to vector<1000x4xf32>
    %mul3A_34 = arith.mulf %add3A_28, %mul3A_33 : vector<1000x4xf32>
    %select_n3A_35 = arith.select %ge3A_31, %add3A_28, %mul3A_34 : vector<1000x4xi1>, vector<1000x4xf32>
    %sub3A = arith.subf %select_n3A, %select_n3A_35 : vector<1000x4xf32>
    %exp3A = math.exp %sub3A : vector<1000x4xf32>
    %add3A_36 = arith.addf %add3A_12, %exp3A : vector<1000x4xf32>
    %get3A_37 = arith.constant 0 : index
    %get3A_38 = arith.constant 0 : index
    %get3A_39 = vector.load %arg7[%get3A_37, %get3A_38] : memref<4x128xf32, #tpu.memory_space<vmem>>, vector<4x128xf32>
    %dot_general3A = arith.constant dense<0.000000e+00> : vector<1000x128xf32>
    %dot_general3A_40 = tpu.matmul %exp3A, %get3A_39, %dot_general3A {dimension_numbers = #tpu.dot_dimension_numbers<[1], [0], [0], [1], [0, 0, 1, 1], [], []>, transpose_lhs_hint = false} : vector<1000x4xf32>, vector<4x128xf32>, vector<1000x128xf32> -> vector<1000x128xf32>
    %get3A_41 = arith.constant 0 : index
    %get3A_42 = arith.constant 0 : index
    %get3A_43 = vector.load %arg7[%get3A_41, %get3A_42] : memref<4x128xf32, #tpu.memory_space<vmem>>, vector<4x128xf32>
    %dot_general3A_44 = arith.constant dense<0.000000e+00> : vector<1000x128xf32>
    %dot_general3A_45 = tpu.matmul %add3A_36, %get3A_43, %dot_general3A_44 {dimension_numbers = #tpu.dot_dimension_numbers<[1], [0], [0], [1], [0, 0, 1, 1], [], []>, transpose_lhs_hint = false} : vector<1000x4xf32>, vector<4x128xf32>, vector<1000x128xf32> -> vector<1000x128xf32>
    %get3A_46 = arith.constant 0 : index
    %get3A_47 = arith.constant 0 : index
    %get3A_48 = vector.load %arg3[%get3A_46, %get3A_47] : memref<1000x144xf32, #tpu.memory_space<vmem>>, vector<1000x144xf32>
    %slice3A_49 = vector.extract_strided_slice %get3A_48 {offsets = [0, 0], sizes = [1000, 128], strides = [1, 1]} : vector<1000x144xf32> to vector<1000x128xf32>
    %mul3A_50 = arith.mulf %dot_general3A_40, %slice3A_49 : vector<1000x128xf32>
    %add3A_51 = arith.addf %add3A, %mul3A_50 : vector<1000x128xf32>
    %div3A = arith.divf %add3A_51, %dot_general3A_45 : vector<1000x128xf32>
    %get3A_52 = arith.constant 0 : index
    %get3A_53 = arith.constant 0 : index
    %get3A_54 = vector.load %arg6[%get3A_52, %get3A_53] : memref<1x128xf32, #tpu.memory_space<vmem>>, vector<1x128xf32>
    %add3A_55 = vector.broadcast %get3A_54 : vector<1x128xf32> to vector<1000x128xf32>
    %add3A_56 = arith.addf %div3A, %add3A_55 : vector<1000x128xf32>
    %max3A = arith.constant 0.000000e+00 : f32
    %max3A_57 = vector.broadcast %max3A : f32 to vector<1000x128xf32>
    %max3A_58 = arith.maximumf %add3A_56, %max3A_57 : vector<1000x128xf32>
    %swap3A = arith.constant 0 : index
    %swap3A_59 = arith.constant 0 : index
    %swap3A_60 = vector.load %arg8[%swap3A, %swap3A_59] : memref<1000x128xf32, #tpu.memory_space<vmem>>, vector<1000x128xf32>
    tpu.vector_store %arg8[%swap3A, %swap3A_59], %max3A_58 {strides = array<i32>} : memref<1000x128xf32, #tpu.memory_space<vmem>>, vector<1000x128xf32>,
    %reduce_sum3A = arith.constant dense<0.000000e+00> : vector<128xf32>
    %reduce_sum3A_61 = vector.multi_reduction <add>, %max3A_58, %reduce_sum3A [0] : vector<1000x128xf32> to vector<128xf32>
    %broadcast_in_dim3A = vector.shape_cast %reduce_sum3A_61 : vector<128xf32> to vector<1x128xf32>
    %mul3A_62 = arith.mulf %max3A_58, %max3A_58 : vector<1000x128xf32>
    %reduce_sum3A_63 = arith.constant dense<0.000000e+00> : vector<128xf32>
    %reduce_sum3A_64 = vector.multi_reduction <add>, %mul3A_62, %reduce_sum3A_63 [0] : vector<1000x128xf32> to vector<128xf32>
    %broadcast_in_dim3A_65 = vector.shape_cast %reduce_sum3A_64 : vector<128xf32> to vector<1x128xf32>
    %concatenate3A = tpu.concatenate %broadcast_in_dim3A, %broadcast_in_dim3A_65 in 0 : vector<1x128xf32>, vector<1x128xf32> -> vector<2x128xf32>
    %eq3A = arith.constant 0 : i32
    %eq3A_66 = arith.cmpi eq, %arg0, %eq3A : i32
    %convert_element_type3A = arith.extui %eq3A_66 : i1 to i32
    %cond3A = arith.constant 0 : i32
    %cond3A_67 = arith.cmpi ne, %convert_element_type3A, %cond3A : i32
    scf.if %cond3A_67 {
      %swap3A_78 = arith.constant 0 : index
      %swap3A_79 = arith.constant 0 : index
      %swap3A_80 = vector.load %arg10[%swap3A_78, %swap3A_79] : memref<2x128xf32, #tpu.memory_space<vmem>>, vector<2x128xf32>
      tpu.vector_store %arg10[%swap3A_78, %swap3A_79], %concatenate3A {strides = array<i32>} : memref<2x128xf32, #tpu.memory_space<vmem>>, vector<2x128xf32>,
    } else {
    }
    %gt3A = arith.constant 0 : i32
    %gt3A_68 = arith.cmpi sgt, %arg0, %gt3A : i32
    %convert_element_type3A_69 = arith.extui %gt3A_68 : i1 to i32
    %cond3A_70 = arith.constant 0 : i32
    %cond3A_71 = arith.cmpi ne, %convert_element_type3A_69, %cond3A_70 : i32
    scf.if %cond3A_71 {
      %get3A_78 = arith.constant 0 : index
      %get3A_79 = arith.constant 0 : index
      %get3A_80 = vector.load %arg10[%get3A_78, %get3A_79] : memref<2x128xf32, #tpu.memory_space<vmem>>, vector<2x128xf32>
      %add3A_81 = arith.addf %get3A_80, %concatenate3A : vector<2x128xf32>
      %swap3A_82 = arith.constant 0 : index
      %swap3A_83 = arith.constant 0 : index
      %swap3A_84 = vector.load %arg10[%swap3A_82, %swap3A_83] : memref<2x128xf32, #tpu.memory_space<vmem>>, vector<2x128xf32>
      tpu.vector_store %arg10[%swap3A_82, %swap3A_83], %add3A_81 {strides = array<i32>} : memref<2x128xf32, #tpu.memory_space<vmem>>, vector<2x128xf32>,
    } else {
    }
    %get3A_72 = arith.constant 0 : index
    %get3A_73 = arith.constant 0 : index
    %get3A_74 = vector.load %arg10[%get3A_72, %get3A_73] : memref<2x128xf32, #tpu.memory_space<vmem>>, vector<2x128xf32>
    %swap3A_75 = arith.constant 0 : index
    %swap3A_76 = arith.constant 0 : index
    %swap3A_77 = vector.load %arg9[%swap3A_75, %swap3A_76] : memref<2x128xf32, #tpu.memory_space<vmem>>, vector<2x128xf32>
    tpu.vector_store %arg9[%swap3A_75, %swap3A_76], %get3A_74 {strides = array<i32>} : memref<2x128xf32, #tpu.memory_space<vmem>>, vector<2x128xf32>,
    return
  }
  func.func @transform_0(%arg0: i32) -> (i32, i32, i32) {
    %c0_i32 = arith.constant 0 : i32
    %c0_i32_0 = arith.constant 0 : i32
    %c0_i32_1 = arith.constant 0 : i32
    return %c0_i32, %arg0, %c0_i32_0 : i32, i32, i32
  }
  func.func @transform_1(%arg0: i32) -> (i32, i32, i32) {
    %c1_i32 = arith.constant 1 : i32
    %c0_i32 = arith.constant 0 : i32
    %c0_i32_0 = arith.constant 0 : i32
    return %c1_i32, %arg0, %c0_i32 : i32, i32, i32
  }
  func.func @transform_2(%arg0: i32) -> (i32, i32) {
    %c0_i32 = arith.constant 0 : i32
    %c0_i32_0 = arith.constant 0 : i32
    return %arg0, %c0_i32 : i32, i32
  }
  func.func @transform_3(%arg0: i32) -> (i32, i32) {
    %c0_i32 = arith.constant 0 : i32
    %c0_i32_0 = arith.constant 0 : i32
    return %arg0, %c0_i32 : i32, i32
  }
  func.func @transform_4(%arg0: i32) -> (i32, i32) {
    %c0_i32 = arith.constant 0 : i32
    %c0_i32_0 = arith.constant 0 : i32
    %c0_i32_1 = arith.constant 0 : i32
    return %c0_i32, %c0_i32_0 : i32, i32
  }
  func.func @transform_5(%arg0: i32) -> (i32, i32) {
    %c0_i32 = arith.constant 0 : i32
    %c0_i32_0 = arith.constant 0 : i32
    %c0_i32_1 = arith.constant 0 : i32
    return %c0_i32, %c0_i32_0 : i32, i32
  }
  func.func @transform_6(%arg0: i32) -> (i32, i32) {
    %c0_i32 = arith.constant 0 : i32
    %c0_i32_0 = arith.constant 0 : i32
    %c0_i32_1 = arith.constant 0 : i32
    return %c0_i32, %c0_i32_0 : i32, i32
  }
  func.func @transform_7(%arg0: i32) -> (i32, i32) {
    %c0_i32 = arith.constant 0 : i32
    %c0_i32_0 = arith.constant 0 : i32
    return %arg0, %c0_i32 : i32, i32
  }
  func.func @transform_8(%arg0: i32) -> (i32, i32) {
    %c0_i32 = arith.constant 0 : i32
    %c0_i32_0 = arith.constant 0 : i32
    %c0_i32_1 = arith.constant 0 : i32
    return %c0_i32, %c0_i32_0 : i32, i32
  }
}

module attributes {stable_mosaic.version = 14 : i64} {
  func.func @_k3_body(%arg0: i32, %arg1: memref<1000x128xf32, #tpu.memory_space<vmem>>, %arg2: memref<2x128xf32, #tpu.memory_space<vmem>>, %arg3: memref<1x128xf32, #tpu.memory_space<vmem>>, %arg4: memref<1x128xf32, #tpu.memory_space<vmem>>, %arg5: memref<1000x128xf32, #tpu.memory_space<vmem>>) attributes {dimension_semantics = [#tpu.dimension_semantics<arbitrary>], iteration_bounds = array<i64: 10>, scalar_prefetch = 0 : i64, scratch_operands = 0 : i64, tpu.core_type = #tpu.core_type<tc>, window_params = [{transform_indices = @transform_0, window_bounds = array<i64: 1000, 128>}, {pipeline_mode = #tpu.pipeline_mode<synchronous>, transform_indices = @transform_1, window_bounds = array<i64: 2, 128>}, {pipeline_mode = #tpu.pipeline_mode<synchronous>, transform_indices = @transform_2, window_bounds = array<i64: 1, 128>}, {pipeline_mode = #tpu.pipeline_mode<synchronous>, transform_indices = @transform_3, window_bounds = array<i64: 1, 128>}, {transform_indices = @transform_4, window_bounds = array<i64: 1000, 128>}]} {
    %get3A = arith.constant 0 : index
    %get3A_0 = arith.constant 0 : index
    %get3A_1 = vector.load %arg2[%get3A, %get3A_0] : memref<2x128xf32, #tpu.memory_space<vmem>>, vector<2x128xf32>
    %slice3A = vector.extract_strided_slice %get3A_1 {offsets = [0, 0], sizes = [1, 128], strides = [1, 1]} : vector<2x128xf32> to vector<1x128xf32>
    %mul3A = arith.constant 9.99999974E-5 : f32
    %mul3A_2 = vector.broadcast %mul3A : f32 to vector<1x128xf32>
    %mul3A_3 = arith.mulf %slice3A, %mul3A_2 : vector<1x128xf32>
    %slice3A_4 = vector.extract_strided_slice %get3A_1 {offsets = [1, 0], sizes = [1, 128], strides = [1, 1]} : vector<2x128xf32> to vector<1x128xf32>
    %mul3A_5 = arith.constant 9.99999974E-5 : f32
    %mul3A_6 = vector.broadcast %mul3A_5 : f32 to vector<1x128xf32>
    %mul3A_7 = arith.mulf %slice3A_4, %mul3A_6 : vector<1x128xf32>
    %mul3A_8 = arith.mulf %mul3A_3, %mul3A_3 : vector<1x128xf32>
    %sub3A = arith.subf %mul3A_7, %mul3A_8 : vector<1x128xf32>
    %add3A = arith.constant 9.99999974E-6 : f32
    %add3A_9 = vector.broadcast %add3A : f32 to vector<1x128xf32>
    %add3A_10 = arith.addf %sub3A, %add3A_9 : vector<1x128xf32>
    %rsqrt3A = math.rsqrt %add3A_10 : vector<1x128xf32>
    %get3A_11 = arith.constant 0 : index
    %get3A_12 = arith.constant 0 : index
    %get3A_13 = vector.load %arg3[%get3A_11, %get3A_12] : memref<1x128xf32, #tpu.memory_space<vmem>>, vector<1x128xf32>
    %mul3A_14 = arith.mulf %rsqrt3A, %get3A_13 : vector<1x128xf32>
    %get3A_15 = arith.constant 0 : index
    %get3A_16 = arith.constant 0 : index
    %get3A_17 = vector.load %arg1[%get3A_15, %get3A_16] : memref<1000x128xf32, #tpu.memory_space<vmem>>, vector<1000x128xf32>
    %sub3A_18 = vector.broadcast %mul3A_3 : vector<1x128xf32> to vector<1000x128xf32>
    %sub3A_19 = arith.subf %get3A_17, %sub3A_18 : vector<1000x128xf32>
    %mul3A_20 = vector.broadcast %mul3A_14 : vector<1x128xf32> to vector<1000x128xf32>
    %mul3A_21 = arith.mulf %sub3A_19, %mul3A_20 : vector<1000x128xf32>
    %get3A_22 = arith.constant 0 : index
    %get3A_23 = arith.constant 0 : index
    %get3A_24 = vector.load %arg4[%get3A_22, %get3A_23] : memref<1x128xf32, #tpu.memory_space<vmem>>, vector<1x128xf32>
    %add3A_25 = vector.broadcast %get3A_24 : vector<1x128xf32> to vector<1000x128xf32>
    %add3A_26 = arith.addf %mul3A_21, %add3A_25 : vector<1000x128xf32>
    %swap3A = arith.constant 0 : index
    %swap3A_27 = arith.constant 0 : index
    %swap3A_28 = vector.load %arg5[%swap3A, %swap3A_27] : memref<1000x128xf32, #tpu.memory_space<vmem>>, vector<1000x128xf32>
    tpu.vector_store %arg5[%swap3A, %swap3A_27], %add3A_26 {strides = array<i32>} : memref<1000x128xf32, #tpu.memory_space<vmem>>, vector<1000x128xf32>,
    return
  }
  func.func @transform_0(%arg0: i32) -> (i32, i32) {
    %c0_i32 = arith.constant 0 : i32
    %c0_i32_0 = arith.constant 0 : i32
    return %arg0, %c0_i32 : i32, i32
  }
  func.func @transform_1(%arg0: i32) -> (i32, i32) {
    %c0_i32 = arith.constant 0 : i32
    %c0_i32_0 = arith.constant 0 : i32
    %c0_i32_1 = arith.constant 0 : i32
    return %c0_i32, %c0_i32_0 : i32, i32
  }
  func.func @transform_2(%arg0: i32) -> (i32, i32) {
    %c0_i32 = arith.constant 0 : i32
    %c0_i32_0 = arith.constant 0 : i32
    %c0_i32_1 = arith.constant 0 : i32
    return %c0_i32, %c0_i32_0 : i32, i32
  }
  func.func @transform_3(%arg0: i32) -> (i32, i32) {
    %c0_i32 = arith.constant 0 : i32
    %c0_i32_0 = arith.constant 0 : i32
    %c0_i32_1 = arith.constant 0 : i32
    return %c0_i32, %c0_i32_0 : i32, i32
  }
  func.func @transform_4(%arg0: i32) -> (i32, i32) {
    %c0_i32 = arith.constant 0 : i32
    %c0_i32_0 = arith.constant 0 : i32
    return %arg0, %c0_i32 : i32, i32
  }
}

</mosaic_0001>

<sc_bundles>
// kernel: kernel.6.cloned.1.call-start
scs
__scs_entry_jumppad:
0x0: {  	(pc) =	sbr.rel $0x88, $3  }
0x1: {  	(tag) =	ssettag $0x0;
	lr =	simm.s32 $0x1  }
0x2: {  	[smem:$0x3F99] =	sst lr;
	_ =	strace $0xD0000000  }
0x3: {  	_ = 	snop  }
0x4: {  	_ = 	snop  }
0x5: {  	_ = 	snop  }
0x6: {  	_ = 	snop  }
0x7: {  	_ = 	snop  }
__scs_overlays_trampoline_lowered:
0x8: {  	[smem:$0x3FA8] =	sst s0  }
0x9: {  	[smem:$0x3FA9] =	sst s1  }
0xa: {  	[smem:$0x3FAA] =	sst s2  }
0xb: {  	[smem:$0x3FAB] =	sst s3  }
0xc: {  	[smem:$0x3FAC] =	sst s4  }
0xd: {  	[smem:$0x3FAD] =	sst s5  }
0xe: {  	[smem:$0x3FAE] =	sst s6  }
0xf: {  	[smem:$0x3FAF] =	sst s7  }
0x10: {  	[smem:$0x3FB0] =	sst s8  }
0x11: {  	[smem:$0x3FB1] =	sst s9;
	s0 =	simm.s32 @!p0 $0x0  }
0x12: {  	s1 =	sld [smem:$0x3F97];
	s0 =	simm.s32 @p0 $0x1  }
0x13: {  	[smem:$0x3FB2] =	sst s0;
	s0 =	simm.s32 @!p1 $0x0  }
0x14: {  	s2 =	sld [smem:$0x3F96];
	s0 =	simm.s32 @p1 $0x1  }
0x15: {  	[smem:$0x3FB3] =	sst s0;
	s0 =	simm.s32 @!p2 $0x0  }
0x16: {  	s3 =	sld [smem:$0x3FDB];
	s0 =	simm.s32 @p2 $0x1  }
0x17: {  	s4 =	simm.s32 $0x1BF5;
	[smem:$0x3FB5] =	sst s0  }
0x18: {  	s0 =	sld [smem:$0x3F98];
	_ =	swait.ge [sflag:s4], $0x0  }
0x19: {  	s7 =	sld [smem:$0x3F99]  }
0x1a: {  	s8 =	sadd.s32 $0xFFFFE003, lr  }
0x1b: {  	s9 =	sadd.s32 $0xFFFFFEF7, lr;
	s5 =	simm.s32 $0xFFFFFFFF;
	p2 =	slt.u32 s8, $0xFFFFF086  }
0x1c: {  	p1 =	slt.u32 s9, $0xF7A;
	s5 =	simm.s32 @!p2 $0x0  }
0x1d: {  	s5 =	simm.s32 @p1 $0x1;
	p0 =	seq.s32 s7, s2  }
0x1e: {  	s7 =	smul.u32 @!p0 $0xF7A, s2;
	p2 =	seq.s32 @!p0 s5, $0x0  }
0x1f: {  	s9 =	smul.u32 $0xF7A, s1;
	s8 =	simm.s32 @!p0 $0x1BF5;
	p2 =	por !p2, p0  }
0x20: {  	[sflag:s8] =	ssyncset.s32 @!p0 $0xFFFFF086;
	s6 =	sadd.s32 @!p0 s3, s7;
	s7 =	simm.s32 @!p0 $0x108  }
0x21: {  	s3 =	sadd.s32 s3, s9;
	s6 =	sadd.s32 @!p0 $0x88, s6;
	s7 =	simm.s32 @p2 $0x1082  }
0x22: {  	[simem:s7], [sflag:s8] =	dma.local @!p0 [hbm:s6], $0xF7A  }
0x23: {  	s9 =	sor.u32 $0xD0000000, s2;
	s6 =	simm.s32 $0x108;
	_ =	swait.ge @!p0 [sflag:s8], $0x0  }
0x24: {  	s3 =	sadd.s32 $0x88, s3;
	s6 =	simm.s32 @!p1 $0x1082;
	[sflag:s4] =	ssyncset.s32 $0xFFFFF086  }
0x25: {  	[simem:s6], [sflag:s4] =	dma.local [hbm:s3], $0xF7A  }
0x26: {  	[smem:$0x3F99] =	sst s1;
	(tag) =	ssettag s2;
	_ =	strace s9  }
0x27: {  	s1 =	sld [smem:$0x3FA9]  }
0x28: {  	s2 =	sld [smem:$0x3FAA]  }
0x29: {  	s4 =	sld [smem:$0x3FAC]  }
0x2a: {  	p0 =	seq.s32 s5, $0x0;
	s5 =	sld [smem:$0x3FAD]  }
0x2b: {  	s6 =	sld [smem:$0x3FAE]  }
0x2c: {  	s7 =	sld [smem:$0x3FAF]  }
0x2d: {  	s3 =	simm.s32 $0x108;
	s8 =	sld [smem:$0x3FB0]  }
0x2e: {  	s3 =	simm.s32 @!p0 $0x1082;
	s9 =	sld [smem:$0x3FB1]  }
0x2f: {  	lr =	sadd.s32 s0, s3;
	s0 =	sld [smem:$0x3FA8]  }
0x30: {  	s3 =	sld [smem:$0x3FAB]  }
0x31: {  	[smem:$0x3FB4] =	sst s10  }
0x32: {  	s10 =	sld [smem:$0x3FB2];
	_ =	sdelay $0x3  }
0x33: {  	p0 =	seq.s32 s10, $0x1;
	s10 =	sld [smem:$0x3FB4];
	_ =	sdelay $0x3  }
0x34: {  	[smem:$0x3FB4] =	sst s10  }
0x35: {  	s10 =	sld [smem:$0x3FB3];
	_ =	sdelay $0x3  }
0x36: {  	p1 =	seq.s32 s10, $0x1;
	s10 =	sld [smem:$0x3FB4];
	_ =	sdelay $0x3  }
0x37: {  	[smem:$0x3FB4] =	sst s10  }
0x38: {  	s10 =	sld [smem:$0x3FB5]  }
0x39: {  	_ = 	snop;
	(pc) =	sbr.ind lr, $3  }
0x3a: {  	_ = 	snop  }
0x3b: {  	_ = 	snop  }
0x3c: {  	p2 =	seq.s32 s10, $0x1;
	s10 =	sld [smem:$0x3FB4]  }
0x3d: {  	_ =	shalt  }
0x3e: {  	_ =	shalt  }
0x3f: {  	_ =	shalt  }
0x40: {  	_ =	shalt  }
0x41: {  	_ =	shalt  }
0x42: {  	_ =	shalt  }
0x43: {  	_ =	shalt  }
0x44: {  	_ =	shalt  }
0x45: {  	_ =	shalt  }
0x46: {  	_ =	shalt  }
0x47: {  	_ =	shalt  }
0x48: {  	_ =	shalt  }
0x49: {  	_ =	shalt  }
0x4a: {  	_ =	shalt  }
0x4b: {  	_ =	shalt  }
0x4c: {  	_ =	shalt  }
0x4d: {  	_ =	shalt  }
0x4e: {  	_ =	shalt  }
0x4f: {  	_ =	shalt  }
0x50: {  	_ =	shalt  }
0x51: {  	_ =	shalt  }
0x52: {  	_ =	shalt  }
0x53: {  	_ =	shalt  }
0x54: {  	_ =	shalt  }
0x55: {  	_ =	shalt  }
0x56: {  	_ =	shalt  }
0x57: {  	_ =	shalt  }
0x58: {  	_ =	shalt  }
0x59: {  	_ =	shalt  }
0x5a: {  	_ =	shalt  }
0x5b: {  	_ =	shalt  }
0x5c: {  	_ =	shalt  }
0x5d: {  	_ =	shalt  }
0x5e: {  	_ =	shalt  }
0x5f: {  	_ =	shalt  }
0x60: {  	_ =	shalt  }
0x61: {  	_ =	shalt  }
0x62: {  	_ =	shalt  }
0x63: {  	_ =	shalt  }
0x64: {  	_ =	shalt  }
0x65: {  	_ =	shalt  }
0x66: {  	_ =	shalt  }
0x67: {  	_ =	shalt  }
0x68: {  	_ =	shalt  }
0x69: {  	_ =	shalt  }
0x6a: {  	_ =	shalt  }
0x6b: {  	_ =	shalt  }
0x6c: {  	_ =	shalt  }
0x6d: {  	_ =	shalt  }
0x6e: {  	_ =	shalt  }
0x6f: {  	_ =	shalt  }
0x70: {  	_ =	shalt  }
0x71: {  	_ =	shalt  }
0x72: {  	_ =	shalt  }
0x73: {  	_ =	shalt  }
0x74: {  	_ =	shalt  }
0x75: {  	_ =	shalt  }
0x76: {  	_ =	shalt  }
0x77: {  	_ =	shalt  }
0x78: {  	_ =	shalt  }
0x79: {  	_ =	shalt  }
0x7a: {  	_ =	shalt  }
0x7b: {  	_ =	shalt  }
0x7c: {  	_ =	shalt  }
0x7d: {  	_ =	shalt  }
0x7e: {  	_ =	shalt  }
0x7f: {  	_ =	shalt  }
0x80: {  	_ =	shalt  }
0x81: {  	_ =	shalt  }
0x82: {  	_ =	shalt  }
0x83: {  	_ =	shalt  }
0x84: {  	_ =	shalt  }
0x85: {  	_ =	shalt  }
0x86: {  	_ =	shalt  }
0x87: {  	_ =	shalt  }
.Lfunc_end0:
.L_simem_size_0:
called_computation_lowered:
.L_overlay_start_0:
0x88: {  	s2 =	sld [smem:$0x3FD9]  }
0x89: {  	s3 =	sld [smem:$0x3FFE];
	_ =	sdelay $0x1  }
0x8a: {  	s1 =	srdreg.scid  }
0x8b: {  	s0 =	sand.u32 $0x1, s1  }
0x8c: {  	s17 =	sshll.u32 s0, $0xA;
	s2 =	sadd.s32 s3, s2  }
0x8d: {  	s2 =	sadd.s32 s2, s17  }
0x8e: {  	[smem:$0x3FC0] =	sst s2  }
0x8f: {  	_ = 	snop  }
0x90: {  	s2 =	sld [smem:$0x3FD0];
	(tm) =	ssettm $0x1  }
0x91: {  	s18 =	sld [smem:$0x3FFB];
	_ =	sdelay $0x3  }
0x92: {  	_ =	strace s18  }
0x93: {  	s3 =	sld [smem:$0x3FFC];
	_ =	sdelay $0x3  }
0x94: {  	_ =	strace s3  }
0x95: {  	s3 =	sld [smem:$0x3FFD];
	_ =	sdelay $0x3  }
0x96: {  	_ =	strace s3  }
0x97: {  	_ =	strace $0x8FFFFFFF  }
0x98: {  	s19 =	sld [smem:$0x3FDB];
	_ =	sdelay $0x1  }
0x99: {  	s4 =	simm.s32 $_scs_section_size  }
0x9a: {  	s5 =	simm.s32 $_size__tile_overlayer_lowered;
	s6 =	simm.s32 $_tile_overlayer_lowered  }
0x9b: {  	s22 =	simm.s32 $0x1BFF;
	s21 =	sshll.u32 s6, $0x1;
	s3 =	sadd.s32 s4, s19  }
0x9c: {  	s7 =	simm.s32 $0x0;
	s20 =	sshll.u32 s5, $0x1;
	s5 =	sadd.s32 s21, s3  }
0x9d: {  	[timem:s7], [sflag:s22] =	dma.local [hbm:s5], s20  }
0x9e: {  	_ =	swait.ge [sflag:s22], s20  }
0x9f: {  	s4 =	ssub.s32 $0x0, s20;
	[sflag:s22] =	ssyncset.done $0x0  }
0xa0: {  	[sflag:s22] =	ssyncadd.s32 s4;
	_ =	sdelay $0x1  }
0xa1: {  	s23 =	simm.s32 $0x1B8B  }
0xa2: {  	_ =	swait.ge [sflag:s23], $0x1  }
0xa3: {  	[sflag:s23] =	ssyncset.done $0x0  }
0xa4: {  	s25 =	simm.s32 $0x1B8E;
	s24 =	sld [smem:$0x3FFE];
	[sflag:s23] =	ssyncadd.s32 $0xFFFFFFFF  }
0xa5: {  	s26 =	simm.s32 $execute0_lowered;
	[smem:$0x3FD2] =	sst s25  }
0xa6: {  	s5 =	sshll.u32 s26, $0x1;
	_ =	strace $0x80000046;
	[dreg:$0x1] =	wrdreg $0xFFFFFFFF  }
0xa7: {  	s28 =	simm.s32 $_size_execute0_lowered;
	s3 =	sadd.s32 s3, s5;
	[dreg:$0x0] =	wrdreg $0x0  }
0xa8: {  	s5 =	sshll.u32 s28, $0x1;
	[dreg:$0x2] =	wrdreg s3  }
0xa9: {  	[dreg:$0x3] =	wrdreg s5  }
0xaa: {  	[dreg:$0x4] =	wrdreg $0xC0  }
0xab: {  	_ =	task [dreg:s7], $0x5FFFF  }
0xac: {  	[dreg:$0x1] =	wrdreg $0xFFFFFFFF  }
0xad: {  	[dreg:$0x0] =	wrdreg $0x60  }
0xae: {  	[dreg:$0x2] =	wrdreg s24  }
0xaf: {  	[dreg:$0x3] =	wrdreg s2  }
0xb0: {  	[dreg:$0x4] =	wrdreg $0x23500  }
0xb1: {  	[dreg:$0x5] =	wrdreg $0x9  }
0xb2: {  	_ =	task.clear_ibuf [dreg:s7], $0x6FFFF;
	_ =	strace $0x90000046  }
0xb3: {  	s29 =	simm.s32 $0x9;
	_ =	strace $0x80000048  }
0xb4: {  	_ =	swait.ge [sflag:s29], $0x1  }
0xb5: {  	[sflag:s29] =	ssyncadd.s32 $0xFFFFFFFF  }
0xb6: {  	_ =	strace $0x90000048  }
0xb7: {  	_ =	sfence  }
0xb8: {  	s30 =	sld [smem:$0x0];
	_ =	sdelay $0x2  }
0xb9: {  	s31 =	sshll.u32 s1, $0xD;
	s1 =	sshrl.u32 s1, $0x2  }
0xba: {  	s3 =	sand.u32 $0x4000, s31;
	s1 =	sadd.s32 s1, s30  }
0xbb: {  	s0 =	sor.u32 s3, s0;
	s1 =	sshll.u32 s1, $0x11  }
0xbc: {  	s0 =	sor.u32 s1, s0  }
0xbd: {  	s0 =	sadd.s32 $0x8F2B, s0  }
0xbe: {  	[sflag:s0] =	ssyncadd.remote.s32 $0x1  }
0xbf: {  	_ =	sfence.sel $0xFFFF  }
0xc0: {  	[dreg:$0x0] =	wrdreg $0xFFFFFFFF;
	(pc) =	sbr.abs _section_cstart, $3  }
0xc1: {  	[dreg:$0x1] =	wrdreg $0xFFFFFFFF  }
0xc2: {  	_ =	task.clear_ibuf [dreg:s7], $0x2FFFF;
	_ =	strace $0x9FFFFFFF  }
0xc3: {  	(tm) =	ssettm $0x7FFFFFFF  }
tec
execute0_lowered:
.L_overlay_start_1:
0x0: {  	(tag) =	ssettag $0x1  }
0x1: {  	s0 =	rddreg [dreg:$0x0]  }
0x2: {  	s2 =	rddreg [dreg:$0x2]  }
0x3: {  	s1 =	simm.s32 $0x0;
	s20 =	srdreg.scid;
	s7 =	stileid.u32  }
0x4: {  	s13 =	simm.s32 $0x22B0;
	s14 =	simm.s32 $0x22C0;
	s28 =	simm.s32 $0x1  }
0x5: {  	s29 =	simm.s32 $0x2;
	[smem:$0x7FF] =	sst s1;
	s16 =	sadd.s32 $0x10000, s0  }
0x6: {  	s17 =	sadd.s32 $0x1000, s0;
	_ =	strace $0x80000047;
	[dreg:$0x4] =	wrdreg s16  }
0x7: {  	s30 =	simm.s32 $0x19B0;
	s18 =	sadd.s32 $0xB000, s0;
	[dreg:$0x13] =	wrdreg s17  }
0x8: {  	s19 =	sadd.s32 $0xAE00, s0;
	s3 =	sadd.s32 $0x3C000, s0;
	[dreg:$0x5] =	wrdreg s18  }
0x9: {  	s1 =	sand.u32 $0x1, s20;
	s5 =	smul.u32 $0x15F90, s7;
	[dreg:$0x14] =	wrdreg s19  }
0xa: {  	s0 =	sadd.s32 $0x3CA00, s0;
	s20 =	simm.s32 $0x22E8;
	[dreg:$0x15] =	wrdreg s3  }
0xb: {  	s21 =	ssub.s32 $0x2, s1;
	s4 =	sshll.u32 s1, $0x4;
	[dreg:$0x6] =	wrdreg s13  }
0xc: {  	s1 =	smul.u32 $0x15F900, s1;
	[dreg:$0x7] =	wrdreg s14;
	s16 =	simm.s32 $0x22D8  }
0xd: {  	s17 =	simm.s32 $0x1A40;
	s18 =	simm.s32 $0x22E0;
	s19 =	simm.s32 $0x1AD0  }
0xe: {  	[dreg:$0xc] =	wrdreg s20;
	s20 =	simm.s32 $0x2310;
	s13 =	simm.s32 $0x1FE0  }
0xf: {  	s14 =	simm.s32 $0x2330;
	s6 =	sshrl.u32 s21, $0x1;
	[dreg:$0x8] =	wrdreg s16  }
0x10: {  	s4 =	sor.u32 s7, s4;
	s22 =	sadd.s32 s5, s2;
	[dreg:$0x9] =	wrdreg s17  }
0x11: {  	s23 =	sadd.s32 $0x4650, s5;
	s24 =	sadd.s32 $0x8CA0, s5;
	[dreg:$0xa] =	wrdreg s18  }
0x12: {  	s31 =	sadd.s32 $0xD2F0, s5;
	s9 =	sadd.s32 $0x11940, s5;
	[dreg:$0xb] =	wrdreg s19  }
0x13: {  	s16 =	simm.s32 $0x2338;
	s17 =	simm.s32 $0x2100;
	s18 =	simm.s32 $0x2340  }
0x14: {  	s19 =	simm.s32 $0x2190;
	s7 =	simm.s32 $0x2348;
	s3 =	ssub.s32 s21, s6  }
0x15: {  	s4 =	smul.u32 $0x2710, s4;
	[dreg:$0x17] =	wrdreg s22;
	s25 =	sadd.s32 s23, s2  }
0x16: {  	s26 =	sadd.s32 s24, s2;
	s8 =	sadd.s32 s31, s2;
	s5 =	sadd.s32 s5, s1  }
0x17: {  	s10 =	sadd.s32 s9, s2;
	s11 =	sadd.s32 s1, s24;
	[dreg:$0x18] =	wrdreg s25  }
0x18: {  	s15 =	sadd.s32 s1, s31;
	s21 =	simm.s32 $0x1B60;
	[dreg:$0x19] =	wrdreg s26  }
0x19: {  	s24 =	simm.s32 $0x1BF0;
	s31 =	simm.s32 $0x2300;
	[dreg:$0x1a] =	wrdreg s8  }
0x1a: {  	s6 =	simm.s32 $0x2318;
	[dreg:$0x1b] =	wrdreg s10;
	s5 =	sshrl.u32 s5, $0x3  }
0x1b: {  	s12 =	sshrl.u32 s11, $0x3;
	s22 =	smax.u32 s3, $0x1;
	[dreg:$0xd] =	wrdreg s21  }
0x1c: {  	s21 =	simm.s32 $0x3;
	[dreg:$0xf] =	wrdreg s24;
	s25 =	simm.s32 $0x22F8  }
0x1d: {  	s26 =	simm.s32 $0x1C80;
	s24 =	simm.s32 $0x10;
	[dreg:$0x12] =	wrdreg s31  }
0x1e: {  	s3 =	simm.s32 $0x1DA0;
	s10 =	simm.s32 $0x2320;
	[dreg:$0x16] =	wrdreg s4  }
0x1f: {  	v0 =	vimm.f32 $0.0e+00;
	v5 =	vlaneseq.u32;
	s11 =	simm.s32 $0x1F50;
	s4 =	sadd.s32 s1, s23;
	[smem:$0x7FD] =	sst s22  }
0x20: {  	v1 =	vimm.s32 $0x0;
	v2 =	vimm.s32 $0x1;
	v3 =	vimm.s32 $0x2;
	s5 =	sadd.s32 s0, s5;
	s1 =	sadd.s32 s1, s9;
	[dreg:$0x10] =	wrdreg s25  }
0x21: {  	v4 =	vimm.s32 $0x3;
	v14 =	vimm.s32 $0x4;
	v15 =	vimm.s32 $0x5;
	s23 =	simm.s32 $0x22F0;
	[dreg:$0x11] =	wrdreg s26;
	s25 =	simm.s32 $0x10B0  }
0x22: {  	v16 =	vimm.s32 $0x6;
	v17 =	vimm.s32 $0x7;
	v18 =	vimm.s32 $0x8;
	s26 =	simm.s32 $0xFA0;
	s9 =	simm.s32 $0x1EC0;
	[dreg:$0x1c] =	wrdreg s5  }
0x23: {  	v19 =	vimm.s32 $0x9;
	v20 =	vimm.s32 $0xA;
	v21 =	vimm.s32 $0xB;
	s4 =	sshrl.u32 s4, $0x3;
	s5 =	sshrl.u32 s15, $0x3;
	s1 =	sshrl.u32 s1, $0x3  }
0x24: {  	v22 =	vimm.s32 $0xC;
	v12 =	vmul.u32 $0x90, v5;
	v13 =	vmul.u32 $0x10, v5;
	[dreg:$0xe] =	wrdreg s23;
	s23 =	simm.s32 $0x22D0;
	s4 =	sadd.s32 s0, s4  }
0x25: {  	v23 =	vimm.s32 $0xD;
	v24 =	vimm.s32 $0xE;
	v25 =	vimm.s32 $0xF;
	s15 =	simm.s32 $0x2070;
	s5 =	sadd.s32 s0, s5;
	[dreg:$0x1d] =	wrdreg s4  }
0x26: {  	v5 =	vmul.u32 $0x8, v5;
	v6 =	vadd.s32 $0x80, v12;
	v7 =	vor.u32 $0x4, v13;
	s4 =	sadd.s32 s0, s12;
	[dreg:$0x1f] =	wrdreg s5;
	s0 =	sadd.s32 s0, s1  }
0x27: {  	v8 =	vadd.s32 $0x81, v12;
	v9 =	vor.u32 $0x5, v13;
	v10 =	vadd.s32 $0x82, v12;
	s5 =	simm.s32 $0x1E30;
	s12 =	simm.s32 $0x2328;
	[dreg:$0x1e] =	wrdreg s4  }
0x28: {  	v11 =	vor.u32 $0x6, v13;
	v12 =	vadd.s32 $0x83, v12;
	v13 =	vor.u32 $0x7, v13;
	s1 =	simm.s32 $0x2220;
	[smem:$0x7FC] =	sst s0;
	s4 =	simm.s32 $0x0  }
.LBB2_1:
0x29: {  	[smem:$0x7F5] =	sst s4  }
0x2a: {  	s0 =	simm.s32 $0x0;
	s31 =	rddreg [dreg:$0x14];
	s8 =	simm.s32 $0x10A0  }
0x2b: {  	[tilespmem:s8], [sflag:$0x3] =	stream.linear.gather [hbm4b:s31+s0], $0x10, $0x38;
	[tilespmem:$0x182E0] =	vst v63  }
0x2c: {  	s4 =	stileid.u32;
	_ =	swait.ge [sflag:s21], $0x10  }
0x2d: {  	s8 =	sshll.u32 s4, $0x6;
	s22 =	rddreg [dreg:$0x17]  }
0x2e: {  	[sflag:s21] =	ssyncset.done $0x0;
	s0 =	rddreg [dreg:$0x15];
	s31 =	sshrl.u32 s22, $0x3  }
0x2f: {  	s8 =	sor.u32 $0x1C03, s8;
	[sflag:s21] =	ssyncadd.s32 $0xFFFFFFF0;
	[smem:$0x7F6] =	sst s31  }
0x30: {  	[spmem:s31], [sflag:s8] =	dma.local [hbm:s0], $0x8CA  }
0x31: {  	_ =	swait.ge [sflag:s21], $0x8CA  }
0x32: {  	s22 =	rddreg [dreg:$0x18]  }
0x33: {  	[sflag:s21] =	ssyncset.done $0x0;
	s4 =	sshrl.u32 s22, $0x3  }
0x34: {  	[sflag:s21] =	ssyncadd.s32 $0xFFFFF736;
	[smem:$0x7F7] =	sst s4  }
0x35: {  	[spmem:s4], [sflag:s8] =	dma.local [hbm:s0], $0x8CA  }
0x36: {  	_ =	swait.ge [sflag:s21], $0x8CA  }
0x37: {  	s31 =	rddreg [dreg:$0x19]  }
0x38: {  	[sflag:s21] =	ssyncset.done $0x0;
	s4 =	sshrl.u32 s31, $0x3  }
0x39: {  	[sflag:s21] =	ssyncadd.s32 $0xFFFFF736;
	[smem:$0x7F8] =	sst s4  }
0x3a: {  	[spmem:s4], [sflag:s8] =	dma.local [hbm:s0], $0x8CA  }
0x3b: {  	_ =	swait.ge [sflag:s21], $0x8CA  }
0x3c: {  	s22 =	rddreg [dreg:$0x1a]  }
0x3d: {  	[sflag:s21] =	ssyncset.done $0x0;
	s4 =	sshrl.u32 s22, $0x3  }
0x3e: {  	[sflag:s21] =	ssyncadd.s32 $0xFFFFF736;
	[smem:$0x7F9] =	sst s4  }
0x3f: {  	[spmem:s4], [sflag:s8] =	dma.local [hbm:s0], $0x8CA  }
0x40: {  	_ =	swait.ge [sflag:s21], $0x8CA  }
0x41: {  	s31 =	rddreg [dreg:$0x1b]  }
0x42: {  	[sflag:s21] =	ssyncset.done $0x0;
	[smem:$0x7FA] =	sst s8;
	s4 =	sshrl.u32 s31, $0x3  }
0x43: {  	[sflag:s21] =	ssyncadd.s32 $0xFFFFF736;
	[smem:$0x7FB] =	sst s4  }
0x44: {  	[spmem:s4], [sflag:s8] =	dma.local [hbm:s0], $0x8CA  }
0x45: {  	_ =	swait.ge [sflag:s21], $0x8CA  }
0x46: {  	[sflag:s21] =	ssyncset.done $0x0  }
0x47: {  	[sflag:s21] =	ssyncadd.s32 $0xFFFFF736  }
0x48: {  	[tilespmem:$0x1A30] =	vst v0  }
0x49: {  	[tilespmem:$0x1AC0] =	vst v0  }
0x4a: {  	[tilespmem:$0x1B50] =	vst v0  }
0x4b: {  	[tilespmem:$0x1BE0] =	vst v0  }
0x4c: {  	[tilespmem:$0x1C70] =	vst v0  }
0x4d: {  	[tilespmem:$0x1D00] =	vst v0  }
0x4e: {  	[tilespmem:$0x1D90] =	vst v0  }
0x4f: {  	[tilespmem:$0x1E20] =	vst v0  }
0x50: {  	[tilespmem:$0x1EB0] =	vst v0  }
0x51: {  	[tilespmem:$0x1F40] =	vst v0  }
0x52: {  	[tilespmem:$0x1FD0] =	vst v0  }
0x53: {  	[tilespmem:$0x2060] =	vst v0  }
0x54: {  	[tilespmem:$0x20F0] =	vst v0  }
0x55: {  	[tilespmem:$0x2180] =	vst v0  }
0x56: {  	[tilespmem:$0x2210] =	vst v0  }
0x57: {  	[tilespmem:$0x22A0] =	vst v0  }
0x58: {  	[bflag:$0x0] =	sbarrier.arrive $0xFFFF  }
0x59: {  	v29 =	vld [tilespmem:$0x10A0];
	_ =	sdelay $0x4  }
0x5a: {  	v26 =	vperm.xlane v29, v1;
	v27 =	vperm.xlane v29, v2  }
0x5b: {  	s0 =	simm.s32 $0x0;
	v28 =	vperm.xlane v29, v3;
	v29 =	vperm.xlane v29, v4  }
.LBB2_2:
0x5c: {  	s4 =	smul.u32 $0x7D0, s0  }
0x5d: {  	s31 =	rddreg [dreg:$0x16]  }
0x5e: {  	s4 =	sadd.s32 s31, s4  }
0x5f: {  	s8 =	sshrl.u32 s4, $0x3;
	s4 =	rddreg [dreg:$0x13]  }
0x60: {  	[smem:$0x7F4] =	sst s0;
	s22 =	sadd.s32 s4, s8;
	s4 =	simm.s32 $0x0  }
0x61: {  	[tilespmem:s4], [sflag:$0x3] =	stream.linear.gather [hbm4b:s22+s4], $0x7D0, $0x38;
	[tilespmem:$0x182E0] =	vst v63  }
0x62: {  	_ =	swait.ge [sflag:s21], $0x7D0  }
0x63: {  	[sflag:s21] =	ssyncset.done $0x0  }
0x64: {  	[sflag:s21] =	ssyncadd.s32 $0xFFFFF830  }
0x65: {  	s22 =	rddreg [dreg:$0x1]  }
0x66: {  	s31 =	simm.s32 $0x7D0;
	s8 =	sadd.s32 s22, s8  }
0x67: {  	[tilespmem:s31], [sflag:$0x3] =	stream.linear.gather [hbm4b:s8+s4], $0x7D0, $0x38;
	[tilespmem:$0x182E0] =	vst v63  }
0x68: {  	_ =	swait.ge [sflag:s21], $0x7D0  }
0x69: {  	[sflag:s21] =	ssyncset.done $0x0  }
0x6a: {  	[sflag:s21] =	ssyncadd.s32 $0xFFFFF830  }
.LBB2_3:
0x6b: {  	s8 =	sshra.s32 s4, $0x2  }
0x6c: {  	v30 =	vld [tilespmem:s8+$0x0]  }
0x6d: {  	v31 =	vld [tilespmem:s8+$0x7D0];
	_ =	sdelay $0x3  }
0x6e: {  	s22 =	rddreg [dreg:$0x6];
	[tilespmem:$0x22B0] =	vst v30  }
0x6f: {  	s31 =	rddreg [dreg:$0x5];
	[tilespmem:$0x22C0] =	vst v31  }
0x70: {  	s8 =	rddreg [dreg:$0x4];
	[tilespmem:v5+s23+$0x0] =	vst.idx.msk $0xffff, v31  }
0x71: {  	[tilespmem:s25], [sflag:$0x1] =	stream.indirect.gather [hbm4b:s8+s24], $0x90, s22, s24, $0xb8;
	[tilespmem:$0x182E0] =	vst v63  }
0x72: {  	s0 =	rddreg [dreg:$0x7]  }
0x73: {  	[tilespmem:s26], [sflag:$0x2] =	stream.indirect.gather [hbm4b:s31+s24], $0x10, s0, s24, $0xb8;
	[tilespmem:$0x182E0] =	vst v63  }
0x74: {  	_ =	swait.ge [sflag:s28], $0x900  }
0x75: {  	[sflag:s28] =	ssyncset.done $0x0  }
0x76: {  	[sflag:s28] =	ssyncadd.s32 $0xFFFFF700  }
0x77: {  	_ =	swait.ge [sflag:s29], $0x100  }
0x78: {  	[sflag:s29] =	ssyncset.done $0x0  }
0x79: {  	[sflag:s29] =	ssyncadd.s32 $0xFFFFFF00  }
0x7a: {  	v30 =	vld.idx.msk [tilespmem:v6+s25+$0x0], $0xffff  }
0x7b: {  	v31 =	vld.idx.msk [tilespmem:v7+s26+$0x0], $0xffff;
	_ =	sdelay $0x4  }
0x7c: {  	v30 =	vadd.f32 v31, v30;
	v31 =	vadd.f32 v31, v26;
	_ =	sdelay $0x1  }
0x7d: {  	v32 =	vmul.f32 $2.000000030e-01, v30;
	v33 =	vmul.f32 $2.000000030e-01, v31  }
0x7e: {  	vm0 =	vge.f32 v30, $0.0e+00;
	vm1 =	vge.f32 v31, $0.0e+00  }
0x7f: {  	v30 =	vsel vm0, v30, v32;
	v31 =	vsel vm1, v31, v33  }
0x80: {  	v30 =	vsub.f32 v30, v31;
	_ =	sdelay $0x1  }
0x81: {  	v30 =	vmul.f32 $1.442695020e+00, v30;
	_ =	sdelay $0x1  }
0x82: {  	(erf) = vpow2.f32 v30;
	_ =	sdelay $0x8  }
0x83: {  	v30 =	vpop (erf)  }
0x84: {  	[tilespmem:v6+s30+$0x0] =	vst.idx.msk $0xffff, v30  }
0x85: {  	v31 =	vld.idx.msk [tilespmem:v8+s25+$0x0], $0xffff  }
0x86: {  	v38 =	vld.idx.msk [tilespmem:v9+s26+$0x0], $0xffff;
	_ =	sdelay $0x4  }
0x87: {  	v31 =	vadd.f32 v38, v31;
	v32 =	vadd.f32 v38, v27;
	_ =	sdelay $0x1  }
0x88: {  	v39 =	vmul.f32 $2.000000030e-01, v31;
	v34 =	vmul.f32 $2.000000030e-01, v32  }
0x89: {  	vm10 =	vge.f32 v31, $0.0e+00;
	vm11 =	vge.f32 v32, $0.0e+00  }
0x8a: {  	v31 =	vsel vm10, v31, v39;
	v32 =	vsel vm11, v32, v34  }
0x8b: {  	v31 =	vsub.f32 v31, v32;
	_ =	sdelay $0x1  }
0x8c: {  	v31 =	vmul.f32 $1.442695020e+00, v31;
	_ =	sdelay $0x1  }
0x8d: {  	(erf) = vpow2.f32 v31;
	_ =	sdelay $0x8  }
0x8e: {  	v31 =	vpop (erf)  }
0x8f: {  	[tilespmem:v8+s30+$0x0] =	vst.idx.msk $0xffff, v31  }
0x90: {  	v40 =	vld.idx.msk [tilespmem:v10+s25+$0x0], $0xffff  }
0x91: {  	v41 =	vld.idx.msk [tilespmem:v11+s26+$0x0], $0xffff;
	_ =	sdelay $0x4  }
0x92: {  	v32 =	vadd.f32 v41, v40;
	v33 =	vadd.f32 v41, v28;
	_ =	sdelay $0x1  }
0x93: {  	v42 =	vmul.f32 $2.000000030e-01, v32;
	v35 =	vmul.f32 $2.000000030e-01, v33  }
0x94: {  	vm12 =	vge.f32 v32, $0.0e+00;
	vm13 =	vge.f32 v33, $0.0e+00  }
0x95: {  	v32 =	vsel vm12, v32, v42;
	v33 =	vsel vm13, v33, v35  }
0x96: {  	v32 =	vsub.f32 v32, v33;
	_ =	sdelay $0x1  }
0x97: {  	v32 =	vmul.f32 $1.442695020e+00, v32;
	_ =	sdelay $0x1  }
0x98: {  	(erf) = vpow2.f32 v32;
	_ =	sdelay $0x8  }
0x99: {  	v32 =	vpop (erf)  }
0x9a: {  	[tilespmem:v10+s30+$0x0] =	vst.idx.msk $0xffff, v32  }
0x9b: {  	v43 =	vld.idx.msk [tilespmem:v12+s25+$0x0], $0xffff  }
0x9c: {  	v44 =	vld.idx.msk [tilespmem:v13+s26+$0x0], $0xffff;
	_ =	sdelay $0x4  }
0x9d: {  	v33 =	vadd.f32 v44, v43;
	v34 =	vadd.f32 v44, v29;
	_ =	sdelay $0x1  }
0x9e: {  	v45 =	vmul.f32 $2.000000030e-01, v33;
	v36 =	vmul.f32 $2.000000030e-01, v34  }
0x9f: {  	vm14 =	vge.f32 v33, $0.0e+00;
	vm15 =	vge.f32 v34, $0.0e+00  }
0xa0: {  	v33 =	vsel vm14, v33, v45;
	v34 =	vsel vm15, v34, v36  }
0xa1: {  	v33 =	vsub.f32 v33, v34;
	_ =	sdelay $0x1  }
0xa2: {  	v33 =	vmul.f32 $1.442695020e+00, v33;
	_ =	sdelay $0x1  }
0xa3: {  	(erf) = vpow2.f32 v33;
	_ =	sdelay $0x8  }
0xa4: {  	v33 =	vpop (erf)  }
0xa5: {  	[tilespmem:v12+s30+$0x0] =	vst.idx.msk $0xffff, v33  }
0xa6: {  	v46 =	vld [tilespmem:$0x10B0]  }
0xa7: {  	v47 =	vld [tilespmem:$0x10C0]  }
0xa8: {  	v48 =	vld [tilespmem:$0x10D0]  }
0xa9: {  	v37 =	vperm.xlane v30, v1;
	v38 =	vld [tilespmem:$0x10E0]  }
0xaa: {  	v39 =	vld [tilespmem:$0x10F0]  }
0xab: {  	v40 =	vperm.xlane v31, v1;
	v41 =	vld [tilespmem:$0x1100];
	v34 =	vmul.f32 v46, v37  }
0xac: {  	v49 =	vld [tilespmem:$0x1110];
	v35 =	vmul.f32 v47, v37  }
0xad: {  	v42 =	vperm.xlane v32, v1;
	v51 =	vld [tilespmem:$0x1120];
	v50 =	vmul.f32 v48, v40;
	[tilespmem:$0x19B0] =	vst v34  }
0xae: {  	v53 =	vld [tilespmem:$0x1140];
	v52 =	vmul.f32 v38, v40;
	[tilespmem:$0x19C0] =	vst v35  }
0xaf: {  	v54 =	vperm.xlane v33, v1;
	v56 =	vld [tilespmem:$0x1150];
	v55 =	vmul.f32 v39, v42;
	[tilespmem:$0x19D0] =	vst v50  }
0xb0: {  	v58 =	vld [tilespmem:$0x1160];
	v57 =	vmul.f32 v41, v42;
	[tilespmem:$0x19E0] =	vst v52  }
0xb1: {  	v60 =	vperm.xlane v30, v2;
	v61 =	vld [tilespmem:$0x1170];
	v59 =	vmul.f32 v49, v54;
	[tilespmem:$0x19F0] =	vst v55  }
0xb2: {  	v63 =	vld [tilespmem:$0x1180];
	v62 =	vmul.f32 v51, v54;
	[tilespmem:$0x1A00] =	vst v57  }
0xb3: {  	v45 =	vperm.xlane v31, v2;
	v38 =	vmul.f32 v53, v60;
	v46 =	vld [tilespmem:$0x1190];
	[tilespmem:$0x1A10] =	vst v59  }
0xb4: {  	v47 =	vmul.f32 v56, v60;
	v48 =	vld [tilespmem:$0x11A0];
	[tilespmem:$0x1A20] =	vst v62  }
0xb5: {  	v49 =	vperm.xlane v32, v2;
	v51 =	vld [tilespmem:$0x11B0];
	[tilespmem:$0x1A40] =	vst v38;
	v50 =	vmul.f32 v58, v45  }
0xb6: {  	v54 =	vld [tilespmem:$0x11E0];
	[tilespmem:$0x1A50] =	vst v47;
	v34 =	vmul.f32 v61, v45  }
0xb7: {  	v53 =	vperm.xlane v33, v2;
	v56 =	vld [tilespmem:$0x11F0];
	v36 =	vmul.f32 v63, v49;
	[tilespmem:$0x1A60] =	vst v50  }
0xb8: {  	v52 =	vld [tilespmem:$0x11D0];
	[tilespmem:$0x1A70] =	vst v34;
	v55 =	vmul.f32 v46, v49  }
0xb9: {  	v58 =	vperm.xlane v30, v3;
	v59 =	vld [tilespmem:$0x1200];
	[tilespmem:$0x1A80] =	vst v36;
	v57 =	vmul.f32 v48, v53  }
0xba: {  	v61 =	vld [tilespmem:$0x1210];
	v62 =	vperm.xlane v31, v3;
	v60 =	vmul.f32 v51, v53;
	[tilespmem:$0x1A90] =	vst v55  }
0xbb: {  	v63 =	vld [tilespmem:$0x1220];
	v45 =	vmul.f32 v54, v58;
	[tilespmem:$0x1AA0] =	vst v57  }
0xbc: {  	v46 =	vld [tilespmem:$0x1230];
	v48 =	vmul.f32 v56, v62;
	[tilespmem:$0x1AB0] =	vst v60  }
0xbd: {  	v47 =	vperm.xlane v32, v3;
	v49 =	vld [tilespmem:$0x1240];
	v35 =	vmul.f32 v52, v58;
	[tilespmem:$0x1AE0] =	vst v45  }
0xbe: {  	v51 =	vld [tilespmem:$0x1260];
	v50 =	vmul.f32 v59, v62;
	[tilespmem:$0x1AF0] =	vst v48  }
0xbf: {  	v54 =	vld [tilespmem:$0x1270];
	v52 =	vperm.xlane v33, v3;
	v53 =	vmul.f32 v61, v47;
	[tilespmem:$0x1AD0] =	vst v35  }
0xc0: {  	v56 =	vld [tilespmem:$0x1280];
	v55 =	vmul.f32 v63, v47;
	[tilespmem:$0x1B00] =	vst v50  }
0xc1: {  	v58 =	vperm.xlane v30, v4;
	v59 =	vld [tilespmem:$0x1290];
	[tilespmem:$0x1B10] =	vst v53;
	v57 =	vmul.f32 v46, v52  }
0xc2: {  	v61 =	vld [tilespmem:$0x12A0];
	[tilespmem:$0x1B20] =	vst v55;
	v60 =	vmul.f32 v49, v52  }
0xc3: {  	v62 =	vperm.xlane v31, v4;
	v63 =	vld [tilespmem:$0x12B0];
	v36 =	vmul.f32 v51, v58;
	[tilespmem:$0x1B30] =	vst v57  }
0xc4: {  	v45 =	vmul.f32 v54, v58;
	v46 =	vld [tilespmem:$0x12C0];
	[tilespmem:$0x1B40] =	vst v60  }
0xc5: {  	v47 =	vperm.xlane v32, v4;
	v48 =	vmul.f32 v56, v62;
	v49 =	vld [tilespmem:$0x12D0];
	[tilespmem:$0x1B60] =	vst v36  }
0xc6: {  	v51 =	vld [tilespmem:$0x12F0];
	[tilespmem:$0x1B70] =	vst v45;
	v50 =	vmul.f32 v59, v62  }
0xc7: {  	v52 =	vperm.xlane v33, v4;
	v54 =	vld [tilespmem:$0x1300];
	[tilespmem:$0x1B80] =	vst v48;
	v53 =	vmul.f32 v61, v47  }
0xc8: {  	v56 =	vld [tilespmem:$0x1310];
	v55 =	vmul.f32 v63, v47;
	[tilespmem:$0x1B90] =	vst v50  }
0xc9: {  	v58 =	vperm.xlane v30, v14;
	v59 =	vld [tilespmem:$0x1320];
	[tilespmem:$0x1BA0] =	vst v53;
	v57 =	vmul.f32 v46, v52  }
0xca: {  	v61 =	vld [tilespmem:$0x1330];
	[tilespmem:$0x1BB0] =	vst v55;
	v60 =	vmul.f32 v49, v52  }
0xcb: {  	v62 =	vperm.xlane v31, v14;
	v63 =	vld [tilespmem:$0x1340];
	v35 =	vmul.f32 v51, v58;
	[tilespmem:$0x1BC0] =	vst v57  }
0xcc: {  	v45 =	vmul.f32 v54, v58;
	v46 =	vld [tilespmem:$0x1350];
	[tilespmem:$0x1BD0] =	vst v60  }
0xcd: {  	v47 =	vperm.xlane v32, v14;
	v48 =	vmul.f32 v56, v62;
	v49 =	vld [tilespmem:$0x1360];
	[tilespmem:$0x1BF0] =	vst v35  }
0xce: {  	v51 =	vld [tilespmem:$0x1380];
	[tilespmem:$0x1C00] =	vst v45;
	v50 =	vmul.f32 v59, v62  }
0xcf: {  	v52 =	vperm.xlane v33, v14;
	v54 =	vld [tilespmem:$0x1390];
	[tilespmem:$0x1C10] =	vst v48;
	v53 =	vmul.f32 v61, v47  }
0xd0: {  	v56 =	vld [tilespmem:$0x13A0];
	v55 =	vmul.f32 v63, v47;
	[tilespmem:$0x1C20] =	vst v50  }
0xd1: {  	v58 =	vperm.xlane v30, v15;
	v59 =	vld [tilespmem:$0x13B0];
	[tilespmem:$0x1C30] =	vst v53;
	v57 =	vmul.f32 v46, v52  }
0xd2: {  	v61 =	vld [tilespmem:$0x13C0];
	[tilespmem:$0x1C40] =	vst v55;
	v60 =	vmul.f32 v49, v52  }
0xd3: {  	v62 =	vperm.xlane v31, v15;
	v63 =	vld [tilespmem:$0x13D0];
	v36 =	vmul.f32 v51, v58;
	[tilespmem:$0x1C50] =	vst v57  }
0xd4: {  	v45 =	vmul.f32 v54, v58;
	v46 =	vld [tilespmem:$0x13E0];
	[tilespmem:$0x1C60] =	vst v60  }
0xd5: {  	v47 =	vperm.xlane v32, v15;
	v48 =	vmul.f32 v56, v62;
	v49 =	vld [tilespmem:$0x13F0];
	[tilespmem:$0x1C80] =	vst v36  }
0xd6: {  	v51 =	vld [tilespmem:$0x1410];
	[tilespmem:$0x1C90] =	vst v45;
	v50 =	vmul.f32 v59, v62  }
0xd7: {  	v52 =	vperm.xlane v33, v15;
	v54 =	vld [tilespmem:$0x1420];
	[tilespmem:$0x1CA0] =	vst v48;
	v53 =	vmul.f32 v61, v47  }
0xd8: {  	v56 =	vld [tilespmem:$0x1430];
	v55 =	vmul.f32 v63, v47;
	[tilespmem:$0x1CB0] =	vst v50  }
0xd9: {  	v58 =	vperm.xlane v30, v16;
	v59 =	vld [tilespmem:$0x1440];
	[tilespmem:$0x1CC0] =	vst v53;
	v57 =	vmul.f32 v46, v52  }
0xda: {  	v61 =	vld [tilespmem:$0x1450];
	[tilespmem:$0x1CD0] =	vst v55;
	v60 =	vmul.f32 v49, v52  }
0xdb: {  	v62 =	vperm.xlane v31, v16;
	v63 =	vld [tilespmem:$0x1460];
	v35 =	vmul.f32 v51, v58;
	[tilespmem:$0x1CE0] =	vst v57  }
0xdc: {  	v45 =	vmul.f32 v54, v58;
	v46 =	vld [tilespmem:$0x1470];
	[tilespmem:$0x1CF0] =	vst v60  }
0xdd: {  	v47 =	vperm.xlane v32, v16;
	v48 =	vmul.f32 v56, v62;
	v49 =	vld [tilespmem:$0x1480];
	[tilespmem:$0x1D10] =	vst v35  }
0xde: {  	v51 =	vld [tilespmem:$0x14A0];
	[tilespmem:$0x1D20] =	vst v45;
	v50 =	vmul.f32 v59, v62  }
0xdf: {  	v52 =	vperm.xlane v33, v16;
	v54 =	vld [tilespmem:$0x14B0];
	[tilespmem:$0x1D30] =	vst v48;
	v53 =	vmul.f32 v61, v47  }
0xe0: {  	v56 =	vld [tilespmem:$0x14C0];
	v55 =	vmul.f32 v63, v47;
	[tilespmem:$0x1D40] =	vst v50  }
0xe1: {  	v58 =	vperm.xlane v30, v17;
	v59 =	vld [tilespmem:$0x14D0];
	[tilespmem:$0x1D50] =	vst v53;
	v57 =	vmul.f32 v46, v52  }
0xe2: {  	v61 =	vld [tilespmem:$0x14E0];
	[tilespmem:$0x1D60] =	vst v55;
	v60 =	vmul.f32 v49, v52  }
0xe3: {  	v62 =	vperm.xlane v31, v17;
	v63 =	vld [tilespmem:$0x14F0];
	v36 =	vmul.f32 v51, v58;
	[tilespmem:$0x1D70] =	vst v57  }
0xe4: {  	v45 =	vmul.f32 v54, v58;
	v46 =	vld [tilespmem:$0x1500];
	[tilespmem:$0x1D80] =	vst v60  }
0xe5: {  	v47 =	vperm.xlane v32, v17;
	v48 =	vmul.f32 v56, v62;
	v49 =	vld [tilespmem:$0x1510];
	[tilespmem:$0x1DA0] =	vst v36  }
0xe6: {  	v51 =	vld [tilespmem:$0x1530];
	[tilespmem:$0x1DB0] =	vst v45;
	v50 =	vmul.f32 v59, v62  }
0xe7: {  	v52 =	vperm.xlane v33, v17;
	v54 =	vld [tilespmem:$0x1540];
	[tilespmem:$0x1DC0] =	vst v48;
	v53 =	vmul.f32 v61, v47  }
0xe8: {  	v56 =	vld [tilespmem:$0x1550];
	v55 =	vmul.f32 v63, v47;
	[tilespmem:$0x1DD0] =	vst v50  }
0xe9: {  	v58 =	vperm.xlane v30, v18;
	v59 =	vld [tilespmem:$0x1560];
	[tilespmem:$0x1DE0] =	vst v53;
	v57 =	vmul.f32 v46, v52  }
0xea: {  	v61 =	vld [tilespmem:$0x1570];
	[tilespmem:$0x1DF0] =	vst v55;
	v60 =	vmul.f32 v49, v52  }
0xeb: {  	v62 =	vperm.xlane v31, v18;
	v63 =	vld [tilespmem:$0x1580];
	v35 =	vmul.f32 v51, v58;
	[tilespmem:$0x1E00] =	vst v57  }
0xec: {  	v45 =	vmul.f32 v54, v58;
	v46 =	vld [tilespmem:$0x1590];
	[tilespmem:$0x1E10] =	vst v60  }
0xed: {  	v47 =	vperm.xlane v32, v18;
	v48 =	vmul.f32 v56, v62;
	v49 =	vld [tilespmem:$0x15A0];
	[tilespmem:$0x1E30] =	vst v35  }
0xee: {  	v51 =	vld [tilespmem:$0x15C0];
	[tilespmem:$0x1E40] =	vst v45;
	v50 =	vmul.f32 v59, v62  }
0xef: {  	v52 =	vperm.xlane v33, v18;
	v54 =	vld [tilespmem:$0x15D0];
	[tilespmem:$0x1E50] =	vst v48;
	v53 =	vmul.f32 v61, v47  }
0xf0: {  	v56 =	vld [tilespmem:$0x15E0];
	v55 =	vmul.f32 v63, v47;
	[tilespmem:$0x1E60] =	vst v50  }
0xf1: {  	v58 =	vperm.xlane v30, v19;
	v59 =	vld [tilespmem:$0x15F0];
	[tilespmem:$0x1E70] =	vst v53;
	v57 =	vmul.f32 v46, v52  }
0xf2: {  	v61 =	vld [tilespmem:$0x1600];
	[tilespmem:$0x1E80] =	vst v55;
	v60 =	vmul.f32 v49, v52  }
0xf3: {  	v62 =	vperm.xlane v31, v19;
	v63 =	vld [tilespmem:$0x1610];
	v36 =	vmul.f32 v51, v58;
	[tilespmem:$0x1E90] =	vst v57  }
0xf4: {  	v45 =	vld [tilespmem:$0x1620];
	v44 =	vmul.f32 v54, v58;
	[tilespmem:$0x1EA0] =	vst v60  }
0xf5: {  	v48 =	vld [tilespmem:$0x1630];
	v46 =	vperm.xlane v32, v19;
	v47 =	vmul.f32 v56, v62;
	[tilespmem:$0x1EC0] =	vst v36  }
0xf6: {  	v50 =	vld [tilespmem:$0x1650];
	[tilespmem:$0x1ED0] =	vst v44;
	v49 =	vmul.f32 v59, v62  }
0xf7: {  	v53 =	vld [tilespmem:$0x1660];
	v51 =	vperm.xlane v33, v19;
	[tilespmem:$0x1EE0] =	vst v47;
	v52 =	vmul.f32 v61, v46  }
0xf8: {  	v55 =	vld [tilespmem:$0x1670];
	v54 =	vmul.f32 v63, v46;
	[tilespmem:$0x1EF0] =	vst v49  }
0xf9: {  	v58 =	vld [tilespmem:$0x1680];
	v56 =	vmul.f32 v45, v51;
	v57 =	vperm.xlane v30, v20;
	[tilespmem:$0x1F00] =	vst v52  }
0xfa: {  	v59 =	vmul.f32 v48, v51;
	v60 =	vld [tilespmem:$0x1690];
	[tilespmem:$0x1F10] =	vst v54  }
0xfb: {  	v61 =	vperm.xlane v31, v20;
	v62 =	vld [tilespmem:$0x16A0];
	[tilespmem:$0x1F20] =	vst v56;
	v35 =	vmul.f32 v50, v57  }
0xfc: {  	v44 =	vld [tilespmem:$0x16B0];
	[tilespmem:$0x1F30] =	vst v59;
	v63 =	vmul.f32 v53, v57  }
0xfd: {  	v45 =	vperm.xlane v32, v20;
	v47 =	vld [tilespmem:$0x16C0];
	v46 =	vmul.f32 v55, v61;
	[tilespmem:$0x1F50] =	vst v35  }
0xfe: {  	v49 =	vld [tilespmem:$0x16E0];
	v48 =	vmul.f32 v58, v61;
	[tilespmem:$0x1F60] =	vst v63  }
0xff: {  	v50 =	vperm.xlane v33, v20;
	v52 =	vld [tilespmem:$0x16F0];
	[tilespmem:$0x1F70] =	vst v46;
	v51 =	vmul.f32 v60, v45  }
0x100: {  	v54 =	vld [tilespmem:$0x1700];
	[tilespmem:$0x1F80] =	vst v48;
	v53 =	vmul.f32 v62, v45  }
0x101: {  	v56 =	vperm.xlane v30, v21;
	v57 =	vld [tilespmem:$0x1710];
	v55 =	vmul.f32 v44, v50;
	[tilespmem:$0x1F90] =	vst v51  }
0x102: {  	v59 =	vld [tilespmem:$0x1720];
	v58 =	vmul.f32 v47, v50;
	[tilespmem:$0x1FA0] =	vst v53  }
0x103: {  	v61 =	vld [tilespmem:$0x1730];
	v60 =	vperm.xlane v31, v21;
	[tilespmem:$0x1FB0] =	vst v55;
	v36 =	vmul.f32 v49, v56  }
0x104: {  	v63 =	vld [tilespmem:$0x1740];
	[tilespmem:$0x1FC0] =	vst v58;
	v62 =	vmul.f32 v52, v56  }
0x105: {  	v45 =	vperm.xlane v32, v21;
	v47 =	vld [tilespmem:$0x1750];
	v46 =	vmul.f32 v54, v60;
	[tilespmem:$0x1FE0] =	vst v36  }
0x106: {  	v48 =	vmul.f32 v57, v60;
	v49 =	vld [tilespmem:$0x1770];
	[tilespmem:$0x1FF0] =	vst v62  }
0x107: {  	v50 =	vperm.xlane v33, v21;
	v51 =	vmul.f32 v59, v45;
	v52 =	vld [tilespmem:$0x1780];
	[tilespmem:$0x2000] =	vst v46  }
0x108: {  	v54 =	vld [tilespmem:$0x1790];
	v53 =	vmul.f32 v61, v45;
	[tilespmem:$0x2010] =	vst v48  }
0x109: {  	v56 =	vperm.xlane v30, v22;
	v57 =	vld [tilespmem:$0x17A0];
	[tilespmem:$0x2020] =	vst v51;
	v55 =	vmul.f32 v63, v50  }
0x10a: {  	v59 =	vld [tilespmem:$0x17B0];
	[tilespmem:$0x2030] =	vst v53;
	v58 =	vmul.f32 v47, v50  }
0x10b: {  	v60 =	vperm.xlane v31, v22;
	v61 =	vld [tilespmem:$0x17C0];
	[tilespmem:$0x2040] =	vst v55;
	v35 =	vmul.f32 v49, v56  }
0x10c: {  	v63 =	vld [tilespmem:$0x17D0];
	[tilespmem:$0x2050] =	vst v58;
	v62 =	vmul.f32 v52, v56  }
0x10d: {  	v44 =	vperm.xlane v32, v22;
	v46 =	vld [tilespmem:$0x17E0];
	v45 =	vmul.f32 v54, v60;
	[tilespmem:$0x2070] =	vst v35  }
0x10e: {  	v48 =	vld [tilespmem:$0x1800];
	v47 =	vmul.f32 v57, v60;
	[tilespmem:$0x2080] =	vst v62  }
0x10f: {  	v51 =	vld [tilespmem:$0x1810];
	v49 =	vperm.xlane v33, v22;
	v50 =	vmul.f32 v59, v44;
	[tilespmem:$0x2090] =	vst v45  }
0x110: {  	v53 =	vld [tilespmem:$0x1820];
	v52 =	vmul.f32 v61, v44;
	[tilespmem:$0x20A0] =	vst v47  }
0x111: {  	v55 =	vperm.xlane v30, v23;
	v56 =	vld [tilespmem:$0x1830];
	[tilespmem:$0x20B0] =	vst v50;
	v54 =	vmul.f32 v63, v49  }
0x112: {  	v58 =	vld [tilespmem:$0x1840];
	v57 =	vmul.f32 v46, v49;
	[tilespmem:$0x20C0] =	vst v52  }
0x113: {  	v59 =	vperm.xlane v31, v23;
	v60 =	vld [tilespmem:$0x1850];
	v36 =	vmul.f32 v48, v55;
	[tilespmem:$0x20D0] =	vst v54  }
0x114: {  	v61 =	vmul.f32 v51, v55;
	v62 =	vld [tilespmem:$0x1860];
	[tilespmem:$0x20E0] =	vst v57  }
0x115: {  	v63 =	vperm.xlane v32, v23;
	v46 =	vld [tilespmem:$0x1870];
	v45 =	vmul.f32 v53, v59;
	[tilespmem:$0x2100] =	vst v36  }
0x116: {  	v48 =	vld [tilespmem:$0x1890];
	[tilespmem:$0x2110] =	vst v61;
	v47 =	vmul.f32 v56, v59  }
0x117: {  	v49 =	vperm.xlane v33, v23;
	v51 =	vld [tilespmem:$0x18A0];
	[tilespmem:$0x2120] =	vst v45;
	v50 =	vmul.f32 v58, v63  }
0x118: {  	v53 =	vld [tilespmem:$0x18B0];
	v52 =	vmul.f32 v60, v63;
	[tilespmem:$0x2130] =	vst v47  }
0x119: {  	v55 =	vperm.xlane v30, v24;
	v56 =	vld [tilespmem:$0x18C0];
	[tilespmem:$0x2140] =	vst v50;
	v54 =	vmul.f32 v62, v49  }
0x11a: {  	v58 =	vld [tilespmem:$0x18D0];
	[tilespmem:$0x2150] =	vst v52;
	v57 =	vmul.f32 v46, v49  }
0x11b: {  	v59 =	vperm.xlane v31, v24;
	v60 =	vld [tilespmem:$0x18E0];
	v35 =	vmul.f32 v48, v55;
	[tilespmem:$0x2160] =	vst v54  }
0x11c: {  	v45 =	vld [tilespmem:$0x1900];
	v61 =	vmul.f32 v51, v55;
	[tilespmem:$0x2170] =	vst v57  }
0x11d: {  	v63 =	vperm.xlane v32, v24;
	v62 =	vld [tilespmem:$0x18F0];
	v44 =	vmul.f32 v53, v59;
	[tilespmem:$0x2190] =	vst v35  }
0x11e: {  	v47 =	vld [tilespmem:$0x1920];
	[tilespmem:$0x21A0] =	vst v61;
	v46 =	vmul.f32 v56, v59  }
0x11f: {  	v48 =	vperm.xlane v33, v24;
	v50 =	vld [tilespmem:$0x1930];
	[tilespmem:$0x21B0] =	vst v44;
	v49 =	vmul.f32 v58, v63  }
0x120: {  	v52 =	vld [tilespmem:$0x1940];
	v51 =	vmul.f32 v60, v63;
	[tilespmem:$0x21C0] =	vst v46  }
0x121: {  	v30 =	vperm.xlane v30, v25;
	v54 =	vld [tilespmem:$0x1950];
	v55 =	vmul.f32 v45, v48;
	[tilespmem:$0x21D0] =	vst v49  }
0x122: {  	v56 =	vld [tilespmem:$0x1960];
	v53 =	vmul.f32 v62, v48;
	[tilespmem:$0x21E0] =	vst v51  }
0x123: {  	v31 =	vperm.xlane v31, v25;
	v58 =	vld [tilespmem:$0x1970];
	v57 =	vmul.f32 v47, v30;
	[tilespmem:$0x2200] =	vst v55  }
0x124: {  	v59 =	vld [tilespmem:$0x1980];
	v30 =	vmul.f32 v50, v30;
	[tilespmem:$0x21F0] =	vst v53  }
0x125: {  	v32 =	vperm.xlane v32, v25;
	v61 =	vld [tilespmem:$0x1990];
	v60 =	vmul.f32 v52, v31;
	[tilespmem:$0x2220] =	vst v57  }
0x126: {  	[tilespmem:$0x2230] =	vst v30;
	v30 =	vmul.f32 v54, v31  }
0x127: {  	v31 =	vperm.xlane v33, v25;
	[tilespmem:$0x2240] =	vst v60;
	v62 =	vmul.f32 v56, v32  }
0x128: {  	[tilespmem:$0x2250] =	vst v30;
	v30 =	vmul.f32 v58, v32  }
0x129: {  	v63 =	vmul.f32 v59, v31;
	[tilespmem:$0x2260] =	vst v62  }
0x12a: {  	[tilespmem:$0x2270] =	vst v30;
	v30 =	vmul.f32 v61, v31  }
0x12b: {  	[tilespmem:$0x2280] =	vst v63  }
0x12c: {  	[tilespmem:$0x2290] =	vst v30  }
0x12d: {  	[spmem:s2] =	stream.indirect.scatter.add.f32 [tilespmem:s30], [sflag:$0x3], $0x90, s23, s28, $0xb8;
	[tilespmem:$0x182E0] =	vst v63  }
0x12e: {  	_ =	swait.ge [sflag:s21], $0x90  }
0x12f: {  	s0 =	rddreg [dreg:$0x8];
	[sflag:s21] =	ssyncset.done $0x0  }
0x130: {  	s8 =	rddreg [dreg:$0x9];
	[sflag:s21] =	ssyncadd.s32 $0xFFFFFF70  }
0x131: {  	[spmem:s2] =	stream.indirect.scatter.add.f32 [tilespmem:s8], [sflag:$0x3], $0x90, s0, s28, $0xb8;
	[tilespmem:$0x182E0] =	vst v63  }
0x132: {  	_ =	swait.ge [sflag:s21], $0x90  }
0x133: {  	s0 =	rddreg [dreg:$0xa];
	[sflag:s21] =	ssyncset.done $0x0  }
0x134: {  	s8 =	rddreg [dreg:$0xb];
	[sflag:s21] =	ssyncadd.s32 $0xFFFFFF70  }
0x135: {  	[spmem:s2] =	stream.indirect.scatter.add.f32 [tilespmem:s8], [sflag:$0x3], $0x90, s0, s28, $0xb8;
	[tilespmem:$0x182E0] =	vst v63  }
0x136: {  	_ =	swait.ge [sflag:s21], $0x90  }
0x137: {  	s0 =	rddreg [dreg:$0xc];
	[sflag:s21] =	ssyncset.done $0x0  }
0x138: {  	s8 =	rddreg [dreg:$0xd];
	[sflag:s21] =	ssyncadd.s32 $0xFFFFFF70  }
0x139: {  	[spmem:s2] =	stream.indirect.scatter.add.f32 [tilespmem:s8], [sflag:$0x3], $0x90, s0, s28, $0xb8;
	[tilespmem:$0x182E0] =	vst v63  }
0x13a: {  	_ =	swait.ge [sflag:s21], $0x90  }
0x13b: {  	s0 =	rddreg [dreg:$0xe];
	[sflag:s21] =	ssyncset.done $0x0  }
0x13c: {  	s8 =	rddreg [dreg:$0xf];
	[sflag:s21] =	ssyncadd.s32 $0xFFFFFF70  }
0x13d: {  	[spmem:s2] =	stream.indirect.scatter.add.f32 [tilespmem:s8], [sflag:$0x3], $0x90, s0, s28, $0xb8;
	[tilespmem:$0x182E0] =	vst v63  }
0x13e: {  	_ =	swait.ge [sflag:s21], $0x90  }
0x13f: {  	s0 =	rddreg [dreg:$0x10];
	[sflag:s21] =	ssyncset.done $0x0  }
0x140: {  	s8 =	rddreg [dreg:$0x11];
	[sflag:s21] =	ssyncadd.s32 $0xFFFFFF70  }
0x141: {  	[spmem:s2] =	stream.indirect.scatter.add.f32 [tilespmem:s8], [sflag:$0x3], $0x90, s0, s28, $0xb8;
	[tilespmem:$0x182E0] =	vst v63  }
0x142: {  	_ =	swait.ge [sflag:s21], $0x90  }
0x143: {  	[sflag:s21] =	ssyncset.done $0x0  }
0x144: {  	s22 =	simm.s32 $0x1D10;
	s8 =	rddreg [dreg:$0x12];
	[sflag:s21] =	ssyncadd.s32 $0xFFFFFF70  }
0x145: {  	[spmem:s2] =	stream.indirect.scatter.add.f32 [tilespmem:s22], [sflag:$0x3], $0x90, s8, s28, $0xb8;
	[tilespmem:$0x182E0] =	vst v63  }
0x146: {  	_ =	swait.ge [sflag:s21], $0x90  }
0x147: {  	[sflag:s21] =	ssyncset.done $0x0  }
0x148: {  	s31 =	simm.s32 $0x2308;
	[sflag:s21] =	ssyncadd.s32 $0xFFFFFF70  }
0x149: {  	[spmem:s2] =	stream.indirect.scatter.add.f32 [tilespmem:s3], [sflag:$0x3], $0x90, s31, s28, $0xb8;
	[tilespmem:$0x182E0] =	vst v63  }
0x14a: {  	_ =	swait.ge [sflag:s21], $0x90  }
0x14b: {  	[sflag:s21] =	ssyncset.done $0x0  }
0x14c: {  	[sflag:s21] =	ssyncadd.s32 $0xFFFFFF70  }
0x14d: {  	[spmem:s2] =	stream.indirect.scatter.add.f32 [tilespmem:s5], [sflag:$0x3], $0x90, s20, s28, $0xb8;
	[tilespmem:$0x182E0] =	vst v63  }
0x14e: {  	_ =	swait.ge [sflag:s21], $0x90  }
0x14f: {  	[sflag:s21] =	ssyncset.done $0x0  }
0x150: {  	[sflag:s21] =	ssyncadd.s32 $0xFFFFFF70  }
0x151: {  	[spmem:s2] =	stream.indirect.scatter.add.f32 [tilespmem:s9], [sflag:$0x3], $0x90, s6, s28, $0xb8;
	[tilespmem:$0x182E0] =	vst v63  }
0x152: {  	_ =	swait.ge [sflag:s21], $0x90  }
0x153: {  	[sflag:s21] =	ssyncset.done $0x0  }
0x154: {  	[sflag:s21] =	ssyncadd.s32 $0xFFFFFF70  }
0x155: {  	[spmem:s2] =	stream.indirect.scatter.add.f32 [tilespmem:s11], [sflag:$0x3], $0x90, s10, s28, $0xb8;
	[tilespmem:$0x182E0] =	vst v63  }
0x156: {  	_ =	swait.ge [sflag:s21], $0x90  }
0x157: {  	[sflag:s21] =	ssyncset.done $0x0  }
0x158: {  	[sflag:s21] =	ssyncadd.s32 $0xFFFFFF70  }
0x159: {  	[spmem:s2] =	stream.indirect.scatter.add.f32 [tilespmem:s13], [sflag:$0x3], $0x90, s12, s28, $0xb8;
	[tilespmem:$0x182E0] =	vst v63  }
0x15a: {  	_ =	swait.ge [sflag:s21], $0x90  }
0x15b: {  	[sflag:s21] =	ssyncset.done $0x0  }
0x15c: {  	[sflag:s21] =	ssyncadd.s32 $0xFFFFFF70  }
0x15d: {  	[spmem:s2] =	stream.indirect.scatter.add.f32 [tilespmem:s15], [sflag:$0x3], $0x90, s14, s28, $0xb8;
	[tilespmem:$0x182E0] =	vst v63  }
0x15e: {  	_ =	swait.ge [sflag:s21], $0x90  }
0x15f: {  	[sflag:s21] =	ssyncset.done $0x0  }
0x160: {  	[sflag:s21] =	ssyncadd.s32 $0xFFFFFF70  }
0x161: {  	[spmem:s2] =	stream.indirect.scatter.add.f32 [tilespmem:s17], [sflag:$0x3], $0x90, s16, s28, $0xb8;
	[tilespmem:$0x182E0] =	vst v63  }
0x162: {  	_ =	swait.ge [sflag:s21], $0x90  }
0x163: {  	[sflag:s21] =	ssyncset.done $0x0  }
0x164: {  	[sflag:s21] =	ssyncadd.s32 $0xFFFFFF70  }
0x165: {  	[spmem:s2] =	stream.indirect.scatter.add.f32 [tilespmem:s19], [sflag:$0x3], $0x90, s18, s28, $0xb8;
	[tilespmem:$0x182E0] =	vst v63  }
0x166: {  	_ =	swait.ge [sflag:s21], $0x90  }
0x167: {  	p0 =	sne.s32 s4, $0x1F00;
	[sflag:s21] =	ssyncset.done $0x0  }
.Ltmp0:
0x168: {  	[sflag:s21] =	ssyncadd.s32 $0xFFFFFF70;
	(pc) =	sbr.rel @p0 .LBB2_3-.Ltmp0, $4  }
0x169: {  	[spmem:s2] =	stream.indirect.scatter.add.f32 [tilespmem:s1], [sflag:$0x3], $0x90, s7, s28, $0xb8;
	[tilespmem:$0x182E0] =	vst v63  }
0x16a: {  	_ =	swait.ge [sflag:s21], $0x90  }
0x16b: {  	[sflag:s21] =	ssyncset.done $0x0  }
0x16c: {  	s4 =	sadd.s32 $0x40, s4;
	[sflag:s21] =	ssyncadd.s32 $0xFFFFFF70  }
0x16d: {  	s0 =	sld [smem:$0x7F4];
	_ =	sdelay $0x2  }
0x16e: {  	s0 =	sadd.s32 $0x1, s0  }
0x16f: {  	p0 =	sne.s32 s0, $0x5  }
.Ltmp1:
0x170: {  	_ = 	snop;
	(pc) =	sbr.rel @p0 .LBB2_2-.Ltmp1, $1  }
0x171: {  	_ =	sdelay $0x3  }
0x172: {  	[bflag:$0x0] =	sbarrier.arrive $0xFFFF  }
0x173: {  	s4 =	sld [smem:$0x7FA]  }
0x174: {  	s8 =	sld [smem:$0x7F6];
	_ =	sdelay $0x1  }
0x175: {  	s0 =	rddreg [dreg:$0x1c]  }
0x176: {  	[hbm:s0], [sflag:s4] =	dma.local [spmem:s8], $0x8CA  }
0x177: {  	_ =	swait.ge [sflag:s21], $0x8CA  }
0x178: {  	s31 =	sld [smem:$0x7F7]  }
0x179: {  	[sflag:s21] =	ssyncset.done $0x0  }
0x17a: {  	s22 =	rddreg [dreg:$0x1d];
	[sflag:s21] =	ssyncadd.s32 $0xFFFFF736  }
0x17b: {  	[hbm:s22], [sflag:s4] =	dma.local [spmem:s31], $0x8CA  }
0x17c: {  	_ =	swait.ge [sflag:s21], $0x8CA  }
0x17d: {  	s31 =	sld [smem:$0x7F8]  }
0x17e: {  	[sflag:s21] =	ssyncset.done $0x0  }
0x17f: {  	s22 =	rddreg [dreg:$0x1e];
	[sflag:s21] =	ssyncadd.s32 $0xFFFFF736  }
0x180: {  	[hbm:s22], [sflag:s4] =	dma.local [spmem:s31], $0x8CA  }
0x181: {  	_ =	swait.ge [sflag:s21], $0x8CA  }
0x182: {  	s31 =	sld [smem:$0x7F9]  }
0x183: {  	[sflag:s21] =	ssyncset.done $0x0  }
0x184: {  	s22 =	rddreg [dreg:$0x1f];
	[sflag:s21] =	ssyncadd.s32 $0xFFFFF736  }
0x185: {  	[hbm:s22], [sflag:s4] =	dma.local [spmem:s31], $0x8CA  }
0x186: {  	_ =	swait.ge [sflag:s21], $0x8CA  }
0x187: {  	s22 =	sld [smem:$0x7FC]  }
0x188: {  	s31 =	sld [smem:$0x7FB]  }
0x189: {  	[sflag:s21] =	ssyncset.done $0x0  }
0x18a: {  	[sflag:s21] =	ssyncadd.s32 $0xFFFFF736  }
0x18b: {  	[hbm:s22], [sflag:s4] =	dma.local [spmem:s31], $0x8CA  }
0x18c: {  	_ =	swait.ge [sflag:s21], $0x8CA  }
0x18d: {  	s22 =	sld [smem:$0x7F5]  }
0x18e: {  	s31 =	sld [smem:$0x7FD];
	_ =	sdelay $0x1  }
0x18f: {  	s4 =	sadd.s32 $0x1, s22  }
0x190: {  	p0 =	sne.s32 s4, s31  }
.Ltmp2:
0x191: {  	_ = 	snop;
	(pc) =	sbr.rel @p0 .LBB2_1-.Ltmp2, $3  }
0x192: {  	_ =	sdelay $0x1  }
0x193: {  	[sflag:s21] =	ssyncset.done $0x0  }
0x194: {  	[sflag:s21] =	ssyncadd.s32 $0xFFFFF736  }
0x195: {  	_ =	sfence.sel $0x180000  }
0x196: {  	[bflag:$0x0] =	sbarrier.arrive $0xFFFF  }
0x197: {  	_ =	strace $0x90000047  }
0x198: {  	s0 =	stileid.u32;
	[bflag:$0x2] =	sbarrier.arrive $0xFFFF  }
0x199: {  	p0 =	sne.s32 s0, $0x0;
	s0 =	rddreg [dreg:$0x3]  }
0x19a: {  	s0 =	sadd.s32 @!p0 $0x100000, s0  }
0x19b: {  	[sflag:s0] =	ssyncadd.tile.s32 @!p0 $0x1;
	_ =	shalt  }
.Lfunc_end2:
_tile_overlayer_lowered:
.L_overlay_start_2:
0x19c: {  	(tag) =	ssettag $0x2  }
0x19d: {  	s0 =	rddreg [dreg:$0x0];
	s2 =	stileid.u32  }
0x19e: {  	s1 =	rddreg [dreg:$0x1];
	p0 =	sne.s32 s2, $0x0  }
0x19f: {  	s3 =	rddreg [dreg:$0x2];
	[bflag:$0x3] =	sbarrier.arrive $0xFFFF;
	s2 =	simm.s32 @!p0 $0x1C03  }
0x1a0: {  	[timem:s3], [sflag:s2] =	dma.local @!p0 [hbm:s0], s1  }
0x1a1: {  	s0 =	simm.s32 @!p0 $0x3  }
0x1a2: {  	_ =	swait.ge @!p0 [sflag:s0], s1  }
0x1a3: {  	s1 =	ssub.s32 @!p0 $0x0, s1;
	[sflag:s0] =	ssyncset.done @!p0 $0x0  }
0x1a4: {  	[sflag:s0] =	ssyncadd.s32 @!p0 s1  }
0x1a5: {  	[bflag:$0x3] =	sbarrier.arrive $0xFFFF  }
0x1a6: {  	_ =	shalt  }

</sc_bundles>
